<compile_context>
chip_gen: v7x
topology: tpu7x:2x2x1
jax: 0.10.2.dev20260603
libtpu: 0.0.44.dev20260713+nightly
codegen_flags: <defaults>
</compile_context>

<pallas_src>
import functools

import jax
import jax.numpy as jnp
from jax import lax
from jax.experimental import pallas as pl
from jax.experimental.pallas import tpu as pltpu
from jax.experimental.pallas import tpu_sc as plsc

_WAVE = 16


@functools.lru_cache(maxsize=None)
def _build(V, D, B):
    info = plsc.get_sparse_core_info()
    nw = info.num_cores * info.num_subcores
    assert B % (8 * nw) == 0
    b_per_w = B // nw
    n_waves = b_per_w // _WAVE
    assert n_waves % 2 == 0

    mesh = plsc.VectorSubcoreMesh(core_axis_name="c", subcore_axis_name="s")

    @functools.partial(
        pl.kernel,
        mesh=mesh,
        out_type=jax.ShapeDtypeStruct((D, B), jnp.float32),
        compiler_params=pltpu.CompilerParams(needs_layout_passes=False),
        scratch_types=[
            pltpu.VMEM((b_per_w,), jnp.int32),
            pltpu.VMEM((_WAVE, D, 128), jnp.float32),
            pltpu.VMEM((_WAVE, D, 128), jnp.float32),
            pltpu.VMEM((D, b_per_w), jnp.float32),
            pltpu.SemaphoreType.DMA,
            pltpu.SemaphoreType.DMA,
        ],
    )
    def gather_kernel(table_hbm, idx_hbm, out_hbm, idx_v, buf0, buf1,
                      land_v, sem0, sem1):
        wid = lax.axis_index("s") * info.num_cores + lax.axis_index("c")
        base = wid * b_per_w
        pltpu.sync_copy(idx_hbm.at[pl.ds(base, b_per_w)], idx_v)
        iota = lax.iota(jnp.int32, 16)

        def fire(w, buf, sem):
            voff = idx_v[pl.ds(w * _WAVE, _WAVE)] & ~jnp.int32(127)
            for k in range(_WAVE):
                off = pl.multiple_of(voff[k], 128)
                pltpu.async_copy(
                    table_hbm.at[pl.ds(0, D), pl.ds(off, 128)],
                    buf.at[k], sem,
                )

        def select(w, buf, sem):
            for k in range(_WAVE):
                pltpu.make_async_copy(
                    table_hbm.at[pl.ds(0, D), pl.ds(0, 128)], buf.at[k], sem
                ).wait()
            vlane = idx_v[pl.ds(w * _WAVE, _WAVE)] & jnp.int32(127)
            for k in range(_WAVE):
                lane = jnp.full((16,), vlane[k], jnp.int32)
                col = jnp.full((16,), w * _WAVE + k, jnp.int32)
                val = plsc.load_gather(buf.at[k], [iota, lane])
                plsc.store_scatter(land_v, [iota, col], val)

        fire(0, buf0, sem0)
        fire(1, buf1, sem1)

        def pair(p):
            w0 = p * 2
            select(w0, buf0, sem0)

            @pl.when(w0 + 2 < n_waves)
            def _():
                fire(w0 + 2, buf0, sem0)

            select(w0 + 1, buf1, sem1)

            @pl.when(w0 + 3 < n_waves)
            def _():
                fire(w0 + 3, buf1, sem1)

        pl.loop(0, n_waves // 2)(pair)
        pltpu.sync_copy(land_v, out_hbm.at[pl.ds(0, D), pl.ds(base, b_per_w)])

    def run(table, idx):
        out_t = gather_kernel(table.T, idx)
        return out_t.T

    return run


def kernel(subject_embeddings, subject_indices):
    V, D = subject_embeddings.shape
    (B,) = subject_indices.shape
    idx = subject_indices.astype(jnp.int32)
    return _build(V, D, B)(subject_embeddings, idx)

# --- scband reference (transcript-rebuilt; emitter-appended) ---
"""Pipeline reference for scband-embedding-store-45603962749805 (READ-ONLY COPY).

The authoritative reference and input builder live on the scoring server;
editing this copy changes nothing except your own understanding.
"""

import jax, jax.numpy as jnp
import numpy as np

N_SUBJECTS = 1000000
EMBED_DIM = 16
BATCH = 16384


def setup_inputs(seed: int = 0) -> dict:
    key = jax.random.key(seed)
    k1, k2 = jax.random.split(key, 2)
    subject_embeddings = jax.random.normal(k1, (N_SUBJECTS, EMBED_DIM), dtype=jnp.float32)
    subject_indices = jax.random.randint(k2, (BATCH,), 0, N_SUBJECTS, dtype=jnp.int64 if jax.config.read('jax_enable_x64') else jnp.int32)
    return {"subject_embeddings": subject_embeddings, "subject_indices": subject_indices}


def reference(subject_embeddings, subject_indices):
    # EmbeddingStore.get_embeddings_from_workout_ids with subject_indices
    # provided directly (bypassing the python-dict id->index mapping) and
    # encoder disabled (encoder_embedding_dim == 0 -> encoder is None).
    embeddings = []
    subj_emb = subject_embeddings[subject_indices]  # gather / embedding lookup
    embeddings.append(subj_emb)
    out = jnp.concatenate(embeddings, axis=-1)
    return out

if __name__ == "__main__":
    import jax
    _d = setup_inputs()
    print(jax.jit(kernel)(*tuple(_d.values())))

</pallas_src>

<mosaic_0001>
#map = affine_map<(d0, d1) -> (0, 0)>
#map1 = affine_map<(d0, d1) -> (0)>
module attributes {stable_mosaic.version = 14 : i64} {
  func.func @gather_kernel(%arg0: i32, %arg1: i32, %arg2: memref<16x1000000xf32, #tpu.memory_space<hbm>>, %arg3: memref<16384xi32, #tpu.memory_space<hbm>>, %arg4: memref<16x16384xf32, #tpu.memory_space<hbm>>, %arg5: memref<512xi32, #tpu.memory_space<vmem>>, %arg6: memref<16x16x128xf32, #tpu.memory_space<vmem>>, %arg7: memref<16x16x128xf32, #tpu.memory_space<vmem>>, %arg8: memref<16x512xf32, #tpu.memory_space<vmem>>, %arg9: memref<!tpu.dma_semaphore, #tpu.memory_space<semaphore_mem>>, %arg10: memref<!tpu.dma_semaphore, #tpu.memory_space<semaphore_mem>>) attributes {dimension_semantics = [#tpu.dimension_semantics<core_parallel>, #tpu.dimension_semantics<subcore_parallel>], iteration_bounds = array<i64: 2, 16>, scalar_prefetch = 0 : i64, scratch_operands = 6 : i64, tpu.core_type = #tpu.core_type<sc_vector_subcore>, window_params = [{transform_indices = #map}, {transform_indices = #map1}, {transform_indices = #map}]} {
    %mul3A = arith.constant 2 : i32
    %mul3A_0 = arith.muli %arg1, %mul3A : i32
    %add3A = arith.addi %mul3A_0, %arg0 : i32
    %mul3A_1 = arith.constant 512 : i32
    %mul3A_2 = arith.muli %add3A, %mul3A_1 : i32
    "tpu.region"() ({
      %run_scoped3A = tpu.sem_alloc : memref<!tpu.dma_semaphore, #tpu.memory_space<semaphore_mem>>
      %dma_start3A_526 = tpu.memref_slice %arg3[%mul3A_2] : memref<16384xi32, #tpu.memory_space<hbm>> -> memref<512xi32, #tpu.memory_space<hbm>>
      %dma_start3A_527 = tpu.memref_slice %arg3[%mul3A_2] : memref<16384xi32, #tpu.memory_space<hbm>> -> memref<512xi32, #tpu.memory_space<hbm>>
      tpu.enqueue_dma source(%dma_start3A_527 : memref<512xi32, #tpu.memory_space<hbm>>) target(%arg5 : memref<512xi32, #tpu.memory_space<vmem>>) target_semaphore(%run_scoped3A : memref<!tpu.dma_semaphore, #tpu.memory_space<semaphore_mem>>)
      %dma_wait3A = tpu.memref_slice %arg3[%mul3A_2] : memref<16384xi32, #tpu.memory_space<hbm>> -> memref<512xi32, #tpu.memory_space<hbm>>
      %dma_wait3A_528 = tpu.memref_slice %arg3[%mul3A_2] : memref<16384xi32, #tpu.memory_space<hbm>> -> memref<512xi32, #tpu.memory_space<hbm>>
      tpu.wait_dma2 semaphore(%run_scoped3A : memref<!tpu.dma_semaphore, #tpu.memory_space<semaphore_mem>>) src(%dma_wait3A_528 : memref<512xi32, #tpu.memory_space<hbm>>) dst(%arg5 : memref<512xi32, #tpu.memory_space<vmem>>)
      tpu.yield
    }) : () -> ()
    %iota3A = tpu.iota {dimensions = array<i32: 0>} : vector<16xi32>
    %get3A = arith.constant 0 : index
    %get3A_3 = tpu.vector_load %arg5[%get3A] {strides = array<i32>} : memref<512xi32, #tpu.memory_space<vmem>>, vector<16xi32>,
    %not3A = arith.constant 127 : i32
    %not3A_4 = arith.constant -1 : i32
    %not3A_5 = arith.xori %not3A, %not3A_4 : i32
    %and3A = vector.broadcast %not3A_5 : i32 to vector<16xi32>
    %and3A_6 = arith.andi %get3A_3, %and3A : vector<16xi32>
    %slice3A = vector.extract_strided_slice %and3A_6 {offsets = [0], sizes = [1], strides = [1]} : vector<16xi32> to vector<1xi32>
    %squeeze3A = vector.extract %slice3A[0] : i32 from vector<1xi32>
    %multiple_of3A = tpu.assume_multiple %squeeze3A, 128 : i32
    %dma_start3A = arith.constant 0 : i32
    %dma_start3A_7 = arith.constant 0 : i32
    %dma_start3A_8 = arith.constant 0 : i32
    %dma_start3A_9 = tpu.memref_slice %arg6[%dma_start3A, %dma_start3A_7, %dma_start3A_8] : memref<16x16x128xf32, #tpu.memory_space<vmem>> -> memref<1x16x128xf32, #tpu.memory_space<vmem>>
    %dma_start3A_10 = tpu.memref_squeeze %dma_start3A_9 : memref<1x16x128xf32, #tpu.memory_space<vmem>> -> memref<16x128xf32, #tpu.memory_space<vmem>>
    %dma_start3A_11 = arith.constant 0 : i32
    %dma_start3A_12 = tpu.memref_slice %arg2[%dma_start3A_11, %multiple_of3A] : memref<16x1000000xf32, #tpu.memory_space<hbm>> -> memref<16x128xf32, #tpu.memory_space<hbm>>
    %dma_start3A_13 = arith.constant 0 : i32
    %dma_start3A_14 = arith.constant 0 : i32
    %dma_start3A_15 = tpu.memref_slice %arg6[%dma_start3A, %dma_start3A_13, %dma_start3A_14] : memref<16x16x128xf32, #tpu.memory_space<vmem>> -> memref<1x16x128xf32, #tpu.memory_space<vmem>>
    %dma_start3A_16 = tpu.memref_squeeze %dma_start3A_15 : memref<1x16x128xf32, #tpu.memory_space<vmem>> -> memref<16x128xf32, #tpu.memory_space<vmem>>
    %dma_start3A_17 = arith.constant 0 : i32
    %dma_start3A_18 = tpu.memref_slice %arg2[%dma_start3A_17, %multiple_of3A] : memref<16x1000000xf32, #tpu.memory_space<hbm>> -> memref<16x128xf32, #tpu.memory_space<hbm>>
    tpu.enqueue_dma source(%dma_start3A_18 : memref<16x128xf32, #tpu.memory_space<hbm>>) target(%dma_start3A_16 : memref<16x128xf32, #tpu.memory_space<vmem>>) target_semaphore(%arg9 : memref<!tpu.dma_semaphore, #tpu.memory_space<semaphore_mem>>)
    %slice3A_19 = vector.extract_strided_slice %and3A_6 {offsets = [1], sizes = [1], strides = [1]} : vector<16xi32> to vector<1xi32>
    %squeeze3A_20 = vector.extract %slice3A_19[0] : i32 from vector<1xi32>
    %multiple_of3A_21 = tpu.assume_multiple %squeeze3A_20, 128 : i32
    %dma_start3A_22 = arith.constant 1 : i32
    %dma_start3A_23 = arith.constant 0 : i32
    %dma_start3A_24 = arith.constant 0 : i32
    %dma_start3A_25 = tpu.memref_slice %arg6[%dma_start3A_22, %dma_start3A_23, %dma_start3A_24] : memref<16x16x128xf32, #tpu.memory_space<vmem>> -> memref<1x16x128xf32, #tpu.memory_space<vmem>>
    %dma_start3A_26 = tpu.memref_squeeze %dma_start3A_25 : memref<1x16x128xf32, #tpu.memory_space<vmem>> -> memref<16x128xf32, #tpu.memory_space<vmem>>
    %dma_start3A_27 = arith.constant 0 : i32
    %dma_start3A_28 = tpu.memref_slice %arg2[%dma_start3A_27, %multiple_of3A_21] : memref<16x1000000xf32, #tpu.memory_space<hbm>> -> memref<16x128xf32, #tpu.memory_space<hbm>>
    %dma_start3A_29 = arith.constant 0 : i32
    %dma_start3A_30 = arith.constant 0 : i32
    %dma_start3A_31 = tpu.memref_slice %arg6[%dma_start3A_22, %dma_start3A_29, %dma_start3A_30] : memref<16x16x128xf32, #tpu.memory_space<vmem>> -> memref<1x16x128xf32, #tpu.memory_space<vmem>>
    %dma_start3A_32 = tpu.memref_squeeze %dma_start3A_31 : memref<1x16x128xf32, #tpu.memory_space<vmem>> -> memref<16x128xf32, #tpu.memory_space<vmem>>
    %dma_start3A_33 = arith.constant 0 : i32
    %dma_start3A_34 = tpu.memref_slice %arg2[%dma_start3A_33, %multiple_of3A_21] : memref<16x1000000xf32, #tpu.memory_space<hbm>> -> memref<16x128xf32, #tpu.memory_space<hbm>>
    tpu.enqueue_dma source(%dma_start3A_34 : memref<16x128xf32, #tpu.memory_space<hbm>>) target(%dma_start3A_32 : memref<16x128xf32, #tpu.memory_space<vmem>>) target_semaphore(%arg9 : memref<!tpu.dma_semaphore, #tpu.memory_space<semaphore_mem>>)
    %slice3A_35 = vector.extract_strided_slice %and3A_6 {offsets = [2], sizes = [1], strides = [1]} : vector<16xi32> to vector<1xi32>
    %squeeze3A_36 = vector.extract %slice3A_35[0] : i32 from vector<1xi32>
    %multiple_of3A_37 = tpu.assume_multiple %squeeze3A_36, 128 : i32
    %dma_start3A_38 = arith.constant 2 : i32
    %dma_start3A_39 = arith.constant 0 : i32
    %dma_start3A_40 = arith.constant 0 : i32
    %dma_start3A_41 = tpu.memref_slice %arg6[%dma_start3A_38, %dma_start3A_39, %dma_start3A_40] : memref<16x16x128xf32, #tpu.memory_space<vmem>> -> memref<1x16x128xf32, #tpu.memory_space<vmem>>
    %dma_start3A_42 = tpu.memref_squeeze %dma_start3A_41 : memref<1x16x128xf32, #tpu.memory_space<vmem>> -> memref<16x128xf32, #tpu.memory_space<vmem>>
    %dma_start3A_43 = arith.constant 0 : i32
    %dma_start3A_44 = tpu.memref_slice %arg2[%dma_start3A_43, %multiple_of3A_37] : memref<16x1000000xf32, #tpu.memory_space<hbm>> -> memref<16x128xf32, #tpu.memory_space<hbm>>
    %dma_start3A_45 = arith.constant 0 : i32
    %dma_start3A_46 = arith.constant 0 : i32
    %dma_start3A_47 = tpu.memref_slice %arg6[%dma_start3A_38, %dma_start3A_45, %dma_start3A_46] : memref<16x16x128xf32, #tpu.memory_space<vmem>> -> memref<1x16x128xf32, #tpu.memory_space<vmem>>
    %dma_start3A_48 = tpu.memref_squeeze %dma_start3A_47 : memref<1x16x128xf32, #tpu.memory_space<vmem>> -> memref<16x128xf32, #tpu.memory_space<vmem>>
    %dma_start3A_49 = arith.constant 0 : i32
    %dma_start3A_50 = tpu.memref_slice %arg2[%dma_start3A_49, %multiple_of3A_37] : memref<16x1000000xf32, #tpu.memory_space<hbm>> -> memref<16x128xf32, #tpu.memory_space<hbm>>
    tpu.enqueue_dma source(%dma_start3A_50 : memref<16x128xf32, #tpu.memory_space<hbm>>) target(%dma_start3A_48 : memref<16x128xf32, #tpu.memory_space<vmem>>) target_semaphore(%arg9 : memref<!tpu.dma_semaphore, #tpu.memory_space<semaphore_mem>>)
    %slice3A_51 = vector.extract_strided_slice %and3A_6 {offsets = [3], sizes = [1], strides = [1]} : vector<16xi32> to vector<1xi32>
    %squeeze3A_52 = vector.extract %slice3A_51[0] : i32 from vector<1xi32>
    %multiple_of3A_53 = tpu.assume_multiple %squeeze3A_52, 128 : i32
    %dma_start3A_54 = arith.constant 3 : i32
    %dma_start3A_55 = arith.constant 0 : i32
    %dma_start3A_56 = arith.constant 0 : i32
    %dma_start3A_57 = tpu.memref_slice %arg6[%dma_start3A_54, %dma_start3A_55, %dma_start3A_56] : memref<16x16x128xf32, #tpu.memory_space<vmem>> -> memref<1x16x128xf32, #tpu.memory_space<vmem>>
    %dma_start3A_58 = tpu.memref_squeeze %dma_start3A_57 : memref<1x16x128xf32, #tpu.memory_space<vmem>> -> memref<16x128xf32, #tpu.memory_space<vmem>>
    %dma_start3A_59 = arith.constant 0 : i32
    %dma_start3A_60 = tpu.memref_slice %arg2[%dma_start3A_59, %multiple_of3A_53] : memref<16x1000000xf32, #tpu.memory_space<hbm>> -> memref<16x128xf32, #tpu.memory_space<hbm>>
    %dma_start3A_61 = arith.constant 0 : i32
    %dma_start3A_62 = arith.constant 0 : i32
    %dma_start3A_63 = tpu.memref_slice %arg6[%dma_start3A_54, %dma_start3A_61, %dma_start3A_62] : memref<16x16x128xf32, #tpu.memory_space<vmem>> -> memref<1x16x128xf32, #tpu.memory_space<vmem>>
    %dma_start3A_64 = tpu.memref_squeeze %dma_start3A_63 : memref<1x16x128xf32, #tpu.memory_space<vmem>> -> memref<16x128xf32, #tpu.memory_space<vmem>>
    %dma_start3A_65 = arith.constant 0 : i32
    %dma_start3A_66 = tpu.memref_slice %arg2[%dma_start3A_65, %multiple_of3A_53] : memref<16x1000000xf32, #tpu.memory_space<hbm>> -> memref<16x128xf32, #tpu.memory_space<hbm>>
    tpu.enqueue_dma source(%dma_start3A_66 : memref<16x128xf32, #tpu.memory_space<hbm>>) target(%dma_start3A_64 : memref<16x128xf32, #tpu.memory_space<vmem>>) target_semaphore(%arg9 : memref<!tpu.dma_semaphore, #tpu.memory_space<semaphore_mem>>)
    %slice3A_67 = vector.extract_strided_slice %and3A_6 {offsets = [4], sizes = [1], strides = [1]} : vector<16xi32> to vector<1xi32>
    %squeeze3A_68 = vector.extract %slice3A_67[0] : i32 from vector<1xi32>
    %multiple_of3A_69 = tpu.assume_multiple %squeeze3A_68, 128 : i32
    %dma_start3A_70 = arith.constant 4 : i32
    %dma_start3A_71 = arith.constant 0 : i32
    %dma_start3A_72 = arith.constant 0 : i32
    %dma_start3A_73 = tpu.memref_slice %arg6[%dma_start3A_70, %dma_start3A_71, %dma_start3A_72] : memref<16x16x128xf32, #tpu.memory_space<vmem>> -> memref<1x16x128xf32, #tpu.memory_space<vmem>>
    %dma_start3A_74 = tpu.memref_squeeze %dma_start3A_73 : memref<1x16x128xf32, #tpu.memory_space<vmem>> -> memref<16x128xf32, #tpu.memory_space<vmem>>
    %dma_start3A_75 = arith.constant 0 : i32
    %dma_start3A_76 = tpu.memref_slice %arg2[%dma_start3A_75, %multiple_of3A_69] : memref<16x1000000xf32, #tpu.memory_space<hbm>> -> memref<16x128xf32, #tpu.memory_space<hbm>>
    %dma_start3A_77 = arith.constant 0 : i32
    %dma_start3A_78 = arith.constant 0 : i32
    %dma_start3A_79 = tpu.memref_slice %arg6[%dma_start3A_70, %dma_start3A_77, %dma_start3A_78] : memref<16x16x128xf32, #tpu.memory_space<vmem>> -> memref<1x16x128xf32, #tpu.memory_space<vmem>>
    %dma_start3A_80 = tpu.memref_squeeze %dma_start3A_79 : memref<1x16x128xf32, #tpu.memory_space<vmem>> -> memref<16x128xf32, #tpu.memory_space<vmem>>
    %dma_start3A_81 = arith.constant 0 : i32
    %dma_start3A_82 = tpu.memref_slice %arg2[%dma_start3A_81, %multiple_of3A_69] : memref<16x1000000xf32, #tpu.memory_space<hbm>> -> memref<16x128xf32, #tpu.memory_space<hbm>>
    tpu.enqueue_dma source(%dma_start3A_82 : memref<16x128xf32, #tpu.memory_space<hbm>>) target(%dma_start3A_80 : memref<16x128xf32, #tpu.memory_space<vmem>>) target_semaphore(%arg9 : memref<!tpu.dma_semaphore, #tpu.memory_space<semaphore_mem>>)
    %slice3A_83 = vector.extract_strided_slice %and3A_6 {offsets = [5], sizes = [1], strides = [1]} : vector<16xi32> to vector<1xi32>
    %squeeze3A_84 = vector.extract %slice3A_83[0] : i32 from vector<1xi32>
    %multiple_of3A_85 = tpu.assume_multiple %squeeze3A_84, 128 : i32
    %dma_start3A_86 = arith.constant 5 : i32
    %dma_start3A_87 = arith.constant 0 : i32
    %dma_start3A_88 = arith.constant 0 : i32
    %dma_start3A_89 = tpu.memref_slice %arg6[%dma_start3A_86, %dma_start3A_87, %dma_start3A_88] : memref<16x16x128xf32, #tpu.memory_space<vmem>> -> memref<1x16x128xf32, #tpu.memory_space<vmem>>
    %dma_start3A_90 = tpu.memref_squeeze %dma_start3A_89 : memref<1x16x128xf32, #tpu.memory_space<vmem>> -> memref<16x128xf32, #tpu.memory_space<vmem>>
    %dma_start3A_91 = arith.constant 0 : i32
    %dma_start3A_92 = tpu.memref_slice %arg2[%dma_start3A_91, %multiple_of3A_85] : memref<16x1000000xf32, #tpu.memory_space<hbm>> -> memref<16x128xf32, #tpu.memory_space<hbm>>
    %dma_start3A_93 = arith.constant 0 : i32
    %dma_start3A_94 = arith.constant 0 : i32
    %dma_start3A_95 = tpu.memref_slice %arg6[%dma_start3A_86, %dma_start3A_93, %dma_start3A_94] : memref<16x16x128xf32, #tpu.memory_space<vmem>> -> memref<1x16x128xf32, #tpu.memory_space<vmem>>
    %dma_start3A_96 = tpu.memref_squeeze %dma_start3A_95 : memref<1x16x128xf32, #tpu.memory_space<vmem>> -> memref<16x128xf32, #tpu.memory_space<vmem>>
    %dma_start3A_97 = arith.constant 0 : i32
    %dma_start3A_98 = tpu.memref_slice %arg2[%dma_start3A_97, %multiple_of3A_85] : memref<16x1000000xf32, #tpu.memory_space<hbm>> -> memref<16x128xf32, #tpu.memory_space<hbm>>
    tpu.enqueue_dma source(%dma_start3A_98 : memref<16x128xf32, #tpu.memory_space<hbm>>) target(%dma_start3A_96 : memref<16x128xf32, #tpu.memory_space<vmem>>) target_semaphore(%arg9 : memref<!tpu.dma_semaphore, #tpu.memory_space<semaphore_mem>>)
    %slice3A_99 = vector.extract_strided_slice %and3A_6 {offsets = [6], sizes = [1], strides = [1]} : vector<16xi32> to vector<1xi32>
    %squeeze3A_100 = vector.extract %slice3A_99[0] : i32 from vector<1xi32>
    %multiple_of3A_101 = tpu.assume_multiple %squeeze3A_100, 128 : i32
    %dma_start3A_102 = arith.constant 6 : i32
    %dma_start3A_103 = arith.constant 0 : i32
    %dma_start3A_104 = arith.constant 0 : i32
    %dma_start3A_105 = tpu.memref_slice %arg6[%dma_start3A_102, %dma_start3A_103, %dma_start3A_104] : memref<16x16x128xf32, #tpu.memory_space<vmem>> -> memref<1x16x128xf32, #tpu.memory_space<vmem>>
    %dma_start3A_106 = tpu.memref_squeeze %dma_start3A_105 : memref<1x16x128xf32, #tpu.memory_space<vmem>> -> memref<16x128xf32, #tpu.memory_space<vmem>>
    %dma_start3A_107 = arith.constant 0 : i32
    %dma_start3A_108 = tpu.memref_slice %arg2[%dma_start3A_107, %multiple_of3A_101] : memref<16x1000000xf32, #tpu.memory_space<hbm>> -> memref<16x128xf32, #tpu.memory_space<hbm>>
    %dma_start3A_109 = arith.constant 0 : i32
    %dma_start3A_110 = arith.constant 0 : i32
    %dma_start3A_111 = tpu.memref_slice %arg6[%dma_start3A_102, %dma_start3A_109, %dma_start3A_110] : memref<16x16x128xf32, #tpu.memory_space<vmem>> -> memref<1x16x128xf32, #tpu.memory_space<vmem>>
    %dma_start3A_112 = tpu.memref_squeeze %dma_start3A_111 : memref<1x16x128xf32, #tpu.memory_space<vmem>> -> memref<16x128xf32, #tpu.memory_space<vmem>>
    %dma_start3A_113 = arith.constant 0 : i32
    %dma_start3A_114 = tpu.memref_slice %arg2[%dma_start3A_113, %multiple_of3A_101] : memref<16x1000000xf32, #tpu.memory_space<hbm>> -> memref<16x128xf32, #tpu.memory_space<hbm>>
    tpu.enqueue_dma source(%dma_start3A_114 : memref<16x128xf32, #tpu.memory_space<hbm>>) target(%dma_start3A_112 : memref<16x128xf32, #tpu.memory_space<vmem>>) target_semaphore(%arg9 : memref<!tpu.dma_semaphore, #tpu.memory_space<semaphore_mem>>)
    %slice3A_115 = vector.extract_strided_slice %and3A_6 {offsets = [7], sizes = [1], strides = [1]} : vector<16xi32> to vector<1xi32>
    %squeeze3A_116 = vector.extract %slice3A_115[0] : i32 from vector<1xi32>
    %multiple_of3A_117 = tpu.assume_multiple %squeeze3A_116, 128 : i32
    %dma_start3A_118 = arith.constant 7 : i32
    %dma_start3A_119 = arith.constant 0 : i32
    %dma_start3A_120 = arith.constant 0 : i32
    %dma_start3A_121 = tpu.memref_slice %arg6[%dma_start3A_118, %dma_start3A_119, %dma_start3A_120] : memref<16x16x128xf32, #tpu.memory_space<vmem>> -> memref<1x16x128xf32, #tpu.memory_space<vmem>>
    %dma_start3A_122 = tpu.memref_squeeze %dma_start3A_121 : memref<1x16x128xf32, #tpu.memory_space<vmem>> -> memref<16x128xf32, #tpu.memory_space<vmem>>
    %dma_start3A_123 = arith.constant 0 : i32
    %dma_start3A_124 = tpu.memref_slice %arg2[%dma_start3A_123, %multiple_of3A_117] : memref<16x1000000xf32, #tpu.memory_space<hbm>> -> memref<16x128xf32, #tpu.memory_space<hbm>>
    %dma_start3A_125 = arith.constant 0 : i32
    %dma_start3A_126 = arith.constant 0 : i32
    %dma_start3A_127 = tpu.memref_slice %arg6[%dma_start3A_118, %dma_start3A_125, %dma_start3A_126] : memref<16x16x128xf32, #tpu.memory_space<vmem>> -> memref<1x16x128xf32, #tpu.memory_space<vmem>>
    %dma_start3A_128 = tpu.memref_squeeze %dma_start3A_127 : memref<1x16x128xf32, #tpu.memory_space<vmem>> -> memref<16x128xf32, #tpu.memory_space<vmem>>
    %dma_start3A_129 = arith.constant 0 : i32
    %dma_start3A_130 = tpu.memref_slice %arg2[%dma_start3A_129, %multiple_of3A_117] : memref<16x1000000xf32, #tpu.memory_space<hbm>> -> memref<16x128xf32, #tpu.memory_space<hbm>>
    tpu.enqueue_dma source(%dma_start3A_130 : memref<16x128xf32, #tpu.memory_space<hbm>>) target(%dma_start3A_128 : memref<16x128xf32, #tpu.memory_space<vmem>>) target_semaphore(%arg9 : memref<!tpu.dma_semaphore, #tpu.memory_space<semaphore_mem>>)
    %slice3A_131 = vector.extract_strided_slice %and3A_6 {offsets = [8], sizes = [1], strides = [1]} : vector<16xi32> to vector<1xi32>
    %squeeze3A_132 = vector.extract %slice3A_131[0] : i32 from vector<1xi32>
    %multiple_of3A_133 = tpu.assume_multiple %squeeze3A_132, 128 : i32
    %dma_start3A_134 = arith.constant 8 : i32
    %dma_start3A_135 = arith.constant 0 : i32
    %dma_start3A_136 = arith.constant 0 : i32
    %dma_start3A_137 = tpu.memref_slice %arg6[%dma_start3A_134, %dma_start3A_135, %dma_start3A_136] : memref<16x16x128xf32, #tpu.memory_space<vmem>> -> memref<1x16x128xf32, #tpu.memory_space<vmem>>
    %dma_start3A_138 = tpu.memref_squeeze %dma_start3A_137 : memref<1x16x128xf32, #tpu.memory_space<vmem>> -> memref<16x128xf32, #tpu.memory_space<vmem>>
    %dma_start3A_139 = arith.constant 0 : i32
    %dma_start3A_140 = tpu.memref_slice %arg2[%dma_start3A_139, %multiple_of3A_133] : memref<16x1000000xf32, #tpu.memory_space<hbm>> -> memref<16x128xf32, #tpu.memory_space<hbm>>
    %dma_start3A_141 = arith.constant 0 : i32
    %dma_start3A_142 = arith.constant 0 : i32
    %dma_start3A_143 = tpu.memref_slice %arg6[%dma_start3A_134, %dma_start3A_141, %dma_start3A_142] : memref<16x16x128xf32, #tpu.memory_space<vmem>> -> memref<1x16x128xf32, #tpu.memory_space<vmem>>
    %dma_start3A_144 = tpu.memref_squeeze %dma_start3A_143 : memref<1x16x128xf32, #tpu.memory_space<vmem>> -> memref<16x128xf32, #tpu.memory_space<vmem>>
    %dma_start3A_145 = arith.constant 0 : i32
    %dma_start3A_146 = tpu.memref_slice %arg2[%dma_start3A_145, %multiple_of3A_133] : memref<16x1000000xf32, #tpu.memory_space<hbm>> -> memref<16x128xf32, #tpu.memory_space<hbm>>
    tpu.enqueue_dma source(%dma_start3A_146 : memref<16x128xf32, #tpu.memory_space<hbm>>) target(%dma_start3A_144 : memref<16x128xf32, #tpu.memory_space<vmem>>) target_semaphore(%arg9 : memref<!tpu.dma_semaphore, #tpu.memory_space<semaphore_mem>>)
    %slice3A_147 = vector.extract_strided_slice %and3A_6 {offsets = [9], sizes = [1], strides = [1]} : vector<16xi32> to vector<1xi32>
    %squeeze3A_148 = vector.extract %slice3A_147[0] : i32 from vector<1xi32>
    %multiple_of3A_149 = tpu.assume_multiple %squeeze3A_148, 128 : i32
    %dma_start3A_150 = arith.constant 9 : i32
    %dma_start3A_151 = arith.constant 0 : i32
    %dma_start3A_152 = arith.constant 0 : i32
    %dma_start3A_153 = tpu.memref_slice %arg6[%dma_start3A_150, %dma_start3A_151, %dma_start3A_152] : memref<16x16x128xf32, #tpu.memory_space<vmem>> -> memref<1x16x128xf32, #tpu.memory_space<vmem>>
    %dma_start3A_154 = tpu.memref_squeeze %dma_start3A_153 : memref<1x16x128xf32, #tpu.memory_space<vmem>> -> memref<16x128xf32, #tpu.memory_space<vmem>>
    %dma_start3A_155 = arith.constant 0 : i32
    %dma_start3A_156 = tpu.memref_slice %arg2[%dma_start3A_155, %multiple_of3A_149] : memref<16x1000000xf32, #tpu.memory_space<hbm>> -> memref<16x128xf32, #tpu.memory_space<hbm>>
    %dma_start3A_157 = arith.constant 0 : i32
    %dma_start3A_158 = arith.constant 0 : i32
    %dma_start3A_159 = tpu.memref_slice %arg6[%dma_start3A_150, %dma_start3A_157, %dma_start3A_158] : memref<16x16x128xf32, #tpu.memory_space<vmem>> -> memref<1x16x128xf32, #tpu.memory_space<vmem>>
    %dma_start3A_160 = tpu.memref_squeeze %dma_start3A_159 : memref<1x16x128xf32, #tpu.memory_space<vmem>> -> memref<16x128xf32, #tpu.memory_space<vmem>>
    %dma_start3A_161 = arith.constant 0 : i32
    %dma_start3A_162 = tpu.memref_slice %arg2[%dma_start3A_161, %multiple_of3A_149] : memref<16x1000000xf32, #tpu.memory_space<hbm>> -> memref<16x128xf32, #tpu.memory_space<hbm>>
    tpu.enqueue_dma source(%dma_start3A_162 : memref<16x128xf32, #tpu.memory_space<hbm>>) target(%dma_start3A_160 : memref<16x128xf32, #tpu.memory_space<vmem>>) target_semaphore(%arg9 : memref<!tpu.dma_semaphore, #tpu.memory_space<semaphore_mem>>)
    %slice3A_163 = vector.extract_strided_slice %and3A_6 {offsets = [10], sizes = [1], strides = [1]} : vector<16xi32> to vector<1xi32>
    %squeeze3A_164 = vector.extract %slice3A_163[0] : i32 from vector<1xi32>
    %multiple_of3A_165 = tpu.assume_multiple %squeeze3A_164, 128 : i32
    %dma_start3A_166 = arith.constant 10 : i32
    %dma_start3A_167 = arith.constant 0 : i32
    %dma_start3A_168 = arith.constant 0 : i32
    %dma_start3A_169 = tpu.memref_slice %arg6[%dma_start3A_166, %dma_start3A_167, %dma_start3A_168] : memref<16x16x128xf32, #tpu.memory_space<vmem>> -> memref<1x16x128xf32, #tpu.memory_space<vmem>>
    %dma_start3A_170 = tpu.memref_squeeze %dma_start3A_169 : memref<1x16x128xf32, #tpu.memory_space<vmem>> -> memref<16x128xf32, #tpu.memory_space<vmem>>
    %dma_start3A_171 = arith.constant 0 : i32
    %dma_start3A_172 = tpu.memref_slice %arg2[%dma_start3A_171, %multiple_of3A_165] : memref<16x1000000xf32, #tpu.memory_space<hbm>> -> memref<16x128xf32, #tpu.memory_space<hbm>>
    %dma_start3A_173 = arith.constant 0 : i32
    %dma_start3A_174 = arith.constant 0 : i32
    %dma_start3A_175 = tpu.memref_slice %arg6[%dma_start3A_166, %dma_start3A_173, %dma_start3A_174] : memref<16x16x128xf32, #tpu.memory_space<vmem>> -> memref<1x16x128xf32, #tpu.memory_space<vmem>>
    %dma_start3A_176 = tpu.memref_squeeze %dma_start3A_175 : memref<1x16x128xf32, #tpu.memory_space<vmem>> -> memref<16x128xf32, #tpu.memory_space<vmem>>
    %dma_start3A_177 = arith.constant 0 : i32
    %dma_start3A_178 = tpu.memref_slice %arg2[%dma_start3A_177, %multiple_of3A_165] : memref<16x1000000xf32, #tpu.memory_space<hbm>> -> memref<16x128xf32, #tpu.memory_space<hbm>>
    tpu.enqueue_dma source(%dma_start3A_178 : memref<16x128xf32, #tpu.memory_space<hbm>>) target(%dma_start3A_176 : memref<16x128xf32, #tpu.memory_space<vmem>>) target_semaphore(%arg9 : memref<!tpu.dma_semaphore, #tpu.memory_space<semaphore_mem>>)
    %slice3A_179 = vector.extract_strided_slice %and3A_6 {offsets = [11], sizes = [1], strides = [1]} : vector<16xi32> to vector<1xi32>
    %squeeze3A_180 = vector.extract %slice3A_179[0] : i32 from vector<1xi32>
    %multiple_of3A_181 = tpu.assume_multiple %squeeze3A_180, 128 : i32
    %dma_start3A_182 = arith.constant 11 : i32
    %dma_start3A_183 = arith.constant 0 : i32
    %dma_start3A_184 = arith.constant 0 : i32
    %dma_start3A_185 = tpu.memref_slice %arg6[%dma_start3A_182, %dma_start3A_183, %dma_start3A_184] : memref<16x16x128xf32, #tpu.memory_space<vmem>> -> memref<1x16x128xf32, #tpu.memory_space<vmem>>
    %dma_start3A_186 = tpu.memref_squeeze %dma_start3A_185 : memref<1x16x128xf32, #tpu.memory_space<vmem>> -> memref<16x128xf32, #tpu.memory_space<vmem>>
    %dma_start3A_187 = arith.constant 0 : i32
    %dma_start3A_188 = tpu.memref_slice %arg2[%dma_start3A_187, %multiple_of3A_181] : memref<16x1000000xf32, #tpu.memory_space<hbm>> -> memref<16x128xf32, #tpu.memory_space<hbm>>
    %dma_start3A_189 = arith.constant 0 : i32
    %dma_start3A_190 = arith.constant 0 : i32
    %dma_start3A_191 = tpu.memref_slice %arg6[%dma_start3A_182, %dma_start3A_189, %dma_start3A_190] : memref<16x16x128xf32, #tpu.memory_space<vmem>> -> memref<1x16x128xf32, #tpu.memory_space<vmem>>
    %dma_start3A_192 = tpu.memref_squeeze %dma_start3A_191 : memref<1x16x128xf32, #tpu.memory_space<vmem>> -> memref<16x128xf32, #tpu.memory_space<vmem>>
    %dma_start3A_193 = arith.constant 0 : i32
    %dma_start3A_194 = tpu.memref_slice %arg2[%dma_start3A_193, %multiple_of3A_181] : memref<16x1000000xf32, #tpu.memory_space<hbm>> -> memref<16x128xf32, #tpu.memory_space<hbm>>
    tpu.enqueue_dma source(%dma_start3A_194 : memref<16x128xf32, #tpu.memory_space<hbm>>) target(%dma_start3A_192 : memref<16x128xf32, #tpu.memory_space<vmem>>) target_semaphore(%arg9 : memref<!tpu.dma_semaphore, #tpu.memory_space<semaphore_mem>>)
    %slice3A_195 = vector.extract_strided_slice %and3A_6 {offsets = [12], sizes = [1], strides = [1]} : vector<16xi32> to vector<1xi32>
    %squeeze3A_196 = vector.extract %slice3A_195[0] : i32 from vector<1xi32>
    %multiple_of3A_197 = tpu.assume_multiple %squeeze3A_196, 128 : i32
    %dma_start3A_198 = arith.constant 12 : i32
    %dma_start3A_199 = arith.constant 0 : i32
    %dma_start3A_200 = arith.constant 0 : i32
    %dma_start3A_201 = tpu.memref_slice %arg6[%dma_start3A_198, %dma_start3A_199, %dma_start3A_200] : memref<16x16x128xf32, #tpu.memory_space<vmem>> -> memref<1x16x128xf32, #tpu.memory_space<vmem>>
    %dma_start3A_202 = tpu.memref_squeeze %dma_start3A_201 : memref<1x16x128xf32, #tpu.memory_space<vmem>> -> memref<16x128xf32, #tpu.memory_space<vmem>>
    %dma_start3A_203 = arith.constant 0 : i32
    %dma_start3A_204 = tpu.memref_slice %arg2[%dma_start3A_203, %multiple_of3A_197] : memref<16x1000000xf32, #tpu.memory_space<hbm>> -> memref<16x128xf32, #tpu.memory_space<hbm>>
    %dma_start3A_205 = arith.constant 0 : i32
    %dma_start3A_206 = arith.constant 0 : i32
    %dma_start3A_207 = tpu.memref_slice %arg6[%dma_start3A_198, %dma_start3A_205, %dma_start3A_206] : memref<16x16x128xf32, #tpu.memory_space<vmem>> -> memref<1x16x128xf32, #tpu.memory_space<vmem>>
    %dma_start3A_208 = tpu.memref_squeeze %dma_start3A_207 : memref<1x16x128xf32, #tpu.memory_space<vmem>> -> memref<16x128xf32, #tpu.memory_space<vmem>>
    %dma_start3A_209 = arith.constant 0 : i32
    %dma_start3A_210 = tpu.memref_slice %arg2[%dma_start3A_209, %multiple_of3A_197] : memref<16x1000000xf32, #tpu.memory_space<hbm>> -> memref<16x128xf32, #tpu.memory_space<hbm>>
    tpu.enqueue_dma source(%dma_start3A_210 : memref<16x128xf32, #tpu.memory_space<hbm>>) target(%dma_start3A_208 : memref<16x128xf32, #tpu.memory_space<vmem>>) target_semaphore(%arg9 : memref<!tpu.dma_semaphore, #tpu.memory_space<semaphore_mem>>)
    %slice3A_211 = vector.extract_strided_slice %and3A_6 {offsets = [13], sizes = [1], strides = [1]} : vector<16xi32> to vector<1xi32>
    %squeeze3A_212 = vector.extract %slice3A_211[0] : i32 from vector<1xi32>
    %multiple_of3A_213 = tpu.assume_multiple %squeeze3A_212, 128 : i32
    %dma_start3A_214 = arith.constant 13 : i32
    %dma_start3A_215 = arith.constant 0 : i32
    %dma_start3A_216 = arith.constant 0 : i32
    %dma_start3A_217 = tpu.memref_slice %arg6[%dma_start3A_214, %dma_start3A_215, %dma_start3A_216] : memref<16x16x128xf32, #tpu.memory_space<vmem>> -> memref<1x16x128xf32, #tpu.memory_space<vmem>>
    %dma_start3A_218 = tpu.memref_squeeze %dma_start3A_217 : memref<1x16x128xf32, #tpu.memory_space<vmem>> -> memref<16x128xf32, #tpu.memory_space<vmem>>
    %dma_start3A_219 = arith.constant 0 : i32
    %dma_start3A_220 = tpu.memref_slice %arg2[%dma_start3A_219, %multiple_of3A_213] : memref<16x1000000xf32, #tpu.memory_space<hbm>> -> memref<16x128xf32, #tpu.memory_space<hbm>>
    %dma_start3A_221 = arith.constant 0 : i32
    %dma_start3A_222 = arith.constant 0 : i32
    %dma_start3A_223 = tpu.memref_slice %arg6[%dma_start3A_214, %dma_start3A_221, %dma_start3A_222] : memref<16x16x128xf32, #tpu.memory_space<vmem>> -> memref<1x16x128xf32, #tpu.memory_space<vmem>>
    %dma_start3A_224 = tpu.memref_squeeze %dma_start3A_223 : memref<1x16x128xf32, #tpu.memory_space<vmem>> -> memref<16x128xf32, #tpu.memory_space<vmem>>
    %dma_start3A_225 = arith.constant 0 : i32
    %dma_start3A_226 = tpu.memref_slice %arg2[%dma_start3A_225, %multiple_of3A_213] : memref<16x1000000xf32, #tpu.memory_space<hbm>> -> memref<16x128xf32, #tpu.memory_space<hbm>>
    tpu.enqueue_dma source(%dma_start3A_226 : memref<16x128xf32, #tpu.memory_space<hbm>>) target(%dma_start3A_224 : memref<16x128xf32, #tpu.memory_space<vmem>>) target_semaphore(%arg9 : memref<!tpu.dma_semaphore, #tpu.memory_space<semaphore_mem>>)
    %slice3A_227 = vector.extract_strided_slice %and3A_6 {offsets = [14], sizes = [1], strides = [1]} : vector<16xi32> to vector<1xi32>
    %squeeze3A_228 = vector.extract %slice3A_227[0] : i32 from vector<1xi32>
    %multiple_of3A_229 = tpu.assume_multiple %squeeze3A_228, 128 : i32
    %dma_start3A_230 = arith.constant 14 : i32
    %dma_start3A_231 = arith.constant 0 : i32
    %dma_start3A_232 = arith.constant 0 : i32
    %dma_start3A_233 = tpu.memref_slice %arg6[%dma_start3A_230, %dma_start3A_231, %dma_start3A_232] : memref<16x16x128xf32, #tpu.memory_space<vmem>> -> memref<1x16x128xf32, #tpu.memory_space<vmem>>
    %dma_start3A_234 = tpu.memref_squeeze %dma_start3A_233 : memref<1x16x128xf32, #tpu.memory_space<vmem>> -> memref<16x128xf32, #tpu.memory_space<vmem>>
    %dma_start3A_235 = arith.constant 0 : i32
    %dma_start3A_236 = tpu.memref_slice %arg2[%dma_start3A_235, %multiple_of3A_229] : memref<16x1000000xf32, #tpu.memory_space<hbm>> -> memref<16x128xf32, #tpu.memory_space<hbm>>
    %dma_start3A_237 = arith.constant 0 : i32
    %dma_start3A_238 = arith.constant 0 : i32
    %dma_start3A_239 = tpu.memref_slice %arg6[%dma_start3A_230, %dma_start3A_237, %dma_start3A_238] : memref<16x16x128xf32, #tpu.memory_space<vmem>> -> memref<1x16x128xf32, #tpu.memory_space<vmem>>
    %dma_start3A_240 = tpu.memref_squeeze %dma_start3A_239 : memref<1x16x128xf32, #tpu.memory_space<vmem>> -> memref<16x128xf32, #tpu.memory_space<vmem>>
    %dma_start3A_241 = arith.constant 0 : i32
    %dma_start3A_242 = tpu.memref_slice %arg2[%dma_start3A_241, %multiple_of3A_229] : memref<16x1000000xf32, #tpu.memory_space<hbm>> -> memref<16x128xf32, #tpu.memory_space<hbm>>
    tpu.enqueue_dma source(%dma_start3A_242 : memref<16x128xf32, #tpu.memory_space<hbm>>) target(%dma_start3A_240 : memref<16x128xf32, #tpu.memory_space<vmem>>) target_semaphore(%arg9 : memref<!tpu.dma_semaphore, #tpu.memory_space<semaphore_mem>>)
    %slice3A_243 = vector.extract_strided_slice %and3A_6 {offsets = [15], sizes = [1], strides = [1]} : vector<16xi32> to vector<1xi32>
    %squeeze3A_244 = vector.extract %slice3A_243[0] : i32 from vector<1xi32>
    %multiple_of3A_245 = tpu.assume_multiple %squeeze3A_244, 128 : i32
    %dma_start3A_246 = arith.constant 15 : i32
    %dma_start3A_247 = arith.constant 0 : i32
    %dma_start3A_248 = arith.constant 0 : i32
    %dma_start3A_249 = tpu.memref_slice %arg6[%dma_start3A_246, %dma_start3A_247, %dma_start3A_248] : memref<16x16x128xf32, #tpu.memory_space<vmem>> -> memref<1x16x128xf32, #tpu.memory_space<vmem>>
    %dma_start3A_250 = tpu.memref_squeeze %dma_start3A_249 : memref<1x16x128xf32, #tpu.memory_space<vmem>> -> memref<16x128xf32, #tpu.memory_space<vmem>>
    %dma_start3A_251 = arith.constant 0 : i32
    %dma_start3A_252 = tpu.memref_slice %arg2[%dma_start3A_251, %multiple_of3A_245] : memref<16x1000000xf32, #tpu.memory_space<hbm>> -> memref<16x128xf32, #tpu.memory_space<hbm>>
    %dma_start3A_253 = arith.constant 0 : i32
    %dma_start3A_254 = arith.constant 0 : i32
    %dma_start3A_255 = tpu.memref_slice %arg6[%dma_start3A_246, %dma_start3A_253, %dma_start3A_254] : memref<16x16x128xf32, #tpu.memory_space<vmem>> -> memref<1x16x128xf32, #tpu.memory_space<vmem>>
    %dma_start3A_256 = tpu.memref_squeeze %dma_start3A_255 : memref<1x16x128xf32, #tpu.memory_space<vmem>> -> memref<16x128xf32, #tpu.memory_space<vmem>>
    %dma_start3A_257 = arith.constant 0 : i32
    %dma_start3A_258 = tpu.memref_slice %arg2[%dma_start3A_257, %multiple_of3A_245] : memref<16x1000000xf32, #tpu.memory_space<hbm>> -> memref<16x128xf32, #tpu.memory_space<hbm>>
    tpu.enqueue_dma source(%dma_start3A_258 : memref<16x128xf32, #tpu.memory_space<hbm>>) target(%dma_start3A_256 : memref<16x128xf32, #tpu.memory_space<vmem>>) target_semaphore(%arg9 : memref<!tpu.dma_semaphore, #tpu.memory_space<semaphore_mem>>)
    %get3A_259 = arith.constant 16 : index
    %get3A_260 = tpu.vector_load %arg5[%get3A_259] {strides = array<i32>} : memref<512xi32, #tpu.memory_space<vmem>>, vector<16xi32>,
    %not3A_261 = arith.constant 127 : i32
    %not3A_262 = arith.constant -1 : i32
    %not3A_263 = arith.xori %not3A_261, %not3A_262 : i32
    %and3A_264 = vector.broadcast %not3A_263 : i32 to vector<16xi32>
    %and3A_265 = arith.andi %get3A_260, %and3A_264 : vector<16xi32>
    %slice3A_266 = vector.extract_strided_slice %and3A_265 {offsets = [0], sizes = [1], strides = [1]} : vector<16xi32> to vector<1xi32>
    %squeeze3A_267 = vector.extract %slice3A_266[0] : i32 from vector<1xi32>
    %multiple_of3A_268 = tpu.assume_multiple %squeeze3A_267, 128 : i32
    %dma_start3A_269 = arith.constant 0 : i32
    %dma_start3A_270 = arith.constant 0 : i32
    %dma_start3A_271 = arith.constant 0 : i32
    %dma_start3A_272 = tpu.memref_slice %arg7[%dma_start3A_269, %dma_start3A_270, %dma_start3A_271] : memref<16x16x128xf32, #tpu.memory_space<vmem>> -> memref<1x16x128xf32, #tpu.memory_space<vmem>>
    %dma_start3A_273 = tpu.memref_squeeze %dma_start3A_272 : memref<1x16x128xf32, #tpu.memory_space<vmem>> -> memref<16x128xf32, #tpu.memory_space<vmem>>
    %dma_start3A_274 = arith.constant 0 : i32
    %dma_start3A_275 = tpu.memref_slice %arg2[%dma_start3A_274, %multiple_of3A_268] : memref<16x1000000xf32, #tpu.memory_space<hbm>> -> memref<16x128xf32, #tpu.memory_space<hbm>>
    %dma_start3A_276 = arith.constant 0 : i32
    %dma_start3A_277 = arith.constant 0 : i32
    %dma_start3A_278 = tpu.memref_slice %arg7[%dma_start3A_269, %dma_start3A_276, %dma_start3A_277] : memref<16x16x128xf32, #tpu.memory_space<vmem>> -> memref<1x16x128xf32, #tpu.memory_space<vmem>>
    %dma_start3A_279 = tpu.memref_squeeze %dma_start3A_278 : memref<1x16x128xf32, #tpu.memory_space<vmem>> -> memref<16x128xf32, #tpu.memory_space<vmem>>
    %dma_start3A_280 = arith.constant 0 : i32
    %dma_start3A_281 = tpu.memref_slice %arg2[%dma_start3A_280, %multiple_of3A_268] : memref<16x1000000xf32, #tpu.memory_space<hbm>> -> memref<16x128xf32, #tpu.memory_space<hbm>>
    tpu.enqueue_dma source(%dma_start3A_281 : memref<16x128xf32, #tpu.memory_space<hbm>>) target(%dma_start3A_279 : memref<16x128xf32, #tpu.memory_space<vmem>>) target_semaphore(%arg10 : memref<!tpu.dma_semaphore, #tpu.memory_space<semaphore_mem>>)
    %slice3A_282 = vector.extract_strided_slice %and3A_265 {offsets = [1], sizes = [1], strides = [1]} : vector<16xi32> to vector<1xi32>
    %squeeze3A_283 = vector.extract %slice3A_282[0] : i32 from vector<1xi32>
    %multiple_of3A_284 = tpu.assume_multiple %squeeze3A_283, 128 : i32
    %dma_start3A_285 = arith.constant 1 : i32
    %dma_start3A_286 = arith.constant 0 : i32
    %dma_start3A_287 = arith.constant 0 : i32
    %dma_start3A_288 = tpu.memref_slice %arg7[%dma_start3A_285, %dma_start3A_286, %dma_start3A_287] : memref<16x16x128xf32, #tpu.memory_space<vmem>> -> memref<1x16x128xf32, #tpu.memory_space<vmem>>
    %dma_start3A_289 = tpu.memref_squeeze %dma_start3A_288 : memref<1x16x128xf32, #tpu.memory_space<vmem>> -> memref<16x128xf32, #tpu.memory_space<vmem>>
    %dma_start3A_290 = arith.constant 0 : i32
    %dma_start3A_291 = tpu.memref_slice %arg2[%dma_start3A_290, %multiple_of3A_284] : memref<16x1000000xf32, #tpu.memory_space<hbm>> -> memref<16x128xf32, #tpu.memory_space<hbm>>
    %dma_start3A_292 = arith.constant 0 : i32
    %dma_start3A_293 = arith.constant 0 : i32
    %dma_start3A_294 = tpu.memref_slice %arg7[%dma_start3A_285, %dma_start3A_292, %dma_start3A_293] : memref<16x16x128xf32, #tpu.memory_space<vmem>> -> memref<1x16x128xf32, #tpu.memory_space<vmem>>
    %dma_start3A_295 = tpu.memref_squeeze %dma_start3A_294 : memref<1x16x128xf32, #tpu.memory_space<vmem>> -> memref<16x128xf32, #tpu.memory_space<vmem>>
    %dma_start3A_296 = arith.constant 0 : i32
    %dma_start3A_297 = tpu.memref_slice %arg2[%dma_start3A_296, %multiple_of3A_284] : memref<16x1000000xf32, #tpu.memory_space<hbm>> -> memref<16x128xf32, #tpu.memory_space<hbm>>
    tpu.enqueue_dma source(%dma_start3A_297 : memref<16x128xf32, #tpu.memory_space<hbm>>) target(%dma_start3A_295 : memref<16x128xf32, #tpu.memory_space<vmem>>) target_semaphore(%arg10 : memref<!tpu.dma_semaphore, #tpu.memory_space<semaphore_mem>>)
    %slice3A_298 = vector.extract_strided_slice %and3A_265 {offsets = [2], sizes = [1], strides = [1]} : vector<16xi32> to vector<1xi32>
    %squeeze3A_299 = vector.extract %slice3A_298[0] : i32 from vector<1xi32>
    %multiple_of3A_300 = tpu.assume_multiple %squeeze3A_299, 128 : i32
    %dma_start3A_301 = arith.constant 2 : i32
    %dma_start3A_302 = arith.constant 0 : i32
    %dma_start3A_303 = arith.constant 0 : i32
    %dma_start3A_304 = tpu.memref_slice %arg7[%dma_start3A_301, %dma_start3A_302, %dma_start3A_303] : memref<16x16x128xf32, #tpu.memory_space<vmem>> -> memref<1x16x128xf32, #tpu.memory_space<vmem>>
    %dma_start3A_305 = tpu.memref_squeeze %dma_start3A_304 : memref<1x16x128xf32, #tpu.memory_space<vmem>> -> memref<16x128xf32, #tpu.memory_space<vmem>>
    %dma_start3A_306 = arith.constant 0 : i32
    %dma_start3A_307 = tpu.memref_slice %arg2[%dma_start3A_306, %multiple_of3A_300] : memref<16x1000000xf32, #tpu.memory_space<hbm>> -> memref<16x128xf32, #tpu.memory_space<hbm>>
    %dma_start3A_308 = arith.constant 0 : i32
    %dma_start3A_309 = arith.constant 0 : i32
    %dma_start3A_310 = tpu.memref_slice %arg7[%dma_start3A_301, %dma_start3A_308, %dma_start3A_309] : memref<16x16x128xf32, #tpu.memory_space<vmem>> -> memref<1x16x128xf32, #tpu.memory_space<vmem>>
    %dma_start3A_311 = tpu.memref_squeeze %dma_start3A_310 : memref<1x16x128xf32, #tpu.memory_space<vmem>> -> memref<16x128xf32, #tpu.memory_space<vmem>>
    %dma_start3A_312 = arith.constant 0 : i32
    %dma_start3A_313 = tpu.memref_slice %arg2[%dma_start3A_312, %multiple_of3A_300] : memref<16x1000000xf32, #tpu.memory_space<hbm>> -> memref<16x128xf32, #tpu.memory_space<hbm>>
    tpu.enqueue_dma source(%dma_start3A_313 : memref<16x128xf32, #tpu.memory_space<hbm>>) target(%dma_start3A_311 : memref<16x128xf32, #tpu.memory_space<vmem>>) target_semaphore(%arg10 : memref<!tpu.dma_semaphore, #tpu.memory_space<semaphore_mem>>)
    %slice3A_314 = vector.extract_strided_slice %and3A_265 {offsets = [3], sizes = [1], strides = [1]} : vector<16xi32> to vector<1xi32>
    %squeeze3A_315 = vector.extract %slice3A_314[0] : i32 from vector<1xi32>
    %multiple_of3A_316 = tpu.assume_multiple %squeeze3A_315, 128 : i32
    %dma_start3A_317 = arith.constant 3 : i32
    %dma_start3A_318 = arith.constant 0 : i32
    %dma_start3A_319 = arith.constant 0 : i32
    %dma_start3A_320 = tpu.memref_slice %arg7[%dma_start3A_317, %dma_start3A_318, %dma_start3A_319] : memref<16x16x128xf32, #tpu.memory_space<vmem>> -> memref<1x16x128xf32, #tpu.memory_space<vmem>>
    %dma_start3A_321 = tpu.memref_squeeze %dma_start3A_320 : memref<1x16x128xf32, #tpu.memory_space<vmem>> -> memref<16x128xf32, #tpu.memory_space<vmem>>
    %dma_start3A_322 = arith.constant 0 : i32
    %dma_start3A_323 = tpu.memref_slice %arg2[%dma_start3A_322, %multiple_of3A_316] : memref<16x1000000xf32, #tpu.memory_space<hbm>> -> memref<16x128xf32, #tpu.memory_space<hbm>>
    %dma_start3A_324 = arith.constant 0 : i32
    %dma_start3A_325 = arith.constant 0 : i32
    %dma_start3A_326 = tpu.memref_slice %arg7[%dma_start3A_317, %dma_start3A_324, %dma_start3A_325] : memref<16x16x128xf32, #tpu.memory_space<vmem>> -> memref<1x16x128xf32, #tpu.memory_space<vmem>>
    %dma_start3A_327 = tpu.memref_squeeze %dma_start3A_326 : memref<1x16x128xf32, #tpu.memory_space<vmem>> -> memref<16x128xf32, #tpu.memory_space<vmem>>
    %dma_start3A_328 = arith.constant 0 : i32
    %dma_start3A_329 = tpu.memref_slice %arg2[%dma_start3A_328, %multiple_of3A_316] : memref<16x1000000xf32, #tpu.memory_space<hbm>> -> memref<16x128xf32, #tpu.memory_space<hbm>>
    tpu.enqueue_dma source(%dma_start3A_329 : memref<16x128xf32, #tpu.memory_space<hbm>>) target(%dma_start3A_327 : memref<16x128xf32, #tpu.memory_space<vmem>>) target_semaphore(%arg10 : memref<!tpu.dma_semaphore, #tpu.memory_space<semaphore_mem>>)
    %slice3A_330 = vector.extract_strided_slice %and3A_265 {offsets = [4], sizes = [1], strides = [1]} : vector<16xi32> to vector<1xi32>
    %squeeze3A_331 = vector.extract %slice3A_330[0] : i32 from vector<1xi32>
    %multiple_of3A_332 = tpu.assume_multiple %squeeze3A_331, 128 : i32
    %dma_start3A_333 = arith.constant 4 : i32
    %dma_start3A_334 = arith.constant 0 : i32
    %dma_start3A_335 = arith.constant 0 : i32
    %dma_start3A_336 = tpu.memref_slice %arg7[%dma_start3A_333, %dma_start3A_334, %dma_start3A_335] : memref<16x16x128xf32, #tpu.memory_space<vmem>> -> memref<1x16x128xf32, #tpu.memory_space<vmem>>
    %dma_start3A_337 = tpu.memref_squeeze %dma_start3A_336 : memref<1x16x128xf32, #tpu.memory_space<vmem>> -> memref<16x128xf32, #tpu.memory_space<vmem>>
    %dma_start3A_338 = arith.constant 0 : i32
    %dma_start3A_339 = tpu.memref_slice %arg2[%dma_start3A_338, %multiple_of3A_332] : memref<16x1000000xf32, #tpu.memory_space<hbm>> -> memref<16x128xf32, #tpu.memory_space<hbm>>
    %dma_start3A_340 = arith.constant 0 : i32
    %dma_start3A_341 = arith.constant 0 : i32
    %dma_start3A_342 = tpu.memref_slice %arg7[%dma_start3A_333, %dma_start3A_340, %dma_start3A_341] : memref<16x16x128xf32, #tpu.memory_space<vmem>> -> memref<1x16x128xf32, #tpu.memory_space<vmem>>
    %dma_start3A_343 = tpu.memref_squeeze %dma_start3A_342 : memref<1x16x128xf32, #tpu.memory_space<vmem>> -> memref<16x128xf32, #tpu.memory_space<vmem>>
    %dma_start3A_344 = arith.constant 0 : i32
    %dma_start3A_345 = tpu.memref_slice %arg2[%dma_start3A_344, %multiple_of3A_332] : memref<16x1000000xf32, #tpu.memory_space<hbm>> -> memref<16x128xf32, #tpu.memory_space<hbm>>
    tpu.enqueue_dma source(%dma_start3A_345 : memref<16x128xf32, #tpu.memory_space<hbm>>) target(%dma_start3A_343 : memref<16x128xf32, #tpu.memory_space<vmem>>) target_semaphore(%arg10 : memref<!tpu.dma_semaphore, #tpu.memory_space<semaphore_mem>>)
    %slice3A_346 = vector.extract_strided_slice %and3A_265 {offsets = [5], sizes = [1], strides = [1]} : vector<16xi32> to vector<1xi32>
    %squeeze3A_347 = vector.extract %slice3A_346[0] : i32 from vector<1xi32>
    %multiple_of3A_348 = tpu.assume_multiple %squeeze3A_347, 128 : i32
    %dma_start3A_349 = arith.constant 5 : i32
    %dma_start3A_350 = arith.constant 0 : i32
    %dma_start3A_351 = arith.constant 0 : i32
    %dma_start3A_352 = tpu.memref_slice %arg7[%dma_start3A_349, %dma_start3A_350, %dma_start3A_351] : memref<16x16x128xf32, #tpu.memory_space<vmem>> -> memref<1x16x128xf32, #tpu.memory_space<vmem>>
    %dma_start3A_353 = tpu.memref_squeeze %dma_start3A_352 : memref<1x16x128xf32, #tpu.memory_space<vmem>> -> memref<16x128xf32, #tpu.memory_space<vmem>>
    %dma_start3A_354 = arith.constant 0 : i32
    %dma_start3A_355 = tpu.memref_slice %arg2[%dma_start3A_354, %multiple_of3A_348] : memref<16x1000000xf32, #tpu.memory_space<hbm>> -> memref<16x128xf32, #tpu.memory_space<hbm>>
    %dma_start3A_356 = arith.constant 0 : i32
    %dma_start3A_357 = arith.constant 0 : i32
    %dma_start3A_358 = tpu.memref_slice %arg7[%dma_start3A_349, %dma_start3A_356, %dma_start3A_357] : memref<16x16x128xf32, #tpu.memory_space<vmem>> -> memref<1x16x128xf32, #tpu.memory_space<vmem>>
    %dma_start3A_359 = tpu.memref_squeeze %dma_start3A_358 : memref<1x16x128xf32, #tpu.memory_space<vmem>> -> memref<16x128xf32, #tpu.memory_space<vmem>>
    %dma_start3A_360 = arith.constant 0 : i32
    %dma_start3A_361 = tpu.memref_slice %arg2[%dma_start3A_360, %multiple_of3A_348] : memref<16x1000000xf32, #tpu.memory_space<hbm>> -> memref<16x128xf32, #tpu.memory_space<hbm>>
    tpu.enqueue_dma source(%dma_start3A_361 : memref<16x128xf32, #tpu.memory_space<hbm>>) target(%dma_start3A_359 : memref<16x128xf32, #tpu.memory_space<vmem>>) target_semaphore(%arg10 : memref<!tpu.dma_semaphore, #tpu.memory_space<semaphore_mem>>)
    %slice3A_362 = vector.extract_strided_slice %and3A_265 {offsets = [6], sizes = [1], strides = [1]} : vector<16xi32> to vector<1xi32>
    %squeeze3A_363 = vector.extract %slice3A_362[0] : i32 from vector<1xi32>
    %multiple_of3A_364 = tpu.assume_multiple %squeeze3A_363, 128 : i32
    %dma_start3A_365 = arith.constant 6 : i32
    %dma_start3A_366 = arith.constant 0 : i32
    %dma_start3A_367 = arith.constant 0 : i32
    %dma_start3A_368 = tpu.memref_slice %arg7[%dma_start3A_365, %dma_start3A_366, %dma_start3A_367] : memref<16x16x128xf32, #tpu.memory_space<vmem>> -> memref<1x16x128xf32, #tpu.memory_space<vmem>>
    %dma_start3A_369 = tpu.memref_squeeze %dma_start3A_368 : memref<1x16x128xf32, #tpu.memory_space<vmem>> -> memref<16x128xf32, #tpu.memory_space<vmem>>
    %dma_start3A_370 = arith.constant 0 : i32
    %dma_start3A_371 = tpu.memref_slice %arg2[%dma_start3A_370, %multiple_of3A_364] : memref<16x1000000xf32, #tpu.memory_space<hbm>> -> memref<16x128xf32, #tpu.memory_space<hbm>>
    %dma_start3A_372 = arith.constant 0 : i32
    %dma_start3A_373 = arith.constant 0 : i32
    %dma_start3A_374 = tpu.memref_slice %arg7[%dma_start3A_365, %dma_start3A_372, %dma_start3A_373] : memref<16x16x128xf32, #tpu.memory_space<vmem>> -> memref<1x16x128xf32, #tpu.memory_space<vmem>>
    %dma_start3A_375 = tpu.memref_squeeze %dma_start3A_374 : memref<1x16x128xf32, #tpu.memory_space<vmem>> -> memref<16x128xf32, #tpu.memory_space<vmem>>
    %dma_start3A_376 = arith.constant 0 : i32
    %dma_start3A_377 = tpu.memref_slice %arg2[%dma_start3A_376, %multiple_of3A_364] : memref<16x1000000xf32, #tpu.memory_space<hbm>> -> memref<16x128xf32, #tpu.memory_space<hbm>>
    tpu.enqueue_dma source(%dma_start3A_377 : memref<16x128xf32, #tpu.memory_space<hbm>>) target(%dma_start3A_375 : memref<16x128xf32, #tpu.memory_space<vmem>>) target_semaphore(%arg10 : memref<!tpu.dma_semaphore, #tpu.memory_space<semaphore_mem>>)
    %slice3A_378 = vector.extract_strided_slice %and3A_265 {offsets = [7], sizes = [1], strides = [1]} : vector<16xi32> to vector<1xi32>
    %squeeze3A_379 = vector.extract %slice3A_378[0] : i32 from vector<1xi32>
    %multiple_of3A_380 = tpu.assume_multiple %squeeze3A_379, 128 : i32
    %dma_start3A_381 = arith.constant 7 : i32
    %dma_start3A_382 = arith.constant 0 : i32
    %dma_start3A_383 = arith.constant 0 : i32
    %dma_start3A_384 = tpu.memref_slice %arg7[%dma_start3A_381, %dma_start3A_382, %dma_start3A_383] : memref<16x16x128xf32, #tpu.memory_space<vmem>> -> memref<1x16x128xf32, #tpu.memory_space<vmem>>
    %dma_start3A_385 = tpu.memref_squeeze %dma_start3A_384 : memref<1x16x128xf32, #tpu.memory_space<vmem>> -> memref<16x128xf32, #tpu.memory_space<vmem>>
    %dma_start3A_386 = arith.constant 0 : i32
    %dma_start3A_387 = tpu.memref_slice %arg2[%dma_start3A_386, %multiple_of3A_380] : memref<16x1000000xf32, #tpu.memory_space<hbm>> -> memref<16x128xf32, #tpu.memory_space<hbm>>
    %dma_start3A_388 = arith.constant 0 : i32
    %dma_start3A_389 = arith.constant 0 : i32
    %dma_start3A_390 = tpu.memref_slice %arg7[%dma_start3A_381, %dma_start3A_388, %dma_start3A_389] : memref<16x16x128xf32, #tpu.memory_space<vmem>> -> memref<1x16x128xf32, #tpu.memory_space<vmem>>
    %dma_start3A_391 = tpu.memref_squeeze %dma_start3A_390 : memref<1x16x128xf32, #tpu.memory_space<vmem>> -> memref<16x128xf32, #tpu.memory_space<vmem>>
    %dma_start3A_392 = arith.constant 0 : i32
    %dma_start3A_393 = tpu.memref_slice %arg2[%dma_start3A_392, %multiple_of3A_380] : memref<16x1000000xf32, #tpu.memory_space<hbm>> -> memref<16x128xf32, #tpu.memory_space<hbm>>
    tpu.enqueue_dma source(%dma_start3A_393 : memref<16x128xf32, #tpu.memory_space<hbm>>) target(%dma_start3A_391 : memref<16x128xf32, #tpu.memory_space<vmem>>) target_semaphore(%arg10 : memref<!tpu.dma_semaphore, #tpu.memory_space<semaphore_mem>>)
    %slice3A_394 = vector.extract_strided_slice %and3A_265 {offsets = [8], sizes = [1], strides = [1]} : vector<16xi32> to vector<1xi32>
    %squeeze3A_395 = vector.extract %slice3A_394[0] : i32 from vector<1xi32>
    %multiple_of3A_396 = tpu.assume_multiple %squeeze3A_395, 128 : i32
    %dma_start3A_397 = arith.constant 8 : i32
    %dma_start3A_398 = arith.constant 0 : i32
    %dma_start3A_399 = arith.constant 0 : i32
    %dma_start3A_400 = tpu.memref_slice %arg7[%dma_start3A_397, %dma_start3A_398, %dma_start3A_399] : memref<16x16x128xf32, #tpu.memory_space<vmem>> -> memref<1x16x128xf32, #tpu.memory_space<vmem>>
    %dma_start3A_401 = tpu.memref_squeeze %dma_start3A_400 : memref<1x16x128xf32, #tpu.memory_space<vmem>> -> memref<16x128xf32, #tpu.memory_space<vmem>>
    %dma_start3A_402 = arith.constant 0 : i32
    %dma_start3A_403 = tpu.memref_slice %arg2[%dma_start3A_402, %multiple_of3A_396] : memref<16x1000000xf32, #tpu.memory_space<hbm>> -> memref<16x128xf32, #tpu.memory_space<hbm>>
    %dma_start3A_404 = arith.constant 0 : i32
    %dma_start3A_405 = arith.constant 0 : i32
    %dma_start3A_406 = tpu.memref_slice %arg7[%dma_start3A_397, %dma_start3A_404, %dma_start3A_405] : memref<16x16x128xf32, #tpu.memory_space<vmem>> -> memref<1x16x128xf32, #tpu.memory_space<vmem>>
    %dma_start3A_407 = tpu.memref_squeeze %dma_start3A_406 : memref<1x16x128xf32, #tpu.memory_space<vmem>> -> memref<16x128xf32, #tpu.memory_space<vmem>>
    %dma_start3A_408 = arith.constant 0 : i32
    %dma_start3A_409 = tpu.memref_slice %arg2[%dma_start3A_408, %multiple_of3A_396] : memref<16x1000000xf32, #tpu.memory_space<hbm>> -> memref<16x128xf32, #tpu.memory_space<hbm>>
    tpu.enqueue_dma source(%dma_start3A_409 : memref<16x128xf32, #tpu.memory_space<hbm>>) target(%dma_start3A_407 : memref<16x128xf32, #tpu.memory_space<vmem>>) target_semaphore(%arg10 : memref<!tpu.dma_semaphore, #tpu.memory_space<semaphore_mem>>)
    %slice3A_410 = vector.extract_strided_slice %and3A_265 {offsets = [9], sizes = [1], strides = [1]} : vector<16xi32> to vector<1xi32>
    %squeeze3A_411 = vector.extract %slice3A_410[0] : i32 from vector<1xi32>
    %multiple_of3A_412 = tpu.assume_multiple %squeeze3A_411, 128 : i32
    %dma_start3A_413 = arith.constant 9 : i32
    %dma_start3A_414 = arith.constant 0 : i32
    %dma_start3A_415 = arith.constant 0 : i32
    %dma_start3A_416 = tpu.memref_slice %arg7[%dma_start3A_413, %dma_start3A_414, %dma_start3A_415] : memref<16x16x128xf32, #tpu.memory_space<vmem>> -> memref<1x16x128xf32, #tpu.memory_space<vmem>>
    %dma_start3A_417 = tpu.memref_squeeze %dma_start3A_416 : memref<1x16x128xf32, #tpu.memory_space<vmem>> -> memref<16x128xf32, #tpu.memory_space<vmem>>
    %dma_start3A_418 = arith.constant 0 : i32
    %dma_start3A_419 = tpu.memref_slice %arg2[%dma_start3A_418, %multiple_of3A_412] : memref<16x1000000xf32, #tpu.memory_space<hbm>> -> memref<16x128xf32, #tpu.memory_space<hbm>>
    %dma_start3A_420 = arith.constant 0 : i32
    %dma_start3A_421 = arith.constant 0 : i32
    %dma_start3A_422 = tpu.memref_slice %arg7[%dma_start3A_413, %dma_start3A_420, %dma_start3A_421] : memref<16x16x128xf32, #tpu.memory_space<vmem>> -> memref<1x16x128xf32, #tpu.memory_space<vmem>>
    %dma_start3A_423 = tpu.memref_squeeze %dma_start3A_422 : memref<1x16x128xf32, #tpu.memory_space<vmem>> -> memref<16x128xf32, #tpu.memory_space<vmem>>
    %dma_start3A_424 = arith.constant 0 : i32
    %dma_start3A_425 = tpu.memref_slice %arg2[%dma_start3A_424, %multiple_of3A_412] : memref<16x1000000xf32, #tpu.memory_space<hbm>> -> memref<16x128xf32, #tpu.memory_space<hbm>>
    tpu.enqueue_dma source(%dma_start3A_425 : memref<16x128xf32, #tpu.memory_space<hbm>>) target(%dma_start3A_423 : memref<16x128xf32, #tpu.memory_space<vmem>>) target_semaphore(%arg10 : memref<!tpu.dma_semaphore, #tpu.memory_space<semaphore_mem>>)
    %slice3A_426 = vector.extract_strided_slice %and3A_265 {offsets = [10], sizes = [1], strides = [1]} : vector<16xi32> to vector<1xi32>
    %squeeze3A_427 = vector.extract %slice3A_426[0] : i32 from vector<1xi32>
    %multiple_of3A_428 = tpu.assume_multiple %squeeze3A_427, 128 : i32
    %dma_start3A_429 = arith.constant 10 : i32
    %dma_start3A_430 = arith.constant 0 : i32
    %dma_start3A_431 = arith.constant 0 : i32
    %dma_start3A_432 = tpu.memref_slice %arg7[%dma_start3A_429, %dma_start3A_430, %dma_start3A_431] : memref<16x16x128xf32, #tpu.memory_space<vmem>> -> memref<1x16x128xf32, #tpu.memory_space<vmem>>
    %dma_start3A_433 = tpu.memref_squeeze %dma_start3A_432 : memref<1x16x128xf32, #tpu.memory_space<vmem>> -> memref<16x128xf32, #tpu.memory_space<vmem>>
    %dma_start3A_434 = arith.constant 0 : i32
    %dma_start3A_435 = tpu.memref_slice %arg2[%dma_start3A_434, %multiple_of3A_428] : memref<16x1000000xf32, #tpu.memory_space<hbm>> -> memref<16x128xf32, #tpu.memory_space<hbm>>
    %dma_start3A_436 = arith.constant 0 : i32
    %dma_start3A_437 = arith.constant 0 : i32
    %dma_start3A_438 = tpu.memref_slice %arg7[%dma_start3A_429, %dma_start3A_436, %dma_start3A_437] : memref<16x16x128xf32, #tpu.memory_space<vmem>> -> memref<1x16x128xf32, #tpu.memory_space<vmem>>
    %dma_start3A_439 = tpu.memref_squeeze %dma_start3A_438 : memref<1x16x128xf32, #tpu.memory_space<vmem>> -> memref<16x128xf32, #tpu.memory_space<vmem>>
    %dma_start3A_440 = arith.constant 0 : i32
    %dma_start3A_441 = tpu.memref_slice %arg2[%dma_start3A_440, %multiple_of3A_428] : memref<16x1000000xf32, #tpu.memory_space<hbm>> -> memref<16x128xf32, #tpu.memory_space<hbm>>
    tpu.enqueue_dma source(%dma_start3A_441 : memref<16x128xf32, #tpu.memory_space<hbm>>) target(%dma_start3A_439 : memref<16x128xf32, #tpu.memory_space<vmem>>) target_semaphore(%arg10 : memref<!tpu.dma_semaphore, #tpu.memory_space<semaphore_mem>>)
    %slice3A_442 = vector.extract_strided_slice %and3A_265 {offsets = [11], sizes = [1], strides = [1]} : vector<16xi32> to vector<1xi32>
    %squeeze3A_443 = vector.extract %slice3A_442[0] : i32 from vector<1xi32>
    %multiple_of3A_444 = tpu.assume_multiple %squeeze3A_443, 128 : i32
    %dma_start3A_445 = arith.constant 11 : i32
    %dma_start3A_446 = arith.constant 0 : i32
    %dma_start3A_447 = arith.constant 0 : i32
    %dma_start3A_448 = tpu.memref_slice %arg7[%dma_start3A_445, %dma_start3A_446, %dma_start3A_447] : memref<16x16x128xf32, #tpu.memory_space<vmem>> -> memref<1x16x128xf32, #tpu.memory_space<vmem>>
    %dma_start3A_449 = tpu.memref_squeeze %dma_start3A_448 : memref<1x16x128xf32, #tpu.memory_space<vmem>> -> memref<16x128xf32, #tpu.memory_space<vmem>>
    %dma_start3A_450 = arith.constant 0 : i32
    %dma_start3A_451 = tpu.memref_slice %arg2[%dma_start3A_450, %multiple_of3A_444] : memref<16x1000000xf32, #tpu.memory_space<hbm>> -> memref<16x128xf32, #tpu.memory_space<hbm>>
    %dma_start3A_452 = arith.constant 0 : i32
    %dma_start3A_453 = arith.constant 0 : i32
    %dma_start3A_454 = tpu.memref_slice %arg7[%dma_start3A_445, %dma_start3A_452, %dma_start3A_453] : memref<16x16x128xf32, #tpu.memory_space<vmem>> -> memref<1x16x128xf32, #tpu.memory_space<vmem>>
    %dma_start3A_455 = tpu.memref_squeeze %dma_start3A_454 : memref<1x16x128xf32, #tpu.memory_space<vmem>> -> memref<16x128xf32, #tpu.memory_space<vmem>>
    %dma_start3A_456 = arith.constant 0 : i32
    %dma_start3A_457 = tpu.memref_slice %arg2[%dma_start3A_456, %multiple_of3A_444] : memref<16x1000000xf32, #tpu.memory_space<hbm>> -> memref<16x128xf32, #tpu.memory_space<hbm>>
    tpu.enqueue_dma source(%dma_start3A_457 : memref<16x128xf32, #tpu.memory_space<hbm>>) target(%dma_start3A_455 : memref<16x128xf32, #tpu.memory_space<vmem>>) target_semaphore(%arg10 : memref<!tpu.dma_semaphore, #tpu.memory_space<semaphore_mem>>)
    %slice3A_458 = vector.extract_strided_slice %and3A_265 {offsets = [12], sizes = [1], strides = [1]} : vector<16xi32> to vector<1xi32>
    %squeeze3A_459 = vector.extract %slice3A_458[0] : i32 from vector<1xi32>
    %multiple_of3A_460 = tpu.assume_multiple %squeeze3A_459, 128 : i32
    %dma_start3A_461 = arith.constant 12 : i32
    %dma_start3A_462 = arith.constant 0 : i32
    %dma_start3A_463 = arith.constant 0 : i32
    %dma_start3A_464 = tpu.memref_slice %arg7[%dma_start3A_461, %dma_start3A_462, %dma_start3A_463] : memref<16x16x128xf32, #tpu.memory_space<vmem>> -> memref<1x16x128xf32, #tpu.memory_space<vmem>>
    %dma_start3A_465 = tpu.memref_squeeze %dma_start3A_464 : memref<1x16x128xf32, #tpu.memory_space<vmem>> -> memref<16x128xf32, #tpu.memory_space<vmem>>
    %dma_start3A_466 = arith.constant 0 : i32
    %dma_start3A_467 = tpu.memref_slice %arg2[%dma_start3A_466, %multiple_of3A_460] : memref<16x1000000xf32, #tpu.memory_space<hbm>> -> memref<16x128xf32, #tpu.memory_space<hbm>>
    %dma_start3A_468 = arith.constant 0 : i32
    %dma_start3A_469 = arith.constant 0 : i32
    %dma_start3A_470 = tpu.memref_slice %arg7[%dma_start3A_461, %dma_start3A_468, %dma_start3A_469] : memref<16x16x128xf32, #tpu.memory_space<vmem>> -> memref<1x16x128xf32, #tpu.memory_space<vmem>>
    %dma_start3A_471 = tpu.memref_squeeze %dma_start3A_470 : memref<1x16x128xf32, #tpu.memory_space<vmem>> -> memref<16x128xf32, #tpu.memory_space<vmem>>
    %dma_start3A_472 = arith.constant 0 : i32
    %dma_start3A_473 = tpu.memref_slice %arg2[%dma_start3A_472, %multiple_of3A_460] : memref<16x1000000xf32, #tpu.memory_space<hbm>> -> memref<16x128xf32, #tpu.memory_space<hbm>>
    tpu.enqueue_dma source(%dma_start3A_473 : memref<16x128xf32, #tpu.memory_space<hbm>>) target(%dma_start3A_471 : memref<16x128xf32, #tpu.memory_space<vmem>>) target_semaphore(%arg10 : memref<!tpu.dma_semaphore, #tpu.memory_space<semaphore_mem>>)
    %slice3A_474 = vector.extract_strided_slice %and3A_265 {offsets = [13], sizes = [1], strides = [1]} : vector<16xi32> to vector<1xi32>
    %squeeze3A_475 = vector.extract %slice3A_474[0] : i32 from vector<1xi32>
    %multiple_of3A_476 = tpu.assume_multiple %squeeze3A_475, 128 : i32
    %dma_start3A_477 = arith.constant 13 : i32
    %dma_start3A_478 = arith.constant 0 : i32
    %dma_start3A_479 = arith.constant 0 : i32
    %dma_start3A_480 = tpu.memref_slice %arg7[%dma_start3A_477, %dma_start3A_478, %dma_start3A_479] : memref<16x16x128xf32, #tpu.memory_space<vmem>> -> memref<1x16x128xf32, #tpu.memory_space<vmem>>
    %dma_start3A_481 = tpu.memref_squeeze %dma_start3A_480 : memref<1x16x128xf32, #tpu.memory_space<vmem>> -> memref<16x128xf32, #tpu.memory_space<vmem>>
    %dma_start3A_482 = arith.constant 0 : i32
    %dma_start3A_483 = tpu.memref_slice %arg2[%dma_start3A_482, %multiple_of3A_476] : memref<16x1000000xf32, #tpu.memory_space<hbm>> -> memref<16x128xf32, #tpu.memory_space<hbm>>
    %dma_start3A_484 = arith.constant 0 : i32
    %dma_start3A_485 = arith.constant 0 : i32
    %dma_start3A_486 = tpu.memref_slice %arg7[%dma_start3A_477, %dma_start3A_484, %dma_start3A_485] : memref<16x16x128xf32, #tpu.memory_space<vmem>> -> memref<1x16x128xf32, #tpu.memory_space<vmem>>
    %dma_start3A_487 = tpu.memref_squeeze %dma_start3A_486 : memref<1x16x128xf32, #tpu.memory_space<vmem>> -> memref<16x128xf32, #tpu.memory_space<vmem>>
    %dma_start3A_488 = arith.constant 0 : i32
    %dma_start3A_489 = tpu.memref_slice %arg2[%dma_start3A_488, %multiple_of3A_476] : memref<16x1000000xf32, #tpu.memory_space<hbm>> -> memref<16x128xf32, #tpu.memory_space<hbm>>
    tpu.enqueue_dma source(%dma_start3A_489 : memref<16x128xf32, #tpu.memory_space<hbm>>) target(%dma_start3A_487 : memref<16x128xf32, #tpu.memory_space<vmem>>) target_semaphore(%arg10 : memref<!tpu.dma_semaphore, #tpu.memory_space<semaphore_mem>>)
    %slice3A_490 = vector.extract_strided_slice %and3A_265 {offsets = [14], sizes = [1], strides = [1]} : vector<16xi32> to vector<1xi32>
    %squeeze3A_491 = vector.extract %slice3A_490[0] : i32 from vector<1xi32>
    %multiple_of3A_492 = tpu.assume_multiple %squeeze3A_491, 128 : i32
    %dma_start3A_493 = arith.constant 14 : i32
    %dma_start3A_494 = arith.constant 0 : i32
    %dma_start3A_495 = arith.constant 0 : i32
    %dma_start3A_496 = tpu.memref_slice %arg7[%dma_start3A_493, %dma_start3A_494, %dma_start3A_495] : memref<16x16x128xf32, #tpu.memory_space<vmem>> -> memref<1x16x128xf32, #tpu.memory_space<vmem>>
    %dma_start3A_497 = tpu.memref_squeeze %dma_start3A_496 : memref<1x16x128xf32, #tpu.memory_space<vmem>> -> memref<16x128xf32, #tpu.memory_space<vmem>>
    %dma_start3A_498 = arith.constant 0 : i32
    %dma_start3A_499 = tpu.memref_slice %arg2[%dma_start3A_498, %multiple_of3A_492] : memref<16x1000000xf32, #tpu.memory_space<hbm>> -> memref<16x128xf32, #tpu.memory_space<hbm>>
    %dma_start3A_500 = arith.constant 0 : i32
    %dma_start3A_501 = arith.constant 0 : i32
    %dma_start3A_502 = tpu.memref_slice %arg7[%dma_start3A_493, %dma_start3A_500, %dma_start3A_501] : memref<16x16x128xf32, #tpu.memory_space<vmem>> -> memref<1x16x128xf32, #tpu.memory_space<vmem>>
    %dma_start3A_503 = tpu.memref_squeeze %dma_start3A_502 : memref<1x16x128xf32, #tpu.memory_space<vmem>> -> memref<16x128xf32, #tpu.memory_space<vmem>>
    %dma_start3A_504 = arith.constant 0 : i32
    %dma_start3A_505 = tpu.memref_slice %arg2[%dma_start3A_504, %multiple_of3A_492] : memref<16x1000000xf32, #tpu.memory_space<hbm>> -> memref<16x128xf32, #tpu.memory_space<hbm>>
    tpu.enqueue_dma source(%dma_start3A_505 : memref<16x128xf32, #tpu.memory_space<hbm>>) target(%dma_start3A_503 : memref<16x128xf32, #tpu.memory_space<vmem>>) target_semaphore(%arg10 : memref<!tpu.dma_semaphore, #tpu.memory_space<semaphore_mem>>)
    %slice3A_506 = vector.extract_strided_slice %and3A_265 {offsets = [15], sizes = [1], strides = [1]} : vector<16xi32> to vector<1xi32>
    %squeeze3A_507 = vector.extract %slice3A_506[0] : i32 from vector<1xi32>
    %multiple_of3A_508 = tpu.assume_multiple %squeeze3A_507, 128 : i32
    %dma_start3A_509 = arith.constant 15 : i32
    %dma_start3A_510 = arith.constant 0 : i32
    %dma_start3A_511 = arith.constant 0 : i32
    %dma_start3A_512 = tpu.memref_slice %arg7[%dma_start3A_509, %dma_start3A_510, %dma_start3A_511] : memref<16x16x128xf32, #tpu.memory_space<vmem>> -> memref<1x16x128xf32, #tpu.memory_space<vmem>>
    %dma_start3A_513 = tpu.memref_squeeze %dma_start3A_512 : memref<1x16x128xf32, #tpu.memory_space<vmem>> -> memref<16x128xf32, #tpu.memory_space<vmem>>
    %dma_start3A_514 = arith.constant 0 : i32
    %dma_start3A_515 = tpu.memref_slice %arg2[%dma_start3A_514, %multiple_of3A_508] : memref<16x1000000xf32, #tpu.memory_space<hbm>> -> memref<16x128xf32, #tpu.memory_space<hbm>>
    %dma_start3A_516 = arith.constant 0 : i32
    %dma_start3A_517 = arith.constant 0 : i32
    %dma_start3A_518 = tpu.memref_slice %arg7[%dma_start3A_509, %dma_start3A_516, %dma_start3A_517] : memref<16x16x128xf32, #tpu.memory_space<vmem>> -> memref<1x16x128xf32, #tpu.memory_space<vmem>>
    %dma_start3A_519 = tpu.memref_squeeze %dma_start3A_518 : memref<1x16x128xf32, #tpu.memory_space<vmem>> -> memref<16x128xf32, #tpu.memory_space<vmem>>
    %dma_start3A_520 = arith.constant 0 : i32
    %dma_start3A_521 = tpu.memref_slice %arg2[%dma_start3A_520, %multiple_of3A_508] : memref<16x1000000xf32, #tpu.memory_space<hbm>> -> memref<16x128xf32, #tpu.memory_space<hbm>>
    tpu.enqueue_dma source(%dma_start3A_521 : memref<16x128xf32, #tpu.memory_space<hbm>>) target(%dma_start3A_519 : memref<16x128xf32, #tpu.memory_space<vmem>>) target_semaphore(%arg10 : memref<!tpu.dma_semaphore, #tpu.memory_space<semaphore_mem>>)
    %scan3A = arith.constant 0 : i32
    %scan3A_522 = arith.constant 16 : i32
    %scan3A_523 = arith.addi %scan3A, %scan3A_522 : i32
    %scan3A_524 = arith.constant 1 : i32
    scf.for %scan3A_526 = %scan3A to %scan3A_523 step %scan3A_524  : i32 {
      %mul3A_527 = arith.constant 1 : i32
      %mul3A_528 = arith.muli %scan3A_526, %mul3A_527 : i32
      %add3A_529 = arith.constant 0 : i32
      %add3A_530 = arith.addi %add3A_529, %mul3A_528 : i32
      %mul3A_531 = arith.constant 2 : i32
      %mul3A_532 = arith.muli %add3A_530, %mul3A_531 : i32
      %dma_wait3A = arith.constant 0 : i32
      %dma_wait3A_533 = arith.constant 0 : i32
      %dma_wait3A_534 = arith.constant 0 : i32
      %dma_wait3A_535 = tpu.memref_slice %arg6[%dma_wait3A, %dma_wait3A_533, %dma_wait3A_534] : memref<16x16x128xf32, #tpu.memory_space<vmem>> -> memref<1x16x128xf32, #tpu.memory_space<vmem>>
      %dma_wait3A_536 = tpu.memref_squeeze %dma_wait3A_535 : memref<1x16x128xf32, #tpu.memory_space<vmem>> -> memref<16x128xf32, #tpu.memory_space<vmem>>
      %dma_wait3A_537 = arith.constant 0 : i32
      %dma_wait3A_538 = arith.constant 0 : i32
      %dma_wait3A_539 = tpu.memref_slice %arg2[%dma_wait3A_537, %dma_wait3A_538] : memref<16x1000000xf32, #tpu.memory_space<hbm>> -> memref<16x128xf32, #tpu.memory_space<hbm>>
      %dma_wait3A_540 = arith.constant 0 : i32
      %dma_wait3A_541 = arith.constant 0 : i32
      %dma_wait3A_542 = tpu.memref_slice %arg6[%dma_wait3A, %dma_wait3A_540, %dma_wait3A_541] : memref<16x16x128xf32, #tpu.memory_space<vmem>> -> memref<1x16x128xf32, #tpu.memory_space<vmem>>
      %dma_wait3A_543 = tpu.memref_squeeze %dma_wait3A_542 : memref<1x16x128xf32, #tpu.memory_space<vmem>> -> memref<16x128xf32, #tpu.memory_space<vmem>>
      %dma_wait3A_544 = arith.constant 0 : i32
      %dma_wait3A_545 = arith.constant 0 : i32
      %dma_wait3A_546 = tpu.memref_slice %arg2[%dma_wait3A_544, %dma_wait3A_545] : memref<16x1000000xf32, #tpu.memory_space<hbm>> -> memref<16x128xf32, #tpu.memory_space<hbm>>
      tpu.wait_dma2 semaphore(%arg9 : memref<!tpu.dma_semaphore, #tpu.memory_space<semaphore_mem>>) src(%dma_wait3A_546 : memref<16x128xf32, #tpu.memory_space<hbm>>) dst(%dma_wait3A_543 : memref<16x128xf32, #tpu.memory_space<vmem>>)
      %dma_wait3A_547 = arith.constant 1 : i32
      %dma_wait3A_548 = arith.constant 0 : i32
      %dma_wait3A_549 = arith.constant 0 : i32
      %dma_wait3A_550 = tpu.memref_slice %arg6[%dma_wait3A_547, %dma_wait3A_548, %dma_wait3A_549] : memref<16x16x128xf32, #tpu.memory_space<vmem>> -> memref<1x16x128xf32, #tpu.memory_space<vmem>>
      %dma_wait3A_551 = tpu.memref_squeeze %dma_wait3A_550 : memref<1x16x128xf32, #tpu.memory_space<vmem>> -> memref<16x128xf32, #tpu.memory_space<vmem>>
      %dma_wait3A_552 = arith.constant 0 : i32
      %dma_wait3A_553 = arith.constant 0 : i32
      %dma_wait3A_554 = tpu.memref_slice %arg2[%dma_wait3A_552, %dma_wait3A_553] : memref<16x1000000xf32, #tpu.memory_space<hbm>> -> memref<16x128xf32, #tpu.memory_space<hbm>>
      %dma_wait3A_555 = arith.constant 0 : i32
      %dma_wait3A_556 = arith.constant 0 : i32
      %dma_wait3A_557 = tpu.memref_slice %arg6[%dma_wait3A_547, %dma_wait3A_555, %dma_wait3A_556] : memref<16x16x128xf32, #tpu.memory_space<vmem>> -> memref<1x16x128xf32, #tpu.memory_space<vmem>>
      %dma_wait3A_558 = tpu.memref_squeeze %dma_wait3A_557 : memref<1x16x128xf32, #tpu.memory_space<vmem>> -> memref<16x128xf32, #tpu.memory_space<vmem>>
      %dma_wait3A_559 = arith.constant 0 : i32
      %dma_wait3A_560 = arith.constant 0 : i32
      %dma_wait3A_561 = tpu.memref_slice %arg2[%dma_wait3A_559, %dma_wait3A_560] : memref<16x1000000xf32, #tpu.memory_space<hbm>> -> memref<16x128xf32, #tpu.memory_space<hbm>>
      tpu.wait_dma2 semaphore(%arg9 : memref<!tpu.dma_semaphore, #tpu.memory_space<semaphore_mem>>) src(%dma_wait3A_561 : memref<16x128xf32, #tpu.memory_space<hbm>>) dst(%dma_wait3A_558 : memref<16x128xf32, #tpu.memory_space<vmem>>)
      %dma_wait3A_562 = arith.constant 2 : i32
      %dma_wait3A_563 = arith.constant 0 : i32
      %dma_wait3A_564 = arith.constant 0 : i32
      %dma_wait3A_565 = tpu.memref_slice %arg6[%dma_wait3A_562, %dma_wait3A_563, %dma_wait3A_564] : memref<16x16x128xf32, #tpu.memory_space<vmem>> -> memref<1x16x128xf32, #tpu.memory_space<vmem>>
      %dma_wait3A_566 = tpu.memref_squeeze %dma_wait3A_565 : memref<1x16x128xf32, #tpu.memory_space<vmem>> -> memref<16x128xf32, #tpu.memory_space<vmem>>
      %dma_wait3A_567 = arith.constant 0 : i32
      %dma_wait3A_568 = arith.constant 0 : i32
      %dma_wait3A_569 = tpu.memref_slice %arg2[%dma_wait3A_567, %dma_wait3A_568] : memref<16x1000000xf32, #tpu.memory_space<hbm>> -> memref<16x128xf32, #tpu.memory_space<hbm>>
      %dma_wait3A_570 = arith.constant 0 : i32
      %dma_wait3A_571 = arith.constant 0 : i32
      %dma_wait3A_572 = tpu.memref_slice %arg6[%dma_wait3A_562, %dma_wait3A_570, %dma_wait3A_571] : memref<16x16x128xf32, #tpu.memory_space<vmem>> -> memref<1x16x128xf32, #tpu.memory_space<vmem>>
      %dma_wait3A_573 = tpu.memref_squeeze %dma_wait3A_572 : memref<1x16x128xf32, #tpu.memory_space<vmem>> -> memref<16x128xf32, #tpu.memory_space<vmem>>
      %dma_wait3A_574 = arith.constant 0 : i32
      %dma_wait3A_575 = arith.constant 0 : i32
      %dma_wait3A_576 = tpu.memref_slice %arg2[%dma_wait3A_574, %dma_wait3A_575] : memref<16x1000000xf32, #tpu.memory_space<hbm>> -> memref<16x128xf32, #tpu.memory_space<hbm>>
      tpu.wait_dma2 semaphore(%arg9 : memref<!tpu.dma_semaphore, #tpu.memory_space<semaphore_mem>>) src(%dma_wait3A_576 : memref<16x128xf32, #tpu.memory_space<hbm>>) dst(%dma_wait3A_573 : memref<16x128xf32, #tpu.memory_space<vmem>>)
      %dma_wait3A_577 = arith.constant 3 : i32
      %dma_wait3A_578 = arith.constant 0 : i32
      %dma_wait3A_579 = arith.constant 0 : i32
      %dma_wait3A_580 = tpu.memref_slice %arg6[%dma_wait3A_577, %dma_wait3A_578, %dma_wait3A_579] : memref<16x16x128xf32, #tpu.memory_space<vmem>> -> memref<1x16x128xf32, #tpu.memory_space<vmem>>
      %dma_wait3A_581 = tpu.memref_squeeze %dma_wait3A_580 : memref<1x16x128xf32, #tpu.memory_space<vmem>> -> memref<16x128xf32, #tpu.memory_space<vmem>>
      %dma_wait3A_582 = arith.constant 0 : i32
      %dma_wait3A_583 = arith.constant 0 : i32
      %dma_wait3A_584 = tpu.memref_slice %arg2[%dma_wait3A_582, %dma_wait3A_583] : memref<16x1000000xf32, #tpu.memory_space<hbm>> -> memref<16x128xf32, #tpu.memory_space<hbm>>
      %dma_wait3A_585 = arith.constant 0 : i32
      %dma_wait3A_586 = arith.constant 0 : i32
      %dma_wait3A_587 = tpu.memref_slice %arg6[%dma_wait3A_577, %dma_wait3A_585, %dma_wait3A_586] : memref<16x16x128xf32, #tpu.memory_space<vmem>> -> memref<1x16x128xf32, #tpu.memory_space<vmem>>
      %dma_wait3A_588 = tpu.memref_squeeze %dma_wait3A_587 : memref<1x16x128xf32, #tpu.memory_space<vmem>> -> memref<16x128xf32, #tpu.memory_space<vmem>>
      %dma_wait3A_589 = arith.constant 0 : i32
      %dma_wait3A_590 = arith.constant 0 : i32
      %dma_wait3A_591 = tpu.memref_slice %arg2[%dma_wait3A_589, %dma_wait3A_590] : memref<16x1000000xf32, #tpu.memory_space<hbm>> -> memref<16x128xf32, #tpu.memory_space<hbm>>
      tpu.wait_dma2 semaphore(%arg9 : memref<!tpu.dma_semaphore, #tpu.memory_space<semaphore_mem>>) src(%dma_wait3A_591 : memref<16x128xf32, #tpu.memory_space<hbm>>) dst(%dma_wait3A_588 : memref<16x128xf32, #tpu.memory_space<vmem>>)
      %dma_wait3A_592 = arith.constant 4 : i32
      %dma_wait3A_593 = arith.constant 0 : i32
      %dma_wait3A_594 = arith.constant 0 : i32
      %dma_wait3A_595 = tpu.memref_slice %arg6[%dma_wait3A_592, %dma_wait3A_593, %dma_wait3A_594] : memref<16x16x128xf32, #tpu.memory_space<vmem>> -> memref<1x16x128xf32, #tpu.memory_space<vmem>>
      %dma_wait3A_596 = tpu.memref_squeeze %dma_wait3A_595 : memref<1x16x128xf32, #tpu.memory_space<vmem>> -> memref<16x128xf32, #tpu.memory_space<vmem>>
      %dma_wait3A_597 = arith.constant 0 : i32
      %dma_wait3A_598 = arith.constant 0 : i32
      %dma_wait3A_599 = tpu.memref_slice %arg2[%dma_wait3A_597, %dma_wait3A_598] : memref<16x1000000xf32, #tpu.memory_space<hbm>> -> memref<16x128xf32, #tpu.memory_space<hbm>>
      %dma_wait3A_600 = arith.constant 0 : i32
      %dma_wait3A_601 = arith.constant 0 : i32
      %dma_wait3A_602 = tpu.memref_slice %arg6[%dma_wait3A_592, %dma_wait3A_600, %dma_wait3A_601] : memref<16x16x128xf32, #tpu.memory_space<vmem>> -> memref<1x16x128xf32, #tpu.memory_space<vmem>>
      %dma_wait3A_603 = tpu.memref_squeeze %dma_wait3A_602 : memref<1x16x128xf32, #tpu.memory_space<vmem>> -> memref<16x128xf32, #tpu.memory_space<vmem>>
      %dma_wait3A_604 = arith.constant 0 : i32
      %dma_wait3A_605 = arith.constant 0 : i32
      %dma_wait3A_606 = tpu.memref_slice %arg2[%dma_wait3A_604, %dma_wait3A_605] : memref<16x1000000xf32, #tpu.memory_space<hbm>> -> memref<16x128xf32, #tpu.memory_space<hbm>>
      tpu.wait_dma2 semaphore(%arg9 : memref<!tpu.dma_semaphore, #tpu.memory_space<semaphore_mem>>) src(%dma_wait3A_606 : memref<16x128xf32, #tpu.memory_space<hbm>>) dst(%dma_wait3A_603 : memref<16x128xf32, #tpu.memory_space<vmem>>)
      %dma_wait3A_607 = arith.constant 5 : i32
      %dma_wait3A_608 = arith.constant 0 : i32
      %dma_wait3A_609 = arith.constant 0 : i32
      %dma_wait3A_610 = tpu.memref_slice %arg6[%dma_wait3A_607, %dma_wait3A_608, %dma_wait3A_609] : memref<16x16x128xf32, #tpu.memory_space<vmem>> -> memref<1x16x128xf32, #tpu.memory_space<vmem>>
      %dma_wait3A_611 = tpu.memref_squeeze %dma_wait3A_610 : memref<1x16x128xf32, #tpu.memory_space<vmem>> -> memref<16x128xf32, #tpu.memory_space<vmem>>
      %dma_wait3A_612 = arith.constant 0 : i32
      %dma_wait3A_613 = arith.constant 0 : i32
      %dma_wait3A_614 = tpu.memref_slice %arg2[%dma_wait3A_612, %dma_wait3A_613] : memref<16x1000000xf32, #tpu.memory_space<hbm>> -> memref<16x128xf32, #tpu.memory_space<hbm>>
      %dma_wait3A_615 = arith.constant 0 : i32
      %dma_wait3A_616 = arith.constant 0 : i32
      %dma_wait3A_617 = tpu.memref_slice %arg6[%dma_wait3A_607, %dma_wait3A_615, %dma_wait3A_616] : memref<16x16x128xf32, #tpu.memory_space<vmem>> -> memref<1x16x128xf32, #tpu.memory_space<vmem>>
      %dma_wait3A_618 = tpu.memref_squeeze %dma_wait3A_617 : memref<1x16x128xf32, #tpu.memory_space<vmem>> -> memref<16x128xf32, #tpu.memory_space<vmem>>
      %dma_wait3A_619 = arith.constant 0 : i32
      %dma_wait3A_620 = arith.constant 0 : i32
      %dma_wait3A_621 = tpu.memref_slice %arg2[%dma_wait3A_619, %dma_wait3A_620] : memref<16x1000000xf32, #tpu.memory_space<hbm>> -> memref<16x128xf32, #tpu.memory_space<hbm>>
      tpu.wait_dma2 semaphore(%arg9 : memref<!tpu.dma_semaphore, #tpu.memory_space<semaphore_mem>>) src(%dma_wait3A_621 : memref<16x128xf32, #tpu.memory_space<hbm>>) dst(%dma_wait3A_618 : memref<16x128xf32, #tpu.memory_space<vmem>>)
      %dma_wait3A_622 = arith.constant 6 : i32
      %dma_wait3A_623 = arith.constant 0 : i32
      %dma_wait3A_624 = arith.constant 0 : i32
      %dma_wait3A_625 = tpu.memref_slice %arg6[%dma_wait3A_622, %dma_wait3A_623, %dma_wait3A_624] : memref<16x16x128xf32, #tpu.memory_space<vmem>> -> memref<1x16x128xf32, #tpu.memory_space<vmem>>
      %dma_wait3A_626 = tpu.memref_squeeze %dma_wait3A_625 : memref<1x16x128xf32, #tpu.memory_space<vmem>> -> memref<16x128xf32, #tpu.memory_space<vmem>>
      %dma_wait3A_627 = arith.constant 0 : i32
      %dma_wait3A_628 = arith.constant 0 : i32
      %dma_wait3A_629 = tpu.memref_slice %arg2[%dma_wait3A_627, %dma_wait3A_628] : memref<16x1000000xf32, #tpu.memory_space<hbm>> -> memref<16x128xf32, #tpu.memory_space<hbm>>
      %dma_wait3A_630 = arith.constant 0 : i32
      %dma_wait3A_631 = arith.constant 0 : i32
      %dma_wait3A_632 = tpu.memref_slice %arg6[%dma_wait3A_622, %dma_wait3A_630, %dma_wait3A_631] : memref<16x16x128xf32, #tpu.memory_space<vmem>> -> memref<1x16x128xf32, #tpu.memory_space<vmem>>
      %dma_wait3A_633 = tpu.memref_squeeze %dma_wait3A_632 : memref<1x16x128xf32, #tpu.memory_space<vmem>> -> memref<16x128xf32, #tpu.memory_space<vmem>>
      %dma_wait3A_634 = arith.constant 0 : i32
      %dma_wait3A_635 = arith.constant 0 : i32
      %dma_wait3A_636 = tpu.memref_slice %arg2[%dma_wait3A_634, %dma_wait3A_635] : memref<16x1000000xf32, #tpu.memory_space<hbm>> -> memref<16x128xf32, #tpu.memory_space<hbm>>
      tpu.wait_dma2 semaphore(%arg9 : memref<!tpu.dma_semaphore, #tpu.memory_space<semaphore_mem>>) src(%dma_wait3A_636 : memref<16x128xf32, #tpu.memory_space<hbm>>) dst(%dma_wait3A_633 : memref<16x128xf32, #tpu.memory_space<vmem>>)
      %dma_wait3A_637 = arith.constant 7 : i32
      %dma_wait3A_638 = arith.constant 0 : i32
      %dma_wait3A_639 = arith.constant 0 : i32
      %dma_wait3A_640 = tpu.memref_slice %arg6[%dma_wait3A_637, %dma_wait3A_638, %dma_wait3A_639] : memref<16x16x128xf32, #tpu.memory_space<vmem>> -> memref<1x16x128xf32, #tpu.memory_space<vmem>>
      %dma_wait3A_641 = tpu.memref_squeeze %dma_wait3A_640 : memref<1x16x128xf32, #tpu.memory_space<vmem>> -> memref<16x128xf32, #tpu.memory_space<vmem>>
      %dma_wait3A_642 = arith.constant 0 : i32
      %dma_wait3A_643 = arith.constant 0 : i32
      %dma_wait3A_644 = tpu.memref_slice %arg2[%dma_wait3A_642, %dma_wait3A_643] : memref<16x1000000xf32, #tpu.memory_space<hbm>> -> memref<16x128xf32, #tpu.memory_space<hbm>>
      %dma_wait3A_645 = arith.constant 0 : i32
      %dma_wait3A_646 = arith.constant 0 : i32
      %dma_wait3A_647 = tpu.memref_slice %arg6[%dma_wait3A_637, %dma_wait3A_645, %dma_wait3A_646] : memref<16x16x128xf32, #tpu.memory_space<vmem>> -> memref<1x16x128xf32, #tpu.memory_space<vmem>>
      %dma_wait3A_648 = tpu.memref_squeeze %dma_wait3A_647 : memref<1x16x128xf32, #tpu.memory_space<vmem>> -> memref<16x128xf32, #tpu.memory_space<vmem>>
      %dma_wait3A_649 = arith.constant 0 : i32
      %dma_wait3A_650 = arith.constant 0 : i32
      %dma_wait3A_651 = tpu.memref_slice %arg2[%dma_wait3A_649, %dma_wait3A_650] : memref<16x1000000xf32, #tpu.memory_space<hbm>> -> memref<16x128xf32, #tpu.memory_space<hbm>>
      tpu.wait_dma2 semaphore(%arg9 : memref<!tpu.dma_semaphore, #tpu.memory_space<semaphore_mem>>) src(%dma_wait3A_651 : memref<16x128xf32, #tpu.memory_space<hbm>>) dst(%dma_wait3A_648 : memref<16x128xf32, #tpu.memory_space<vmem>>)
      %dma_wait3A_652 = arith.constant 8 : i32
      %dma_wait3A_653 = arith.constant 0 : i32
      %dma_wait3A_654 = arith.constant 0 : i32
      %dma_wait3A_655 = tpu.memref_slice %arg6[%dma_wait3A_652, %dma_wait3A_653, %dma_wait3A_654] : memref<16x16x128xf32, #tpu.memory_space<vmem>> -> memref<1x16x128xf32, #tpu.memory_space<vmem>>
      %dma_wait3A_656 = tpu.memref_squeeze %dma_wait3A_655 : memref<1x16x128xf32, #tpu.memory_space<vmem>> -> memref<16x128xf32, #tpu.memory_space<vmem>>
      %dma_wait3A_657 = arith.constant 0 : i32
      %dma_wait3A_658 = arith.constant 0 : i32
      %dma_wait3A_659 = tpu.memref_slice %arg2[%dma_wait3A_657, %dma_wait3A_658] : memref<16x1000000xf32, #tpu.memory_space<hbm>> -> memref<16x128xf32, #tpu.memory_space<hbm>>
      %dma_wait3A_660 = arith.constant 0 : i32
      %dma_wait3A_661 = arith.constant 0 : i32
      %dma_wait3A_662 = tpu.memref_slice %arg6[%dma_wait3A_652, %dma_wait3A_660, %dma_wait3A_661] : memref<16x16x128xf32, #tpu.memory_space<vmem>> -> memref<1x16x128xf32, #tpu.memory_space<vmem>>
      %dma_wait3A_663 = tpu.memref_squeeze %dma_wait3A_662 : memref<1x16x128xf32, #tpu.memory_space<vmem>> -> memref<16x128xf32, #tpu.memory_space<vmem>>
      %dma_wait3A_664 = arith.constant 0 : i32
      %dma_wait3A_665 = arith.constant 0 : i32
      %dma_wait3A_666 = tpu.memref_slice %arg2[%dma_wait3A_664, %dma_wait3A_665] : memref<16x1000000xf32, #tpu.memory_space<hbm>> -> memref<16x128xf32, #tpu.memory_space<hbm>>
      tpu.wait_dma2 semaphore(%arg9 : memref<!tpu.dma_semaphore, #tpu.memory_space<semaphore_mem>>) src(%dma_wait3A_666 : memref<16x128xf32, #tpu.memory_space<hbm>>) dst(%dma_wait3A_663 : memref<16x128xf32, #tpu.memory_space<vmem>>)
      %dma_wait3A_667 = arith.constant 9 : i32
      %dma_wait3A_668 = arith.constant 0 : i32
      %dma_wait3A_669 = arith.constant 0 : i32
      %dma_wait3A_670 = tpu.memref_slice %arg6[%dma_wait3A_667, %dma_wait3A_668, %dma_wait3A_669] : memref<16x16x128xf32, #tpu.memory_space<vmem>> -> memref<1x16x128xf32, #tpu.memory_space<vmem>>
      %dma_wait3A_671 = tpu.memref_squeeze %dma_wait3A_670 : memref<1x16x128xf32, #tpu.memory_space<vmem>> -> memref<16x128xf32, #tpu.memory_space<vmem>>
      %dma_wait3A_672 = arith.constant 0 : i32
      %dma_wait3A_673 = arith.constant 0 : i32
      %dma_wait3A_674 = tpu.memref_slice %arg2[%dma_wait3A_672, %dma_wait3A_673] : memref<16x1000000xf32, #tpu.memory_space<hbm>> -> memref<16x128xf32, #tpu.memory_space<hbm>>
      %dma_wait3A_675 = arith.constant 0 : i32
      %dma_wait3A_676 = arith.constant 0 : i32
      %dma_wait3A_677 = tpu.memref_slice %arg6[%dma_wait3A_667, %dma_wait3A_675, %dma_wait3A_676] : memref<16x16x128xf32, #tpu.memory_space<vmem>> -> memref<1x16x128xf32, #tpu.memory_space<vmem>>
      %dma_wait3A_678 = tpu.memref_squeeze %dma_wait3A_677 : memref<1x16x128xf32, #tpu.memory_space<vmem>> -> memref<16x128xf32, #tpu.memory_space<vmem>>
      %dma_wait3A_679 = arith.constant 0 : i32
      %dma_wait3A_680 = arith.constant 0 : i32
      %dma_wait3A_681 = tpu.memref_slice %arg2[%dma_wait3A_679, %dma_wait3A_680] : memref<16x1000000xf32, #tpu.memory_space<hbm>> -> memref<16x128xf32, #tpu.memory_space<hbm>>
      tpu.wait_dma2 semaphore(%arg9 : memref<!tpu.dma_semaphore, #tpu.memory_space<semaphore_mem>>) src(%dma_wait3A_681 : memref<16x128xf32, #tpu.memory_space<hbm>>) dst(%dma_wait3A_678 : memref<16x128xf32, #tpu.memory_space<vmem>>)
      %dma_wait3A_682 = arith.constant 10 : i32
      %dma_wait3A_683 = arith.constant 0 : i32
      %dma_wait3A_684 = arith.constant 0 : i32
      %dma_wait3A_685 = tpu.memref_slice %arg6[%dma_wait3A_682, %dma_wait3A_683, %dma_wait3A_684] : memref<16x16x128xf32, #tpu.memory_space<vmem>> -> memref<1x16x128xf32, #tpu.memory_space<vmem>>
      %dma_wait3A_686 = tpu.memref_squeeze %dma_wait3A_685 : memref<1x16x128xf32, #tpu.memory_space<vmem>> -> memref<16x128xf32, #tpu.memory_space<vmem>>
      %dma_wait3A_687 = arith.constant 0 : i32
      %dma_wait3A_688 = arith.constant 0 : i32
      %dma_wait3A_689 = tpu.memref_slice %arg2[%dma_wait3A_687, %dma_wait3A_688] : memref<16x1000000xf32, #tpu.memory_space<hbm>> -> memref<16x128xf32, #tpu.memory_space<hbm>>
      %dma_wait3A_690 = arith.constant 0 : i32
      %dma_wait3A_691 = arith.constant 0 : i32
      %dma_wait3A_692 = tpu.memref_slice %arg6[%dma_wait3A_682, %dma_wait3A_690, %dma_wait3A_691] : memref<16x16x128xf32, #tpu.memory_space<vmem>> -> memref<1x16x128xf32, #tpu.memory_space<vmem>>
      %dma_wait3A_693 = tpu.memref_squeeze %dma_wait3A_692 : memref<1x16x128xf32, #tpu.memory_space<vmem>> -> memref<16x128xf32, #tpu.memory_space<vmem>>
      %dma_wait3A_694 = arith.constant 0 : i32
      %dma_wait3A_695 = arith.constant 0 : i32
      %dma_wait3A_696 = tpu.memref_slice %arg2[%dma_wait3A_694, %dma_wait3A_695] : memref<16x1000000xf32, #tpu.memory_space<hbm>> -> memref<16x128xf32, #tpu.memory_space<hbm>>
      tpu.wait_dma2 semaphore(%arg9 : memref<!tpu.dma_semaphore, #tpu.memory_space<semaphore_mem>>) src(%dma_wait3A_696 : memref<16x128xf32, #tpu.memory_space<hbm>>) dst(%dma_wait3A_693 : memref<16x128xf32, #tpu.memory_space<vmem>>)
      %dma_wait3A_697 = arith.constant 11 : i32
      %dma_wait3A_698 = arith.constant 0 : i32
      %dma_wait3A_699 = arith.constant 0 : i32
      %dma_wait3A_700 = tpu.memref_slice %arg6[%dma_wait3A_697, %dma_wait3A_698, %dma_wait3A_699] : memref<16x16x128xf32, #tpu.memory_space<vmem>> -> memref<1x16x128xf32, #tpu.memory_space<vmem>>
      %dma_wait3A_701 = tpu.memref_squeeze %dma_wait3A_700 : memref<1x16x128xf32, #tpu.memory_space<vmem>> -> memref<16x128xf32, #tpu.memory_space<vmem>>
      %dma_wait3A_702 = arith.constant 0 : i32
      %dma_wait3A_703 = arith.constant 0 : i32
      %dma_wait3A_704 = tpu.memref_slice %arg2[%dma_wait3A_702, %dma_wait3A_703] : memref<16x1000000xf32, #tpu.memory_space<hbm>> -> memref<16x128xf32, #tpu.memory_space<hbm>>
      %dma_wait3A_705 = arith.constant 0 : i32
      %dma_wait3A_706 = arith.constant 0 : i32
      %dma_wait3A_707 = tpu.memref_slice %arg6[%dma_wait3A_697, %dma_wait3A_705, %dma_wait3A_706] : memref<16x16x128xf32, #tpu.memory_space<vmem>> -> memref<1x16x128xf32, #tpu.memory_space<vmem>>
      %dma_wait3A_708 = tpu.memref_squeeze %dma_wait3A_707 : memref<1x16x128xf32, #tpu.memory_space<vmem>> -> memref<16x128xf32, #tpu.memory_space<vmem>>
      %dma_wait3A_709 = arith.constant 0 : i32
      %dma_wait3A_710 = arith.constant 0 : i32
      %dma_wait3A_711 = tpu.memref_slice %arg2[%dma_wait3A_709, %dma_wait3A_710] : memref<16x1000000xf32, #tpu.memory_space<hbm>> -> memref<16x128xf32, #tpu.memory_space<hbm>>
      tpu.wait_dma2 semaphore(%arg9 : memref<!tpu.dma_semaphore, #tpu.memory_space<semaphore_mem>>) src(%dma_wait3A_711 : memref<16x128xf32, #tpu.memory_space<hbm>>) dst(%dma_wait3A_708 : memref<16x128xf32, #tpu.memory_space<vmem>>)
      %dma_wait3A_712 = arith.constant 12 : i32
      %dma_wait3A_713 = arith.constant 0 : i32
      %dma_wait3A_714 = arith.constant 0 : i32
      %dma_wait3A_715 = tpu.memref_slice %arg6[%dma_wait3A_712, %dma_wait3A_713, %dma_wait3A_714] : memref<16x16x128xf32, #tpu.memory_space<vmem>> -> memref<1x16x128xf32, #tpu.memory_space<vmem>>
      %dma_wait3A_716 = tpu.memref_squeeze %dma_wait3A_715 : memref<1x16x128xf32, #tpu.memory_space<vmem>> -> memref<16x128xf32, #tpu.memory_space<vmem>>
      %dma_wait3A_717 = arith.constant 0 : i32
      %dma_wait3A_718 = arith.constant 0 : i32
      %dma_wait3A_719 = tpu.memref_slice %arg2[%dma_wait3A_717, %dma_wait3A_718] : memref<16x1000000xf32, #tpu.memory_space<hbm>> -> memref<16x128xf32, #tpu.memory_space<hbm>>
      %dma_wait3A_720 = arith.constant 0 : i32
      %dma_wait3A_721 = arith.constant 0 : i32
      %dma_wait3A_722 = tpu.memref_slice %arg6[%dma_wait3A_712, %dma_wait3A_720, %dma_wait3A_721] : memref<16x16x128xf32, #tpu.memory_space<vmem>> -> memref<1x16x128xf32, #tpu.memory_space<vmem>>
      %dma_wait3A_723 = tpu.memref_squeeze %dma_wait3A_722 : memref<1x16x128xf32, #tpu.memory_space<vmem>> -> memref<16x128xf32, #tpu.memory_space<vmem>>
      %dma_wait3A_724 = arith.constant 0 : i32
      %dma_wait3A_725 = arith.constant 0 : i32
      %dma_wait3A_726 = tpu.memref_slice %arg2[%dma_wait3A_724, %dma_wait3A_725] : memref<16x1000000xf32, #tpu.memory_space<hbm>> -> memref<16x128xf32, #tpu.memory_space<hbm>>
      tpu.wait_dma2 semaphore(%arg9 : memref<!tpu.dma_semaphore, #tpu.memory_space<semaphore_mem>>) src(%dma_wait3A_726 : memref<16x128xf32, #tpu.memory_space<hbm>>) dst(%dma_wait3A_723 : memref<16x128xf32, #tpu.memory_space<vmem>>)
      %dma_wait3A_727 = arith.constant 13 : i32
      %dma_wait3A_728 = arith.constant 0 : i32
      %dma_wait3A_729 = arith.constant 0 : i32
      %dma_wait3A_730 = tpu.memref_slice %arg6[%dma_wait3A_727, %dma_wait3A_728, %dma_wait3A_729] : memref<16x16x128xf32, #tpu.memory_space<vmem>> -> memref<1x16x128xf32, #tpu.memory_space<vmem>>
      %dma_wait3A_731 = tpu.memref_squeeze %dma_wait3A_730 : memref<1x16x128xf32, #tpu.memory_space<vmem>> -> memref<16x128xf32, #tpu.memory_space<vmem>>
      %dma_wait3A_732 = arith.constant 0 : i32
      %dma_wait3A_733 = arith.constant 0 : i32
      %dma_wait3A_734 = tpu.memref_slice %arg2[%dma_wait3A_732, %dma_wait3A_733] : memref<16x1000000xf32, #tpu.memory_space<hbm>> -> memref<16x128xf32, #tpu.memory_space<hbm>>
      %dma_wait3A_735 = arith.constant 0 : i32
      %dma_wait3A_736 = arith.constant 0 : i32
      %dma_wait3A_737 = tpu.memref_slice %arg6[%dma_wait3A_727, %dma_wait3A_735, %dma_wait3A_736] : memref<16x16x128xf32, #tpu.memory_space<vmem>> -> memref<1x16x128xf32, #tpu.memory_space<vmem>>
      %dma_wait3A_738 = tpu.memref_squeeze %dma_wait3A_737 : memref<1x16x128xf32, #tpu.memory_space<vmem>> -> memref<16x128xf32, #tpu.memory_space<vmem>>
      %dma_wait3A_739 = arith.constant 0 : i32
      %dma_wait3A_740 = arith.constant 0 : i32
      %dma_wait3A_741 = tpu.memref_slice %arg2[%dma_wait3A_739, %dma_wait3A_740] : memref<16x1000000xf32, #tpu.memory_space<hbm>> -> memref<16x128xf32, #tpu.memory_space<hbm>>
      tpu.wait_dma2 semaphore(%arg9 : memref<!tpu.dma_semaphore, #tpu.memory_space<semaphore_mem>>) src(%dma_wait3A_741 : memref<16x128xf32, #tpu.memory_space<hbm>>) dst(%dma_wait3A_738 : memref<16x128xf32, #tpu.memory_space<vmem>>)
      %dma_wait3A_742 = arith.constant 14 : i32
      %dma_wait3A_743 = arith.constant 0 : i32
      %dma_wait3A_744 = arith.constant 0 : i32
      %dma_wait3A_745 = tpu.memref_slice %arg6[%dma_wait3A_742, %dma_wait3A_743, %dma_wait3A_744] : memref<16x16x128xf32, #tpu.memory_space<vmem>> -> memref<1x16x128xf32, #tpu.memory_space<vmem>>
      %dma_wait3A_746 = tpu.memref_squeeze %dma_wait3A_745 : memref<1x16x128xf32, #tpu.memory_space<vmem>> -> memref<16x128xf32, #tpu.memory_space<vmem>>
      %dma_wait3A_747 = arith.constant 0 : i32
      %dma_wait3A_748 = arith.constant 0 : i32
      %dma_wait3A_749 = tpu.memref_slice %arg2[%dma_wait3A_747, %dma_wait3A_748] : memref<16x1000000xf32, #tpu.memory_space<hbm>> -> memref<16x128xf32, #tpu.memory_space<hbm>>
      %dma_wait3A_750 = arith.constant 0 : i32
      %dma_wait3A_751 = arith.constant 0 : i32
      %dma_wait3A_752 = tpu.memref_slice %arg6[%dma_wait3A_742, %dma_wait3A_750, %dma_wait3A_751] : memref<16x16x128xf32, #tpu.memory_space<vmem>> -> memref<1x16x128xf32, #tpu.memory_space<vmem>>
      %dma_wait3A_753 = tpu.memref_squeeze %dma_wait3A_752 : memref<1x16x128xf32, #tpu.memory_space<vmem>> -> memref<16x128xf32, #tpu.memory_space<vmem>>
      %dma_wait3A_754 = arith.constant 0 : i32
      %dma_wait3A_755 = arith.constant 0 : i32
      %dma_wait3A_756 = tpu.memref_slice %arg2[%dma_wait3A_754, %dma_wait3A_755] : memref<16x1000000xf32, #tpu.memory_space<hbm>> -> memref<16x128xf32, #tpu.memory_space<hbm>>
      tpu.wait_dma2 semaphore(%arg9 : memref<!tpu.dma_semaphore, #tpu.memory_space<semaphore_mem>>) src(%dma_wait3A_756 : memref<16x128xf32, #tpu.memory_space<hbm>>) dst(%dma_wait3A_753 : memref<16x128xf32, #tpu.memory_space<vmem>>)
      %dma_wait3A_757 = arith.constant 15 : i32
      %dma_wait3A_758 = arith.constant 0 : i32
      %dma_wait3A_759 = arith.constant 0 : i32
      %dma_wait3A_760 = tpu.memref_slice %arg6[%dma_wait3A_757, %dma_wait3A_758, %dma_wait3A_759] : memref<16x16x128xf32, #tpu.memory_space<vmem>> -> memref<1x16x128xf32, #tpu.memory_space<vmem>>
      %dma_wait3A_761 = tpu.memref_squeeze %dma_wait3A_760 : memref<1x16x128xf32, #tpu.memory_space<vmem>> -> memref<16x128xf32, #tpu.memory_space<vmem>>
      %dma_wait3A_762 = arith.constant 0 : i32
      %dma_wait3A_763 = arith.constant 0 : i32
      %dma_wait3A_764 = tpu.memref_slice %arg2[%dma_wait3A_762, %dma_wait3A_763] : memref<16x1000000xf32, #tpu.memory_space<hbm>> -> memref<16x128xf32, #tpu.memory_space<hbm>>
      %dma_wait3A_765 = arith.constant 0 : i32
      %dma_wait3A_766 = arith.constant 0 : i32
      %dma_wait3A_767 = tpu.memref_slice %arg6[%dma_wait3A_757, %dma_wait3A_765, %dma_wait3A_766] : memref<16x16x128xf32, #tpu.memory_space<vmem>> -> memref<1x16x128xf32, #tpu.memory_space<vmem>>
      %dma_wait3A_768 = tpu.memref_squeeze %dma_wait3A_767 : memref<1x16x128xf32, #tpu.memory_space<vmem>> -> memref<16x128xf32, #tpu.memory_space<vmem>>
      %dma_wait3A_769 = arith.constant 0 : i32
      %dma_wait3A_770 = arith.constant 0 : i32
      %dma_wait3A_771 = tpu.memref_slice %arg2[%dma_wait3A_769, %dma_wait3A_770] : memref<16x1000000xf32, #tpu.memory_space<hbm>> -> memref<16x128xf32, #tpu.memory_space<hbm>>
      tpu.wait_dma2 semaphore(%arg9 : memref<!tpu.dma_semaphore, #tpu.memory_space<semaphore_mem>>) src(%dma_wait3A_771 : memref<16x128xf32, #tpu.memory_space<hbm>>) dst(%dma_wait3A_768 : memref<16x128xf32, #tpu.memory_space<vmem>>)
      %mul3A_772 = arith.constant 16 : i32
      %mul3A_773 = arith.muli %mul3A_532, %mul3A_772 : i32
      %get3A_774 = arith.index_cast %mul3A_773 : i32 to index
      %get3A_775 = tpu.vector_load %arg5[%get3A_774] {strides = array<i32>} : memref<512xi32, #tpu.memory_space<vmem>>, vector<16xi32>,
      %and3A_776 = arith.constant 127 : i32
      %and3A_777 = vector.broadcast %and3A_776 : i32 to vector<16xi32>
      %and3A_778 = arith.andi %get3A_775, %and3A_777 : vector<16xi32>
      %slice3A_779 = vector.extract_strided_slice %and3A_778 {offsets = [0], sizes = [1], strides = [1]} : vector<16xi32> to vector<1xi32>
      %squeeze3A_780 = vector.extract %slice3A_779[0] : i32 from vector<1xi32>
      %broadcast_in_dim3A = vector.broadcast %squeeze3A_780 : i32 to vector<16xi32>
      %mul3A_781 = arith.constant 16 : i32
      %mul3A_782 = arith.muli %mul3A_532, %mul3A_781 : i32
      %add3A_783 = arith.constant 0 : i32
      %add3A_784 = arith.addi %mul3A_782, %add3A_783 : i32
      %broadcast_in_dim3A_785 = vector.broadcast %add3A_784 : i32 to vector<16xi32>
      %gather3A = arith.constant 0 : i32
      %gather3A_786 = arith.constant 0 : i32
      %gather3A_787 = arith.constant 0 : i32
      %gather3A_788 = tpu.memref_slice %arg6[%gather3A, %gather3A_786, %gather3A_787] : memref<16x16x128xf32, #tpu.memory_space<vmem>> -> memref<1x16x128xf32, #tpu.memory_space<vmem>>
      %gather3A_789 = tpu.memref_squeeze %gather3A_788 : memref<1x16x128xf32, #tpu.memory_space<vmem>> -> memref<16x128xf32, #tpu.memory_space<vmem>>
      %gather3A_790 = tpu.vector_load_idx %gather3A_789[%iota3A, %broadcast_in_dim3A] : memref<16x128xf32, #tpu.memory_space<vmem>>[vector<16xi32>, vector<16xi32>], vector<16xf32>,
      tpu.vector_store_idx %arg8[%iota3A, %broadcast_in_dim3A_785], %gather3A_790 : memref<16x512xf32, #tpu.memory_space<vmem>>[vector<16xi32>, vector<16xi32>], vector<16xf32>,
      %slice3A_791 = vector.extract_strided_slice %and3A_778 {offsets = [1], sizes = [1], strides = [1]} : vector<16xi32> to vector<1xi32>
      %squeeze3A_792 = vector.extract %slice3A_791[0] : i32 from vector<1xi32>
      %broadcast_in_dim3A_793 = vector.broadcast %squeeze3A_792 : i32 to vector<16xi32>
      %mul3A_794 = arith.constant 16 : i32
      %mul3A_795 = arith.muli %mul3A_532, %mul3A_794 : i32
      %add3A_796 = arith.constant 1 : i32
      %add3A_797 = arith.addi %mul3A_795, %add3A_796 : i32
      %broadcast_in_dim3A_798 = vector.broadcast %add3A_797 : i32 to vector<16xi32>
      %gather3A_799 = arith.constant 1 : i32
      %gather3A_800 = arith.constant 0 : i32
      %gather3A_801 = arith.constant 0 : i32
      %gather3A_802 = tpu.memref_slice %arg6[%gather3A_799, %gather3A_800, %gather3A_801] : memref<16x16x128xf32, #tpu.memory_space<vmem>> -> memref<1x16x128xf32, #tpu.memory_space<vmem>>
      %gather3A_803 = tpu.memref_squeeze %gather3A_802 : memref<1x16x128xf32, #tpu.memory_space<vmem>> -> memref<16x128xf32, #tpu.memory_space<vmem>>
      %gather3A_804 = tpu.vector_load_idx %gather3A_803[%iota3A, %broadcast_in_dim3A_793] : memref<16x128xf32, #tpu.memory_space<vmem>>[vector<16xi32>, vector<16xi32>], vector<16xf32>,
      tpu.vector_store_idx %arg8[%iota3A, %broadcast_in_dim3A_798], %gather3A_804 : memref<16x512xf32, #tpu.memory_space<vmem>>[vector<16xi32>, vector<16xi32>], vector<16xf32>,
      %slice3A_805 = vector.extract_strided_slice %and3A_778 {offsets = [2], sizes = [1], strides = [1]} : vector<16xi32> to vector<1xi32>
      %squeeze3A_806 = vector.extract %slice3A_805[0] : i32 from vector<1xi32>
      %broadcast_in_dim3A_807 = vector.broadcast %squeeze3A_806 : i32 to vector<16xi32>
      %mul3A_808 = arith.constant 16 : i32
      %mul3A_809 = arith.muli %mul3A_532, %mul3A_808 : i32
      %add3A_810 = arith.constant 2 : i32
      %add3A_811 = arith.addi %mul3A_809, %add3A_810 : i32
      %broadcast_in_dim3A_812 = vector.broadcast %add3A_811 : i32 to vector<16xi32>
      %gather3A_813 = arith.constant 2 : i32
      %gather3A_814 = arith.constant 0 : i32
      %gather3A_815 = arith.constant 0 : i32
      %gather3A_816 = tpu.memref_slice %arg6[%gather3A_813, %gather3A_814, %gather3A_815] : memref<16x16x128xf32, #tpu.memory_space<vmem>> -> memref<1x16x128xf32, #tpu.memory_space<vmem>>
      %gather3A_817 = tpu.memref_squeeze %gather3A_816 : memref<1x16x128xf32, #tpu.memory_space<vmem>> -> memref<16x128xf32, #tpu.memory_space<vmem>>
      %gather3A_818 = tpu.vector_load_idx %gather3A_817[%iota3A, %broadcast_in_dim3A_807] : memref<16x128xf32, #tpu.memory_space<vmem>>[vector<16xi32>, vector<16xi32>], vector<16xf32>,
      tpu.vector_store_idx %arg8[%iota3A, %broadcast_in_dim3A_812], %gather3A_818 : memref<16x512xf32, #tpu.memory_space<vmem>>[vector<16xi32>, vector<16xi32>], vector<16xf32>,
      %slice3A_819 = vector.extract_strided_slice %and3A_778 {offsets = [3], sizes = [1], strides = [1]} : vector<16xi32> to vector<1xi32>
      %squeeze3A_820 = vector.extract %slice3A_819[0] : i32 from vector<1xi32>
      %broadcast_in_dim3A_821 = vector.broadcast %squeeze3A_820 : i32 to vector<16xi32>
      %mul3A_822 = arith.constant 16 : i32
      %mul3A_823 = arith.muli %mul3A_532, %mul3A_822 : i32
      %add3A_824 = arith.constant 3 : i32
      %add3A_825 = arith.addi %mul3A_823, %add3A_824 : i32
      %broadcast_in_dim3A_826 = vector.broadcast %add3A_825 : i32 to vector<16xi32>
      %gather3A_827 = arith.constant 3 : i32
      %gather3A_828 = arith.constant 0 : i32
      %gather3A_829 = arith.constant 0 : i32
      %gather3A_830 = tpu.memref_slice %arg6[%gather3A_827, %gather3A_828, %gather3A_829] : memref<16x16x128xf32, #tpu.memory_space<vmem>> -> memref<1x16x128xf32, #tpu.memory_space<vmem>>
      %gather3A_831 = tpu.memref_squeeze %gather3A_830 : memref<1x16x128xf32, #tpu.memory_space<vmem>> -> memref<16x128xf32, #tpu.memory_space<vmem>>
      %gather3A_832 = tpu.vector_load_idx %gather3A_831[%iota3A, %broadcast_in_dim3A_821] : memref<16x128xf32, #tpu.memory_space<vmem>>[vector<16xi32>, vector<16xi32>], vector<16xf32>,
      tpu.vector_store_idx %arg8[%iota3A, %broadcast_in_dim3A_826], %gather3A_832 : memref<16x512xf32, #tpu.memory_space<vmem>>[vector<16xi32>, vector<16xi32>], vector<16xf32>,
      %slice3A_833 = vector.extract_strided_slice %and3A_778 {offsets = [4], sizes = [1], strides = [1]} : vector<16xi32> to vector<1xi32>
      %squeeze3A_834 = vector.extract %slice3A_833[0] : i32 from vector<1xi32>
      %broadcast_in_dim3A_835 = vector.broadcast %squeeze3A_834 : i32 to vector<16xi32>
      %mul3A_836 = arith.constant 16 : i32
      %mul3A_837 = arith.muli %mul3A_532, %mul3A_836 : i32
      %add3A_838 = arith.constant 4 : i32
      %add3A_839 = arith.addi %mul3A_837, %add3A_838 : i32
      %broadcast_in_dim3A_840 = vector.broadcast %add3A_839 : i32 to vector<16xi32>
      %gather3A_841 = arith.constant 4 : i32
      %gather3A_842 = arith.constant 0 : i32
      %gather3A_843 = arith.constant 0 : i32
      %gather3A_844 = tpu.memref_slice %arg6[%gather3A_841, %gather3A_842, %gather3A_843] : memref<16x16x128xf32, #tpu.memory_space<vmem>> -> memref<1x16x128xf32, #tpu.memory_space<vmem>>
      %gather3A_845 = tpu.memref_squeeze %gather3A_844 : memref<1x16x128xf32, #tpu.memory_space<vmem>> -> memref<16x128xf32, #tpu.memory_space<vmem>>
      %gather3A_846 = tpu.vector_load_idx %gather3A_845[%iota3A, %broadcast_in_dim3A_835] : memref<16x128xf32, #tpu.memory_space<vmem>>[vector<16xi32>, vector<16xi32>], vector<16xf32>,
      tpu.vector_store_idx %arg8[%iota3A, %broadcast_in_dim3A_840], %gather3A_846 : memref<16x512xf32, #tpu.memory_space<vmem>>[vector<16xi32>, vector<16xi32>], vector<16xf32>,
      %slice3A_847 = vector.extract_strided_slice %and3A_778 {offsets = [5], sizes = [1], strides = [1]} : vector<16xi32> to vector<1xi32>
      %squeeze3A_848 = vector.extract %slice3A_847[0] : i32 from vector<1xi32>
      %broadcast_in_dim3A_849 = vector.broadcast %squeeze3A_848 : i32 to vector<16xi32>
      %mul3A_850 = arith.constant 16 : i32
      %mul3A_851 = arith.muli %mul3A_532, %mul3A_850 : i32
      %add3A_852 = arith.constant 5 : i32
      %add3A_853 = arith.addi %mul3A_851, %add3A_852 : i32
      %broadcast_in_dim3A_854 = vector.broadcast %add3A_853 : i32 to vector<16xi32>
      %gather3A_855 = arith.constant 5 : i32
      %gather3A_856 = arith.constant 0 : i32
      %gather3A_857 = arith.constant 0 : i32
      %gather3A_858 = tpu.memref_slice %arg6[%gather3A_855, %gather3A_856, %gather3A_857] : memref<16x16x128xf32, #tpu.memory_space<vmem>> -> memref<1x16x128xf32, #tpu.memory_space<vmem>>
      %gather3A_859 = tpu.memref_squeeze %gather3A_858 : memref<1x16x128xf32, #tpu.memory_space<vmem>> -> memref<16x128xf32, #tpu.memory_space<vmem>>
      %gather3A_860 = tpu.vector_load_idx %gather3A_859[%iota3A, %broadcast_in_dim3A_849] : memref<16x128xf32, #tpu.memory_space<vmem>>[vector<16xi32>, vector<16xi32>], vector<16xf32>,
      tpu.vector_store_idx %arg8[%iota3A, %broadcast_in_dim3A_854], %gather3A_860 : memref<16x512xf32, #tpu.memory_space<vmem>>[vector<16xi32>, vector<16xi32>], vector<16xf32>,
      %slice3A_861 = vector.extract_strided_slice %and3A_778 {offsets = [6], sizes = [1], strides = [1]} : vector<16xi32> to vector<1xi32>
      %squeeze3A_862 = vector.extract %slice3A_861[0] : i32 from vector<1xi32>
      %broadcast_in_dim3A_863 = vector.broadcast %squeeze3A_862 : i32 to vector<16xi32>
      %mul3A_864 = arith.constant 16 : i32
      %mul3A_865 = arith.muli %mul3A_532, %mul3A_864 : i32
      %add3A_866 = arith.constant 6 : i32
      %add3A_867 = arith.addi %mul3A_865, %add3A_866 : i32
      %broadcast_in_dim3A_868 = vector.broadcast %add3A_867 : i32 to vector<16xi32>
      %gather3A_869 = arith.constant 6 : i32
      %gather3A_870 = arith.constant 0 : i32
      %gather3A_871 = arith.constant 0 : i32
      %gather3A_872 = tpu.memref_slice %arg6[%gather3A_869, %gather3A_870, %gather3A_871] : memref<16x16x128xf32, #tpu.memory_space<vmem>> -> memref<1x16x128xf32, #tpu.memory_space<vmem>>
      %gather3A_873 = tpu.memref_squeeze %gather3A_872 : memref<1x16x128xf32, #tpu.memory_space<vmem>> -> memref<16x128xf32, #tpu.memory_space<vmem>>
      %gather3A_874 = tpu.vector_load_idx %gather3A_873[%iota3A, %broadcast_in_dim3A_863] : memref<16x128xf32, #tpu.memory_space<vmem>>[vector<16xi32>, vector<16xi32>], vector<16xf32>,
      tpu.vector_store_idx %arg8[%iota3A, %broadcast_in_dim3A_868], %gather3A_874 : memref<16x512xf32, #tpu.memory_space<vmem>>[vector<16xi32>, vector<16xi32>], vector<16xf32>,
      %slice3A_875 = vector.extract_strided_slice %and3A_778 {offsets = [7], sizes = [1], strides = [1]} : vector<16xi32> to vector<1xi32>
      %squeeze3A_876 = vector.extract %slice3A_875[0] : i32 from vector<1xi32>
      %broadcast_in_dim3A_877 = vector.broadcast %squeeze3A_876 : i32 to vector<16xi32>
      %mul3A_878 = arith.constant 16 : i32
      %mul3A_879 = arith.muli %mul3A_532, %mul3A_878 : i32
      %add3A_880 = arith.constant 7 : i32
      %add3A_881 = arith.addi %mul3A_879, %add3A_880 : i32
      %broadcast_in_dim3A_882 = vector.broadcast %add3A_881 : i32 to vector<16xi32>
      %gather3A_883 = arith.constant 7 : i32
      %gather3A_884 = arith.constant 0 : i32
      %gather3A_885 = arith.constant 0 : i32
      %gather3A_886 = tpu.memref_slice %arg6[%gather3A_883, %gather3A_884, %gather3A_885] : memref<16x16x128xf32, #tpu.memory_space<vmem>> -> memref<1x16x128xf32, #tpu.memory_space<vmem>>
      %gather3A_887 = tpu.memref_squeeze %gather3A_886 : memref<1x16x128xf32, #tpu.memory_space<vmem>> -> memref<16x128xf32, #tpu.memory_space<vmem>>
      %gather3A_888 = tpu.vector_load_idx %gather3A_887[%iota3A, %broadcast_in_dim3A_877] : memref<16x128xf32, #tpu.memory_space<vmem>>[vector<16xi32>, vector<16xi32>], vector<16xf32>,
      tpu.vector_store_idx %arg8[%iota3A, %broadcast_in_dim3A_882], %gather3A_888 : memref<16x512xf32, #tpu.memory_space<vmem>>[vector<16xi32>, vector<16xi32>], vector<16xf32>,
      %slice3A_889 = vector.extract_strided_slice %and3A_778 {offsets = [8], sizes = [1], strides = [1]} : vector<16xi32> to vector<1xi32>
      %squeeze3A_890 = vector.extract %slice3A_889[0] : i32 from vector<1xi32>
      %broadcast_in_dim3A_891 = vector.broadcast %squeeze3A_890 : i32 to vector<16xi32>
      %mul3A_892 = arith.constant 16 : i32
      %mul3A_893 = arith.muli %mul3A_532, %mul3A_892 : i32
      %add3A_894 = arith.constant 8 : i32
      %add3A_895 = arith.addi %mul3A_893, %add3A_894 : i32
      %broadcast_in_dim3A_896 = vector.broadcast %add3A_895 : i32 to vector<16xi32>
      %gather3A_897 = arith.constant 8 : i32
      %gather3A_898 = arith.constant 0 : i32
      %gather3A_899 = arith.constant 0 : i32
      %gather3A_900 = tpu.memref_slice %arg6[%gather3A_897, %gather3A_898, %gather3A_899] : memref<16x16x128xf32, #tpu.memory_space<vmem>> -> memref<1x16x128xf32, #tpu.memory_space<vmem>>
      %gather3A_901 = tpu.memref_squeeze %gather3A_900 : memref<1x16x128xf32, #tpu.memory_space<vmem>> -> memref<16x128xf32, #tpu.memory_space<vmem>>
      %gather3A_902 = tpu.vector_load_idx %gather3A_901[%iota3A, %broadcast_in_dim3A_891] : memref<16x128xf32, #tpu.memory_space<vmem>>[vector<16xi32>, vector<16xi32>], vector<16xf32>,
      tpu.vector_store_idx %arg8[%iota3A, %broadcast_in_dim3A_896], %gather3A_902 : memref<16x512xf32, #tpu.memory_space<vmem>>[vector<16xi32>, vector<16xi32>], vector<16xf32>,
      %slice3A_903 = vector.extract_strided_slice %and3A_778 {offsets = [9], sizes = [1], strides = [1]} : vector<16xi32> to vector<1xi32>
      %squeeze3A_904 = vector.extract %slice3A_903[0] : i32 from vector<1xi32>
      %broadcast_in_dim3A_905 = vector.broadcast %squeeze3A_904 : i32 to vector<16xi32>
      %mul3A_906 = arith.constant 16 : i32
      %mul3A_907 = arith.muli %mul3A_532, %mul3A_906 : i32
      %add3A_908 = arith.constant 9 : i32
      %add3A_909 = arith.addi %mul3A_907, %add3A_908 : i32
      %broadcast_in_dim3A_910 = vector.broadcast %add3A_909 : i32 to vector<16xi32>
      %gather3A_911 = arith.constant 9 : i32
      %gather3A_912 = arith.constant 0 : i32
      %gather3A_913 = arith.constant 0 : i32
      %gather3A_914 = tpu.memref_slice %arg6[%gather3A_911, %gather3A_912, %gather3A_913] : memref<16x16x128xf32, #tpu.memory_space<vmem>> -> memref<1x16x128xf32, #tpu.memory_space<vmem>>
      %gather3A_915 = tpu.memref_squeeze %gather3A_914 : memref<1x16x128xf32, #tpu.memory_space<vmem>> -> memref<16x128xf32, #tpu.memory_space<vmem>>
      %gather3A_916 = tpu.vector_load_idx %gather3A_915[%iota3A, %broadcast_in_dim3A_905] : memref<16x128xf32, #tpu.memory_space<vmem>>[vector<16xi32>, vector<16xi32>], vector<16xf32>,
      tpu.vector_store_idx %arg8[%iota3A, %broadcast_in_dim3A_910], %gather3A_916 : memref<16x512xf32, #tpu.memory_space<vmem>>[vector<16xi32>, vector<16xi32>], vector<16xf32>,
      %slice3A_917 = vector.extract_strided_slice %and3A_778 {offsets = [10], sizes = [1], strides = [1]} : vector<16xi32> to vector<1xi32>
      %squeeze3A_918 = vector.extract %slice3A_917[0] : i32 from vector<1xi32>
      %broadcast_in_dim3A_919 = vector.broadcast %squeeze3A_918 : i32 to vector<16xi32>
      %mul3A_920 = arith.constant 16 : i32
      %mul3A_921 = arith.muli %mul3A_532, %mul3A_920 : i32
      %add3A_922 = arith.constant 10 : i32
      %add3A_923 = arith.addi %mul3A_921, %add3A_922 : i32
      %broadcast_in_dim3A_924 = vector.broadcast %add3A_923 : i32 to vector<16xi32>
      %gather3A_925 = arith.constant 10 : i32
      %gather3A_926 = arith.constant 0 : i32
      %gather3A_927 = arith.constant 0 : i32
      %gather3A_928 = tpu.memref_slice %arg6[%gather3A_925, %gather3A_926, %gather3A_927] : memref<16x16x128xf32, #tpu.memory_space<vmem>> -> memref<1x16x128xf32, #tpu.memory_space<vmem>>
      %gather3A_929 = tpu.memref_squeeze %gather3A_928 : memref<1x16x128xf32, #tpu.memory_space<vmem>> -> memref<16x128xf32, #tpu.memory_space<vmem>>
      %gather3A_930 = tpu.vector_load_idx %gather3A_929[%iota3A, %broadcast_in_dim3A_919] : memref<16x128xf32, #tpu.memory_space<vmem>>[vector<16xi32>, vector<16xi32>], vector<16xf32>,
      tpu.vector_store_idx %arg8[%iota3A, %broadcast_in_dim3A_924], %gather3A_930 : memref<16x512xf32, #tpu.memory_space<vmem>>[vector<16xi32>, vector<16xi32>], vector<16xf32>,
      %slice3A_931 = vector.extract_strided_slice %and3A_778 {offsets = [11], sizes = [1], strides = [1]} : vector<16xi32> to vector<1xi32>
      %squeeze3A_932 = vector.extract %slice3A_931[0] : i32 from vector<1xi32>
      %broadcast_in_dim3A_933 = vector.broadcast %squeeze3A_932 : i32 to vector<16xi32>
      %mul3A_934 = arith.constant 16 : i32
      %mul3A_935 = arith.muli %mul3A_532, %mul3A_934 : i32
      %add3A_936 = arith.constant 11 : i32
      %add3A_937 = arith.addi %mul3A_935, %add3A_936 : i32
      %broadcast_in_dim3A_938 = vector.broadcast %add3A_937 : i32 to vector<16xi32>
      %gather3A_939 = arith.constant 11 : i32
      %gather3A_940 = arith.constant 0 : i32
      %gather3A_941 = arith.constant 0 : i32
      %gather3A_942 = tpu.memref_slice %arg6[%gather3A_939, %gather3A_940, %gather3A_941] : memref<16x16x128xf32, #tpu.memory_space<vmem>> -> memref<1x16x128xf32, #tpu.memory_space<vmem>>
      %gather3A_943 = tpu.memref_squeeze %gather3A_942 : memref<1x16x128xf32, #tpu.memory_space<vmem>> -> memref<16x128xf32, #tpu.memory_space<vmem>>
      %gather3A_944 = tpu.vector_load_idx %gather3A_943[%iota3A, %broadcast_in_dim3A_933] : memref<16x128xf32, #tpu.memory_space<vmem>>[vector<16xi32>, vector<16xi32>], vector<16xf32>,
      tpu.vector_store_idx %arg8[%iota3A, %broadcast_in_dim3A_938], %gather3A_944 : memref<16x512xf32, #tpu.memory_space<vmem>>[vector<16xi32>, vector<16xi32>], vector<16xf32>,
      %slice3A_945 = vector.extract_strided_slice %and3A_778 {offsets = [12], sizes = [1], strides = [1]} : vector<16xi32> to vector<1xi32>
      %squeeze3A_946 = vector.extract %slice3A_945[0] : i32 from vector<1xi32>
      %broadcast_in_dim3A_947 = vector.broadcast %squeeze3A_946 : i32 to vector<16xi32>
      %mul3A_948 = arith.constant 16 : i32
      %mul3A_949 = arith.muli %mul3A_532, %mul3A_948 : i32
      %add3A_950 = arith.constant 12 : i32
      %add3A_951 = arith.addi %mul3A_949, %add3A_950 : i32
      %broadcast_in_dim3A_952 = vector.broadcast %add3A_951 : i32 to vector<16xi32>
      %gather3A_953 = arith.constant 12 : i32
      %gather3A_954 = arith.constant 0 : i32
      %gather3A_955 = arith.constant 0 : i32
      %gather3A_956 = tpu.memref_slice %arg6[%gather3A_953, %gather3A_954, %gather3A_955] : memref<16x16x128xf32, #tpu.memory_space<vmem>> -> memref<1x16x128xf32, #tpu.memory_space<vmem>>
      %gather3A_957 = tpu.memref_squeeze %gather3A_956 : memref<1x16x128xf32, #tpu.memory_space<vmem>> -> memref<16x128xf32, #tpu.memory_space<vmem>>
      %gather3A_958 = tpu.vector_load_idx %gather3A_957[%iota3A, %broadcast_in_dim3A_947] : memref<16x128xf32, #tpu.memory_space<vmem>>[vector<16xi32>, vector<16xi32>], vector<16xf32>,
      tpu.vector_store_idx %arg8[%iota3A, %broadcast_in_dim3A_952], %gather3A_958 : memref<16x512xf32, #tpu.memory_space<vmem>>[vector<16xi32>, vector<16xi32>], vector<16xf32>,
      %slice3A_959 = vector.extract_strided_slice %and3A_778 {offsets = [13], sizes = [1], strides = [1]} : vector<16xi32> to vector<1xi32>
      %squeeze3A_960 = vector.extract %slice3A_959[0] : i32 from vector<1xi32>
      %broadcast_in_dim3A_961 = vector.broadcast %squeeze3A_960 : i32 to vector<16xi32>
      %mul3A_962 = arith.constant 16 : i32
      %mul3A_963 = arith.muli %mul3A_532, %mul3A_962 : i32
      %add3A_964 = arith.constant 13 : i32
      %add3A_965 = arith.addi %mul3A_963, %add3A_964 : i32
      %broadcast_in_dim3A_966 = vector.broadcast %add3A_965 : i32 to vector<16xi32>
      %gather3A_967 = arith.constant 13 : i32
      %gather3A_968 = arith.constant 0 : i32
      %gather3A_969 = arith.constant 0 : i32
      %gather3A_970 = tpu.memref_slice %arg6[%gather3A_967, %gather3A_968, %gather3A_969] : memref<16x16x128xf32, #tpu.memory_space<vmem>> -> memref<1x16x128xf32, #tpu.memory_space<vmem>>
      %gather3A_971 = tpu.memref_squeeze %gather3A_970 : memref<1x16x128xf32, #tpu.memory_space<vmem>> -> memref<16x128xf32, #tpu.memory_space<vmem>>
      %gather3A_972 = tpu.vector_load_idx %gather3A_971[%iota3A, %broadcast_in_dim3A_961] : memref<16x128xf32, #tpu.memory_space<vmem>>[vector<16xi32>, vector<16xi32>], vector<16xf32>,
      tpu.vector_store_idx %arg8[%iota3A, %broadcast_in_dim3A_966], %gather3A_972 : memref<16x512xf32, #tpu.memory_space<vmem>>[vector<16xi32>, vector<16xi32>], vector<16xf32>,
      %slice3A_973 = vector.extract_strided_slice %and3A_778 {offsets = [14], sizes = [1], strides = [1]} : vector<16xi32> to vector<1xi32>
      %squeeze3A_974 = vector.extract %slice3A_973[0] : i32 from vector<1xi32>
      %broadcast_in_dim3A_975 = vector.broadcast %squeeze3A_974 : i32 to vector<16xi32>
      %mul3A_976 = arith.constant 16 : i32
      %mul3A_977 = arith.muli %mul3A_532, %mul3A_976 : i32
      %add3A_978 = arith.constant 14 : i32
      %add3A_979 = arith.addi %mul3A_977, %add3A_978 : i32
      %broadcast_in_dim3A_980 = vector.broadcast %add3A_979 : i32 to vector<16xi32>
      %gather3A_981 = arith.constant 14 : i32
      %gather3A_982 = arith.constant 0 : i32
      %gather3A_983 = arith.constant 0 : i32
      %gather3A_984 = tpu.memref_slice %arg6[%gather3A_981, %gather3A_982, %gather3A_983] : memref<16x16x128xf32, #tpu.memory_space<vmem>> -> memref<1x16x128xf32, #tpu.memory_space<vmem>>
      %gather3A_985 = tpu.memref_squeeze %gather3A_984 : memref<1x16x128xf32, #tpu.memory_space<vmem>> -> memref<16x128xf32, #tpu.memory_space<vmem>>
      %gather3A_986 = tpu.vector_load_idx %gather3A_985[%iota3A, %broadcast_in_dim3A_975] : memref<16x128xf32, #tpu.memory_space<vmem>>[vector<16xi32>, vector<16xi32>], vector<16xf32>,
      tpu.vector_store_idx %arg8[%iota3A, %broadcast_in_dim3A_980], %gather3A_986 : memref<16x512xf32, #tpu.memory_space<vmem>>[vector<16xi32>, vector<16xi32>], vector<16xf32>,
      %slice3A_987 = vector.extract_strided_slice %and3A_778 {offsets = [15], sizes = [1], strides = [1]} : vector<16xi32> to vector<1xi32>
      %squeeze3A_988 = vector.extract %slice3A_987[0] : i32 from vector<1xi32>
      %broadcast_in_dim3A_989 = vector.broadcast %squeeze3A_988 : i32 to vector<16xi32>
      %mul3A_990 = arith.constant 16 : i32
      %mul3A_991 = arith.muli %mul3A_532, %mul3A_990 : i32
      %add3A_992 = arith.constant 15 : i32
      %add3A_993 = arith.addi %mul3A_991, %add3A_992 : i32
      %broadcast_in_dim3A_994 = vector.broadcast %add3A_993 : i32 to vector<16xi32>
      %gather3A_995 = arith.constant 15 : i32
      %gather3A_996 = arith.constant 0 : i32
      %gather3A_997 = arith.constant 0 : i32
      %gather3A_998 = tpu.memref_slice %arg6[%gather3A_995, %gather3A_996, %gather3A_997] : memref<16x16x128xf32, #tpu.memory_space<vmem>> -> memref<1x16x128xf32, #tpu.memory_space<vmem>>
      %gather3A_999 = tpu.memref_squeeze %gather3A_998 : memref<1x16x128xf32, #tpu.memory_space<vmem>> -> memref<16x128xf32, #tpu.memory_space<vmem>>
      %gather3A_1000 = tpu.vector_load_idx %gather3A_999[%iota3A, %broadcast_in_dim3A_989] : memref<16x128xf32, #tpu.memory_space<vmem>>[vector<16xi32>, vector<16xi32>], vector<16xf32>,
      tpu.vector_store_idx %arg8[%iota3A, %broadcast_in_dim3A_994], %gather3A_1000 : memref<16x512xf32, #tpu.memory_space<vmem>>[vector<16xi32>, vector<16xi32>], vector<16xf32>,
      %add3A_1001 = arith.constant 2 : i32
      %add3A_1002 = arith.addi %mul3A_532, %add3A_1001 : i32
      %lt3A = arith.constant 32 : i32
      %lt3A_1003 = arith.cmpi slt, %add3A_1002, %lt3A : i32
      %convert_element_type3A = arith.extui %lt3A_1003 : i1 to i32
      %cond3A = arith.constant 0 : i32
      %cond3A_1004 = arith.cmpi ne, %convert_element_type3A, %cond3A : i32
      scf.if %cond3A_1004 {
        %add3A_1485 = arith.constant 2 : i32
        %add3A_1486 = arith.addi %mul3A_532, %add3A_1485 : i32
        %mul3A_1487 = arith.constant 16 : i32
        %mul3A_1488 = arith.muli %add3A_1486, %mul3A_1487 : i32
        %get3A_1489 = arith.index_cast %mul3A_1488 : i32 to index
        %get3A_1490 = tpu.vector_load %arg5[%get3A_1489] {strides = array<i32>} : memref<512xi32, #tpu.memory_space<vmem>>, vector<16xi32>,
        %not3A_1491 = arith.constant 127 : i32
        %not3A_1492 = arith.constant -1 : i32
        %not3A_1493 = arith.xori %not3A_1491, %not3A_1492 : i32
        %and3A_1494 = vector.broadcast %not3A_1493 : i32 to vector<16xi32>
        %and3A_1495 = arith.andi %get3A_1490, %and3A_1494 : vector<16xi32>
        %slice3A_1496 = vector.extract_strided_slice %and3A_1495 {offsets = [0], sizes = [1], strides = [1]} : vector<16xi32> to vector<1xi32>
        %squeeze3A_1497 = vector.extract %slice3A_1496[0] : i32 from vector<1xi32>
        %multiple_of3A_1498 = tpu.assume_multiple %squeeze3A_1497, 128 : i32
        %dma_start3A_1499 = arith.constant 0 : i32
        %dma_start3A_1500 = arith.constant 0 : i32
        %dma_start3A_1501 = arith.constant 0 : i32
        %dma_start3A_1502 = tpu.memref_slice %arg6[%dma_start3A_1499, %dma_start3A_1500, %dma_start3A_1501] : memref<16x16x128xf32, #tpu.memory_space<vmem>> -> memref<1x16x128xf32, #tpu.memory_space<vmem>>
        %dma_start3A_1503 = tpu.memref_squeeze %dma_start3A_1502 : memref<1x16x128xf32, #tpu.memory_space<vmem>> -> memref<16x128xf32, #tpu.memory_space<vmem>>
        %dma_start3A_1504 = arith.constant 0 : i32
        %dma_start3A_1505 = tpu.memref_slice %arg2[%dma_start3A_1504, %multiple_of3A_1498] : memref<16x1000000xf32, #tpu.memory_space<hbm>> -> memref<16x128xf32, #tpu.memory_space<hbm>>
        %dma_start3A_1506 = arith.constant 0 : i32
        %dma_start3A_1507 = arith.constant 0 : i32
        %dma_start3A_1508 = tpu.memref_slice %arg6[%dma_start3A_1499, %dma_start3A_1506, %dma_start3A_1507] : memref<16x16x128xf32, #tpu.memory_space<vmem>> -> memref<1x16x128xf32, #tpu.memory_space<vmem>>
        %dma_start3A_1509 = tpu.memref_squeeze %dma_start3A_1508 : memref<1x16x128xf32, #tpu.memory_space<vmem>> -> memref<16x128xf32, #tpu.memory_space<vmem>>
        %dma_start3A_1510 = arith.constant 0 : i32
        %dma_start3A_1511 = tpu.memref_slice %arg2[%dma_start3A_1510, %multiple_of3A_1498] : memref<16x1000000xf32, #tpu.memory_space<hbm>> -> memref<16x128xf32, #tpu.memory_space<hbm>>
        tpu.enqueue_dma source(%dma_start3A_1511 : memref<16x128xf32, #tpu.memory_space<hbm>>) target(%dma_start3A_1509 : memref<16x128xf32, #tpu.memory_space<vmem>>) target_semaphore(%arg9 : memref<!tpu.dma_semaphore, #tpu.memory_space<semaphore_mem>>)
        %slice3A_1512 = vector.extract_strided_slice %and3A_1495 {offsets = [1], sizes = [1], strides = [1]} : vector<16xi32> to vector<1xi32>
        %squeeze3A_1513 = vector.extract %slice3A_1512[0] : i32 from vector<1xi32>
        %multiple_of3A_1514 = tpu.assume_multiple %squeeze3A_1513, 128 : i32
        %dma_start3A_1515 = arith.constant 1 : i32
        %dma_start3A_1516 = arith.constant 0 : i32
        %dma_start3A_1517 = arith.constant 0 : i32
        %dma_start3A_1518 = tpu.memref_slice %arg6[%dma_start3A_1515, %dma_start3A_1516, %dma_start3A_1517] : memref<16x16x128xf32, #tpu.memory_space<vmem>> -> memref<1x16x128xf32, #tpu.memory_space<vmem>>
        %dma_start3A_1519 = tpu.memref_squeeze %dma_start3A_1518 : memref<1x16x128xf32, #tpu.memory_space<vmem>> -> memref<16x128xf32, #tpu.memory_space<vmem>>
        %dma_start3A_1520 = arith.constant 0 : i32
        %dma_start3A_1521 = tpu.memref_slice %arg2[%dma_start3A_1520, %multiple_of3A_1514] : memref<16x1000000xf32, #tpu.memory_space<hbm>> -> memref<16x128xf32, #tpu.memory_space<hbm>>
        %dma_start3A_1522 = arith.constant 0 : i32
        %dma_start3A_1523 = arith.constant 0 : i32
        %dma_start3A_1524 = tpu.memref_slice %arg6[%dma_start3A_1515, %dma_start3A_1522, %dma_start3A_1523] : memref<16x16x128xf32, #tpu.memory_space<vmem>> -> memref<1x16x128xf32, #tpu.memory_space<vmem>>
        %dma_start3A_1525 = tpu.memref_squeeze %dma_start3A_1524 : memref<1x16x128xf32, #tpu.memory_space<vmem>> -> memref<16x128xf32, #tpu.memory_space<vmem>>
        %dma_start3A_1526 = arith.constant 0 : i32
        %dma_start3A_1527 = tpu.memref_slice %arg2[%dma_start3A_1526, %multiple_of3A_1514] : memref<16x1000000xf32, #tpu.memory_space<hbm>> -> memref<16x128xf32, #tpu.memory_space<hbm>>
        tpu.enqueue_dma source(%dma_start3A_1527 : memref<16x128xf32, #tpu.memory_space<hbm>>) target(%dma_start3A_1525 : memref<16x128xf32, #tpu.memory_space<vmem>>) target_semaphore(%arg9 : memref<!tpu.dma_semaphore, #tpu.memory_space<semaphore_mem>>)
        %slice3A_1528 = vector.extract_strided_slice %and3A_1495 {offsets = [2], sizes = [1], strides = [1]} : vector<16xi32> to vector<1xi32>
        %squeeze3A_1529 = vector.extract %slice3A_1528[0] : i32 from vector<1xi32>
        %multiple_of3A_1530 = tpu.assume_multiple %squeeze3A_1529, 128 : i32
        %dma_start3A_1531 = arith.constant 2 : i32
        %dma_start3A_1532 = arith.constant 0 : i32
        %dma_start3A_1533 = arith.constant 0 : i32
        %dma_start3A_1534 = tpu.memref_slice %arg6[%dma_start3A_1531, %dma_start3A_1532, %dma_start3A_1533] : memref<16x16x128xf32, #tpu.memory_space<vmem>> -> memref<1x16x128xf32, #tpu.memory_space<vmem>>
        %dma_start3A_1535 = tpu.memref_squeeze %dma_start3A_1534 : memref<1x16x128xf32, #tpu.memory_space<vmem>> -> memref<16x128xf32, #tpu.memory_space<vmem>>
        %dma_start3A_1536 = arith.constant 0 : i32
        %dma_start3A_1537 = tpu.memref_slice %arg2[%dma_start3A_1536, %multiple_of3A_1530] : memref<16x1000000xf32, #tpu.memory_space<hbm>> -> memref<16x128xf32, #tpu.memory_space<hbm>>
        %dma_start3A_1538 = arith.constant 0 : i32
        %dma_start3A_1539 = arith.constant 0 : i32
        %dma_start3A_1540 = tpu.memref_slice %arg6[%dma_start3A_1531, %dma_start3A_1538, %dma_start3A_1539] : memref<16x16x128xf32, #tpu.memory_space<vmem>> -> memref<1x16x128xf32, #tpu.memory_space<vmem>>
        %dma_start3A_1541 = tpu.memref_squeeze %dma_start3A_1540 : memref<1x16x128xf32, #tpu.memory_space<vmem>> -> memref<16x128xf32, #tpu.memory_space<vmem>>
        %dma_start3A_1542 = arith.constant 0 : i32
        %dma_start3A_1543 = tpu.memref_slice %arg2[%dma_start3A_1542, %multiple_of3A_1530] : memref<16x1000000xf32, #tpu.memory_space<hbm>> -> memref<16x128xf32, #tpu.memory_space<hbm>>
        tpu.enqueue_dma source(%dma_start3A_1543 : memref<16x128xf32, #tpu.memory_space<hbm>>) target(%dma_start3A_1541 : memref<16x128xf32, #tpu.memory_space<vmem>>) target_semaphore(%arg9 : memref<!tpu.dma_semaphore, #tpu.memory_space<semaphore_mem>>)
        %slice3A_1544 = vector.extract_strided_slice %and3A_1495 {offsets = [3], sizes = [1], strides = [1]} : vector<16xi32> to vector<1xi32>
        %squeeze3A_1545 = vector.extract %slice3A_1544[0] : i32 from vector<1xi32>
        %multiple_of3A_1546 = tpu.assume_multiple %squeeze3A_1545, 128 : i32
        %dma_start3A_1547 = arith.constant 3 : i32
        %dma_start3A_1548 = arith.constant 0 : i32
        %dma_start3A_1549 = arith.constant 0 : i32
        %dma_start3A_1550 = tpu.memref_slice %arg6[%dma_start3A_1547, %dma_start3A_1548, %dma_start3A_1549] : memref<16x16x128xf32, #tpu.memory_space<vmem>> -> memref<1x16x128xf32, #tpu.memory_space<vmem>>
        %dma_start3A_1551 = tpu.memref_squeeze %dma_start3A_1550 : memref<1x16x128xf32, #tpu.memory_space<vmem>> -> memref<16x128xf32, #tpu.memory_space<vmem>>
        %dma_start3A_1552 = arith.constant 0 : i32
        %dma_start3A_1553 = tpu.memref_slice %arg2[%dma_start3A_1552, %multiple_of3A_1546] : memref<16x1000000xf32, #tpu.memory_space<hbm>> -> memref<16x128xf32, #tpu.memory_space<hbm>>
        %dma_start3A_1554 = arith.constant 0 : i32
        %dma_start3A_1555 = arith.constant 0 : i32
        %dma_start3A_1556 = tpu.memref_slice %arg6[%dma_start3A_1547, %dma_start3A_1554, %dma_start3A_1555] : memref<16x16x128xf32, #tpu.memory_space<vmem>> -> memref<1x16x128xf32, #tpu.memory_space<vmem>>
        %dma_start3A_1557 = tpu.memref_squeeze %dma_start3A_1556 : memref<1x16x128xf32, #tpu.memory_space<vmem>> -> memref<16x128xf32, #tpu.memory_space<vmem>>
        %dma_start3A_1558 = arith.constant 0 : i32
        %dma_start3A_1559 = tpu.memref_slice %arg2[%dma_start3A_1558, %multiple_of3A_1546] : memref<16x1000000xf32, #tpu.memory_space<hbm>> -> memref<16x128xf32, #tpu.memory_space<hbm>>
        tpu.enqueue_dma source(%dma_start3A_1559 : memref<16x128xf32, #tpu.memory_space<hbm>>) target(%dma_start3A_1557 : memref<16x128xf32, #tpu.memory_space<vmem>>) target_semaphore(%arg9 : memref<!tpu.dma_semaphore, #tpu.memory_space<semaphore_mem>>)
        %slice3A_1560 = vector.extract_strided_slice %and3A_1495 {offsets = [4], sizes = [1], strides = [1]} : vector<16xi32> to vector<1xi32>
        %squeeze3A_1561 = vector.extract %slice3A_1560[0] : i32 from vector<1xi32>
        %multiple_of3A_1562 = tpu.assume_multiple %squeeze3A_1561, 128 : i32
        %dma_start3A_1563 = arith.constant 4 : i32
        %dma_start3A_1564 = arith.constant 0 : i32
        %dma_start3A_1565 = arith.constant 0 : i32
        %dma_start3A_1566 = tpu.memref_slice %arg6[%dma_start3A_1563, %dma_start3A_1564, %dma_start3A_1565] : memref<16x16x128xf32, #tpu.memory_space<vmem>> -> memref<1x16x128xf32, #tpu.memory_space<vmem>>
        %dma_start3A_1567 = tpu.memref_squeeze %dma_start3A_1566 : memref<1x16x128xf32, #tpu.memory_space<vmem>> -> memref<16x128xf32, #tpu.memory_space<vmem>>
        %dma_start3A_1568 = arith.constant 0 : i32
        %dma_start3A_1569 = tpu.memref_slice %arg2[%dma_start3A_1568, %multiple_of3A_1562] : memref<16x1000000xf32, #tpu.memory_space<hbm>> -> memref<16x128xf32, #tpu.memory_space<hbm>>
        %dma_start3A_1570 = arith.constant 0 : i32
        %dma_start3A_1571 = arith.constant 0 : i32
        %dma_start3A_1572 = tpu.memref_slice %arg6[%dma_start3A_1563, %dma_start3A_1570, %dma_start3A_1571] : memref<16x16x128xf32, #tpu.memory_space<vmem>> -> memref<1x16x128xf32, #tpu.memory_space<vmem>>
        %dma_start3A_1573 = tpu.memref_squeeze %dma_start3A_1572 : memref<1x16x128xf32, #tpu.memory_space<vmem>> -> memref<16x128xf32, #tpu.memory_space<vmem>>
        %dma_start3A_1574 = arith.constant 0 : i32
        %dma_start3A_1575 = tpu.memref_slice %arg2[%dma_start3A_1574, %multiple_of3A_1562] : memref<16x1000000xf32, #tpu.memory_space<hbm>> -> memref<16x128xf32, #tpu.memory_space<hbm>>
        tpu.enqueue_dma source(%dma_start3A_1575 : memref<16x128xf32, #tpu.memory_space<hbm>>) target(%dma_start3A_1573 : memref<16x128xf32, #tpu.memory_space<vmem>>) target_semaphore(%arg9 : memref<!tpu.dma_semaphore, #tpu.memory_space<semaphore_mem>>)
        %slice3A_1576 = vector.extract_strided_slice %and3A_1495 {offsets = [5], sizes = [1], strides = [1]} : vector<16xi32> to vector<1xi32>
        %squeeze3A_1577 = vector.extract %slice3A_1576[0] : i32 from vector<1xi32>
        %multiple_of3A_1578 = tpu.assume_multiple %squeeze3A_1577, 128 : i32
        %dma_start3A_1579 = arith.constant 5 : i32
        %dma_start3A_1580 = arith.constant 0 : i32
        %dma_start3A_1581 = arith.constant 0 : i32
        %dma_start3A_1582 = tpu.memref_slice %arg6[%dma_start3A_1579, %dma_start3A_1580, %dma_start3A_1581] : memref<16x16x128xf32, #tpu.memory_space<vmem>> -> memref<1x16x128xf32, #tpu.memory_space<vmem>>
        %dma_start3A_1583 = tpu.memref_squeeze %dma_start3A_1582 : memref<1x16x128xf32, #tpu.memory_space<vmem>> -> memref<16x128xf32, #tpu.memory_space<vmem>>
        %dma_start3A_1584 = arith.constant 0 : i32
        %dma_start3A_1585 = tpu.memref_slice %arg2[%dma_start3A_1584, %multiple_of3A_1578] : memref<16x1000000xf32, #tpu.memory_space<hbm>> -> memref<16x128xf32, #tpu.memory_space<hbm>>
        %dma_start3A_1586 = arith.constant 0 : i32
        %dma_start3A_1587 = arith.constant 0 : i32
        %dma_start3A_1588 = tpu.memref_slice %arg6[%dma_start3A_1579, %dma_start3A_1586, %dma_start3A_1587] : memref<16x16x128xf32, #tpu.memory_space<vmem>> -> memref<1x16x128xf32, #tpu.memory_space<vmem>>
        %dma_start3A_1589 = tpu.memref_squeeze %dma_start3A_1588 : memref<1x16x128xf32, #tpu.memory_space<vmem>> -> memref<16x128xf32, #tpu.memory_space<vmem>>
        %dma_start3A_1590 = arith.constant 0 : i32
        %dma_start3A_1591 = tpu.memref_slice %arg2[%dma_start3A_1590, %multiple_of3A_1578] : memref<16x1000000xf32, #tpu.memory_space<hbm>> -> memref<16x128xf32, #tpu.memory_space<hbm>>
        tpu.enqueue_dma source(%dma_start3A_1591 : memref<16x128xf32, #tpu.memory_space<hbm>>) target(%dma_start3A_1589 : memref<16x128xf32, #tpu.memory_space<vmem>>) target_semaphore(%arg9 : memref<!tpu.dma_semaphore, #tpu.memory_space<semaphore_mem>>)
        %slice3A_1592 = vector.extract_strided_slice %and3A_1495 {offsets = [6], sizes = [1], strides = [1]} : vector<16xi32> to vector<1xi32>
        %squeeze3A_1593 = vector.extract %slice3A_1592[0] : i32 from vector<1xi32>
        %multiple_of3A_1594 = tpu.assume_multiple %squeeze3A_1593, 128 : i32
        %dma_start3A_1595 = arith.constant 6 : i32
        %dma_start3A_1596 = arith.constant 0 : i32
        %dma_start3A_1597 = arith.constant 0 : i32
        %dma_start3A_1598 = tpu.memref_slice %arg6[%dma_start3A_1595, %dma_start3A_1596, %dma_start3A_1597] : memref<16x16x128xf32, #tpu.memory_space<vmem>> -> memref<1x16x128xf32, #tpu.memory_space<vmem>>
        %dma_start3A_1599 = tpu.memref_squeeze %dma_start3A_1598 : memref<1x16x128xf32, #tpu.memory_space<vmem>> -> memref<16x128xf32, #tpu.memory_space<vmem>>
        %dma_start3A_1600 = arith.constant 0 : i32
        %dma_start3A_1601 = tpu.memref_slice %arg2[%dma_start3A_1600, %multiple_of3A_1594] : memref<16x1000000xf32, #tpu.memory_space<hbm>> -> memref<16x128xf32, #tpu.memory_space<hbm>>
        %dma_start3A_1602 = arith.constant 0 : i32
        %dma_start3A_1603 = arith.constant 0 : i32
        %dma_start3A_1604 = tpu.memref_slice %arg6[%dma_start3A_1595, %dma_start3A_1602, %dma_start3A_1603] : memref<16x16x128xf32, #tpu.memory_space<vmem>> -> memref<1x16x128xf32, #tpu.memory_space<vmem>>
        %dma_start3A_1605 = tpu.memref_squeeze %dma_start3A_1604 : memref<1x16x128xf32, #tpu.memory_space<vmem>> -> memref<16x128xf32, #tpu.memory_space<vmem>>
        %dma_start3A_1606 = arith.constant 0 : i32
        %dma_start3A_1607 = tpu.memref_slice %arg2[%dma_start3A_1606, %multiple_of3A_1594] : memref<16x1000000xf32, #tpu.memory_space<hbm>> -> memref<16x128xf32, #tpu.memory_space<hbm>>
        tpu.enqueue_dma source(%dma_start3A_1607 : memref<16x128xf32, #tpu.memory_space<hbm>>) target(%dma_start3A_1605 : memref<16x128xf32, #tpu.memory_space<vmem>>) target_semaphore(%arg9 : memref<!tpu.dma_semaphore, #tpu.memory_space<semaphore_mem>>)
        %slice3A_1608 = vector.extract_strided_slice %and3A_1495 {offsets = [7], sizes = [1], strides = [1]} : vector<16xi32> to vector<1xi32>
        %squeeze3A_1609 = vector.extract %slice3A_1608[0] : i32 from vector<1xi32>
        %multiple_of3A_1610 = tpu.assume_multiple %squeeze3A_1609, 128 : i32
        %dma_start3A_1611 = arith.constant 7 : i32
        %dma_start3A_1612 = arith.constant 0 : i32
        %dma_start3A_1613 = arith.constant 0 : i32
        %dma_start3A_1614 = tpu.memref_slice %arg6[%dma_start3A_1611, %dma_start3A_1612, %dma_start3A_1613] : memref<16x16x128xf32, #tpu.memory_space<vmem>> -> memref<1x16x128xf32, #tpu.memory_space<vmem>>
        %dma_start3A_1615 = tpu.memref_squeeze %dma_start3A_1614 : memref<1x16x128xf32, #tpu.memory_space<vmem>> -> memref<16x128xf32, #tpu.memory_space<vmem>>
        %dma_start3A_1616 = arith.constant 0 : i32
        %dma_start3A_1617 = tpu.memref_slice %arg2[%dma_start3A_1616, %multiple_of3A_1610] : memref<16x1000000xf32, #tpu.memory_space<hbm>> -> memref<16x128xf32, #tpu.memory_space<hbm>>
        %dma_start3A_1618 = arith.constant 0 : i32
        %dma_start3A_1619 = arith.constant 0 : i32
        %dma_start3A_1620 = tpu.memref_slice %arg6[%dma_start3A_1611, %dma_start3A_1618, %dma_start3A_1619] : memref<16x16x128xf32, #tpu.memory_space<vmem>> -> memref<1x16x128xf32, #tpu.memory_space<vmem>>
        %dma_start3A_1621 = tpu.memref_squeeze %dma_start3A_1620 : memref<1x16x128xf32, #tpu.memory_space<vmem>> -> memref<16x128xf32, #tpu.memory_space<vmem>>
        %dma_start3A_1622 = arith.constant 0 : i32
        %dma_start3A_1623 = tpu.memref_slice %arg2[%dma_start3A_1622, %multiple_of3A_1610] : memref<16x1000000xf32, #tpu.memory_space<hbm>> -> memref<16x128xf32, #tpu.memory_space<hbm>>
        tpu.enqueue_dma source(%dma_start3A_1623 : memref<16x128xf32, #tpu.memory_space<hbm>>) target(%dma_start3A_1621 : memref<16x128xf32, #tpu.memory_space<vmem>>) target_semaphore(%arg9 : memref<!tpu.dma_semaphore, #tpu.memory_space<semaphore_mem>>)
        %slice3A_1624 = vector.extract_strided_slice %and3A_1495 {offsets = [8], sizes = [1], strides = [1]} : vector<16xi32> to vector<1xi32>
        %squeeze3A_1625 = vector.extract %slice3A_1624[0] : i32 from vector<1xi32>
        %multiple_of3A_1626 = tpu.assume_multiple %squeeze3A_1625, 128 : i32
        %dma_start3A_1627 = arith.constant 8 : i32
        %dma_start3A_1628 = arith.constant 0 : i32
        %dma_start3A_1629 = arith.constant 0 : i32
        %dma_start3A_1630 = tpu.memref_slice %arg6[%dma_start3A_1627, %dma_start3A_1628, %dma_start3A_1629] : memref<16x16x128xf32, #tpu.memory_space<vmem>> -> memref<1x16x128xf32, #tpu.memory_space<vmem>>
        %dma_start3A_1631 = tpu.memref_squeeze %dma_start3A_1630 : memref<1x16x128xf32, #tpu.memory_space<vmem>> -> memref<16x128xf32, #tpu.memory_space<vmem>>
        %dma_start3A_1632 = arith.constant 0 : i32
        %dma_start3A_1633 = tpu.memref_slice %arg2[%dma_start3A_1632, %multiple_of3A_1626] : memref<16x1000000xf32, #tpu.memory_space<hbm>> -> memref<16x128xf32, #tpu.memory_space<hbm>>
        %dma_start3A_1634 = arith.constant 0 : i32
        %dma_start3A_1635 = arith.constant 0 : i32
        %dma_start3A_1636 = tpu.memref_slice %arg6[%dma_start3A_1627, %dma_start3A_1634, %dma_start3A_1635] : memref<16x16x128xf32, #tpu.memory_space<vmem>> -> memref<1x16x128xf32, #tpu.memory_space<vmem>>
        %dma_start3A_1637 = tpu.memref_squeeze %dma_start3A_1636 : memref<1x16x128xf32, #tpu.memory_space<vmem>> -> memref<16x128xf32, #tpu.memory_space<vmem>>
        %dma_start3A_1638 = arith.constant 0 : i32
        %dma_start3A_1639 = tpu.memref_slice %arg2[%dma_start3A_1638, %multiple_of3A_1626] : memref<16x1000000xf32, #tpu.memory_space<hbm>> -> memref<16x128xf32, #tpu.memory_space<hbm>>
        tpu.enqueue_dma source(%dma_start3A_1639 : memref<16x128xf32, #tpu.memory_space<hbm>>) target(%dma_start3A_1637 : memref<16x128xf32, #tpu.memory_space<vmem>>) target_semaphore(%arg9 : memref<!tpu.dma_semaphore, #tpu.memory_space<semaphore_mem>>)
        %slice3A_1640 = vector.extract_strided_slice %and3A_1495 {offsets = [9], sizes = [1], strides = [1]} : vector<16xi32> to vector<1xi32>
        %squeeze3A_1641 = vector.extract %slice3A_1640[0] : i32 from vector<1xi32>
        %multiple_of3A_1642 = tpu.assume_multiple %squeeze3A_1641, 128 : i32
        %dma_start3A_1643 = arith.constant 9 : i32
        %dma_start3A_1644 = arith.constant 0 : i32
        %dma_start3A_1645 = arith.constant 0 : i32
        %dma_start3A_1646 = tpu.memref_slice %arg6[%dma_start3A_1643, %dma_start3A_1644, %dma_start3A_1645] : memref<16x16x128xf32, #tpu.memory_space<vmem>> -> memref<1x16x128xf32, #tpu.memory_space<vmem>>
        %dma_start3A_1647 = tpu.memref_squeeze %dma_start3A_1646 : memref<1x16x128xf32, #tpu.memory_space<vmem>> -> memref<16x128xf32, #tpu.memory_space<vmem>>
        %dma_start3A_1648 = arith.constant 0 : i32
        %dma_start3A_1649 = tpu.memref_slice %arg2[%dma_start3A_1648, %multiple_of3A_1642] : memref<16x1000000xf32, #tpu.memory_space<hbm>> -> memref<16x128xf32, #tpu.memory_space<hbm>>
        %dma_start3A_1650 = arith.constant 0 : i32
        %dma_start3A_1651 = arith.constant 0 : i32
        %dma_start3A_1652 = tpu.memref_slice %arg6[%dma_start3A_1643, %dma_start3A_1650, %dma_start3A_1651] : memref<16x16x128xf32, #tpu.memory_space<vmem>> -> memref<1x16x128xf32, #tpu.memory_space<vmem>>
        %dma_start3A_1653 = tpu.memref_squeeze %dma_start3A_1652 : memref<1x16x128xf32, #tpu.memory_space<vmem>> -> memref<16x128xf32, #tpu.memory_space<vmem>>
        %dma_start3A_1654 = arith.constant 0 : i32
        %dma_start3A_1655 = tpu.memref_slice %arg2[%dma_start3A_1654, %multiple_of3A_1642] : memref<16x1000000xf32, #tpu.memory_space<hbm>> -> memref<16x128xf32, #tpu.memory_space<hbm>>
        tpu.enqueue_dma source(%dma_start3A_1655 : memref<16x128xf32, #tpu.memory_space<hbm>>) target(%dma_start3A_1653 : memref<16x128xf32, #tpu.memory_space<vmem>>) target_semaphore(%arg9 : memref<!tpu.dma_semaphore, #tpu.memory_space<semaphore_mem>>)
        %slice3A_1656 = vector.extract_strided_slice %and3A_1495 {offsets = [10], sizes = [1], strides = [1]} : vector<16xi32> to vector<1xi32>
        %squeeze3A_1657 = vector.extract %slice3A_1656[0] : i32 from vector<1xi32>
        %multiple_of3A_1658 = tpu.assume_multiple %squeeze3A_1657, 128 : i32
        %dma_start3A_1659 = arith.constant 10 : i32
        %dma_start3A_1660 = arith.constant 0 : i32
        %dma_start3A_1661 = arith.constant 0 : i32
        %dma_start3A_1662 = tpu.memref_slice %arg6[%dma_start3A_1659, %dma_start3A_1660, %dma_start3A_1661] : memref<16x16x128xf32, #tpu.memory_space<vmem>> -> memref<1x16x128xf32, #tpu.memory_space<vmem>>
        %dma_start3A_1663 = tpu.memref_squeeze %dma_start3A_1662 : memref<1x16x128xf32, #tpu.memory_space<vmem>> -> memref<16x128xf32, #tpu.memory_space<vmem>>
        %dma_start3A_1664 = arith.constant 0 : i32
        %dma_start3A_1665 = tpu.memref_slice %arg2[%dma_start3A_1664, %multiple_of3A_1658] : memref<16x1000000xf32, #tpu.memory_space<hbm>> -> memref<16x128xf32, #tpu.memory_space<hbm>>
        %dma_start3A_1666 = arith.constant 0 : i32
        %dma_start3A_1667 = arith.constant 0 : i32
        %dma_start3A_1668 = tpu.memref_slice %arg6[%dma_start3A_1659, %dma_start3A_1666, %dma_start3A_1667] : memref<16x16x128xf32, #tpu.memory_space<vmem>> -> memref<1x16x128xf32, #tpu.memory_space<vmem>>
        %dma_start3A_1669 = tpu.memref_squeeze %dma_start3A_1668 : memref<1x16x128xf32, #tpu.memory_space<vmem>> -> memref<16x128xf32, #tpu.memory_space<vmem>>
        %dma_start3A_1670 = arith.constant 0 : i32
        %dma_start3A_1671 = tpu.memref_slice %arg2[%dma_start3A_1670, %multiple_of3A_1658] : memref<16x1000000xf32, #tpu.memory_space<hbm>> -> memref<16x128xf32, #tpu.memory_space<hbm>>
        tpu.enqueue_dma source(%dma_start3A_1671 : memref<16x128xf32, #tpu.memory_space<hbm>>) target(%dma_start3A_1669 : memref<16x128xf32, #tpu.memory_space<vmem>>) target_semaphore(%arg9 : memref<!tpu.dma_semaphore, #tpu.memory_space<semaphore_mem>>)
        %slice3A_1672 = vector.extract_strided_slice %and3A_1495 {offsets = [11], sizes = [1], strides = [1]} : vector<16xi32> to vector<1xi32>
        %squeeze3A_1673 = vector.extract %slice3A_1672[0] : i32 from vector<1xi32>
        %multiple_of3A_1674 = tpu.assume_multiple %squeeze3A_1673, 128 : i32
        %dma_start3A_1675 = arith.constant 11 : i32
        %dma_start3A_1676 = arith.constant 0 : i32
        %dma_start3A_1677 = arith.constant 0 : i32
        %dma_start3A_1678 = tpu.memref_slice %arg6[%dma_start3A_1675, %dma_start3A_1676, %dma_start3A_1677] : memref<16x16x128xf32, #tpu.memory_space<vmem>> -> memref<1x16x128xf32, #tpu.memory_space<vmem>>
        %dma_start3A_1679 = tpu.memref_squeeze %dma_start3A_1678 : memref<1x16x128xf32, #tpu.memory_space<vmem>> -> memref<16x128xf32, #tpu.memory_space<vmem>>
        %dma_start3A_1680 = arith.constant 0 : i32
        %dma_start3A_1681 = tpu.memref_slice %arg2[%dma_start3A_1680, %multiple_of3A_1674] : memref<16x1000000xf32, #tpu.memory_space<hbm>> -> memref<16x128xf32, #tpu.memory_space<hbm>>
        %dma_start3A_1682 = arith.constant 0 : i32
        %dma_start3A_1683 = arith.constant 0 : i32
        %dma_start3A_1684 = tpu.memref_slice %arg6[%dma_start3A_1675, %dma_start3A_1682, %dma_start3A_1683] : memref<16x16x128xf32, #tpu.memory_space<vmem>> -> memref<1x16x128xf32, #tpu.memory_space<vmem>>
        %dma_start3A_1685 = tpu.memref_squeeze %dma_start3A_1684 : memref<1x16x128xf32, #tpu.memory_space<vmem>> -> memref<16x128xf32, #tpu.memory_space<vmem>>
        %dma_start3A_1686 = arith.constant 0 : i32
        %dma_start3A_1687 = tpu.memref_slice %arg2[%dma_start3A_1686, %multiple_of3A_1674] : memref<16x1000000xf32, #tpu.memory_space<hbm>> -> memref<16x128xf32, #tpu.memory_space<hbm>>
        tpu.enqueue_dma source(%dma_start3A_1687 : memref<16x128xf32, #tpu.memory_space<hbm>>) target(%dma_start3A_1685 : memref<16x128xf32, #tpu.memory_space<vmem>>) target_semaphore(%arg9 : memref<!tpu.dma_semaphore, #tpu.memory_space<semaphore_mem>>)
        %slice3A_1688 = vector.extract_strided_slice %and3A_1495 {offsets = [12], sizes = [1], strides = [1]} : vector<16xi32> to vector<1xi32>
        %squeeze3A_1689 = vector.extract %slice3A_1688[0] : i32 from vector<1xi32>
        %multiple_of3A_1690 = tpu.assume_multiple %squeeze3A_1689, 128 : i32
        %dma_start3A_1691 = arith.constant 12 : i32
        %dma_start3A_1692 = arith.constant 0 : i32
        %dma_start3A_1693 = arith.constant 0 : i32
        %dma_start3A_1694 = tpu.memref_slice %arg6[%dma_start3A_1691, %dma_start3A_1692, %dma_start3A_1693] : memref<16x16x128xf32, #tpu.memory_space<vmem>> -> memref<1x16x128xf32, #tpu.memory_space<vmem>>
        %dma_start3A_1695 = tpu.memref_squeeze %dma_start3A_1694 : memref<1x16x128xf32, #tpu.memory_space<vmem>> -> memref<16x128xf32, #tpu.memory_space<vmem>>
        %dma_start3A_1696 = arith.constant 0 : i32
        %dma_start3A_1697 = tpu.memref_slice %arg2[%dma_start3A_1696, %multiple_of3A_1690] : memref<16x1000000xf32, #tpu.memory_space<hbm>> -> memref<16x128xf32, #tpu.memory_space<hbm>>
        %dma_start3A_1698 = arith.constant 0 : i32
        %dma_start3A_1699 = arith.constant 0 : i32
        %dma_start3A_1700 = tpu.memref_slice %arg6[%dma_start3A_1691, %dma_start3A_1698, %dma_start3A_1699] : memref<16x16x128xf32, #tpu.memory_space<vmem>> -> memref<1x16x128xf32, #tpu.memory_space<vmem>>
        %dma_start3A_1701 = tpu.memref_squeeze %dma_start3A_1700 : memref<1x16x128xf32, #tpu.memory_space<vmem>> -> memref<16x128xf32, #tpu.memory_space<vmem>>
        %dma_start3A_1702 = arith.constant 0 : i32
        %dma_start3A_1703 = tpu.memref_slice %arg2[%dma_start3A_1702, %multiple_of3A_1690] : memref<16x1000000xf32, #tpu.memory_space<hbm>> -> memref<16x128xf32, #tpu.memory_space<hbm>>
        tpu.enqueue_dma source(%dma_start3A_1703 : memref<16x128xf32, #tpu.memory_space<hbm>>) target(%dma_start3A_1701 : memref<16x128xf32, #tpu.memory_space<vmem>>) target_semaphore(%arg9 : memref<!tpu.dma_semaphore, #tpu.memory_space<semaphore_mem>>)
        %slice3A_1704 = vector.extract_strided_slice %and3A_1495 {offsets = [13], sizes = [1], strides = [1]} : vector<16xi32> to vector<1xi32>
        %squeeze3A_1705 = vector.extract %slice3A_1704[0] : i32 from vector<1xi32>
        %multiple_of3A_1706 = tpu.assume_multiple %squeeze3A_1705, 128 : i32
        %dma_start3A_1707 = arith.constant 13 : i32
        %dma_start3A_1708 = arith.constant 0 : i32
        %dma_start3A_1709 = arith.constant 0 : i32
        %dma_start3A_1710 = tpu.memref_slice %arg6[%dma_start3A_1707, %dma_start3A_1708, %dma_start3A_1709] : memref<16x16x128xf32, #tpu.memory_space<vmem>> -> memref<1x16x128xf32, #tpu.memory_space<vmem>>
        %dma_start3A_1711 = tpu.memref_squeeze %dma_start3A_1710 : memref<1x16x128xf32, #tpu.memory_space<vmem>> -> memref<16x128xf32, #tpu.memory_space<vmem>>
        %dma_start3A_1712 = arith.constant 0 : i32
        %dma_start3A_1713 = tpu.memref_slice %arg2[%dma_start3A_1712, %multiple_of3A_1706] : memref<16x1000000xf32, #tpu.memory_space<hbm>> -> memref<16x128xf32, #tpu.memory_space<hbm>>
        %dma_start3A_1714 = arith.constant 0 : i32
        %dma_start3A_1715 = arith.constant 0 : i32
        %dma_start3A_1716 = tpu.memref_slice %arg6[%dma_start3A_1707, %dma_start3A_1714, %dma_start3A_1715] : memref<16x16x128xf32, #tpu.memory_space<vmem>> -> memref<1x16x128xf32, #tpu.memory_space<vmem>>
        %dma_start3A_1717 = tpu.memref_squeeze %dma_start3A_1716 : memref<1x16x128xf32, #tpu.memory_space<vmem>> -> memref<16x128xf32, #tpu.memory_space<vmem>>
        %dma_start3A_1718 = arith.constant 0 : i32
        %dma_start3A_1719 = tpu.memref_slice %arg2[%dma_start3A_1718, %multiple_of3A_1706] : memref<16x1000000xf32, #tpu.memory_space<hbm>> -> memref<16x128xf32, #tpu.memory_space<hbm>>
        tpu.enqueue_dma source(%dma_start3A_1719 : memref<16x128xf32, #tpu.memory_space<hbm>>) target(%dma_start3A_1717 : memref<16x128xf32, #tpu.memory_space<vmem>>) target_semaphore(%arg9 : memref<!tpu.dma_semaphore, #tpu.memory_space<semaphore_mem>>)
        %slice3A_1720 = vector.extract_strided_slice %and3A_1495 {offsets = [14], sizes = [1], strides = [1]} : vector<16xi32> to vector<1xi32>
        %squeeze3A_1721 = vector.extract %slice3A_1720[0] : i32 from vector<1xi32>
        %multiple_of3A_1722 = tpu.assume_multiple %squeeze3A_1721, 128 : i32
        %dma_start3A_1723 = arith.constant 14 : i32
        %dma_start3A_1724 = arith.constant 0 : i32
        %dma_start3A_1725 = arith.constant 0 : i32
        %dma_start3A_1726 = tpu.memref_slice %arg6[%dma_start3A_1723, %dma_start3A_1724, %dma_start3A_1725] : memref<16x16x128xf32, #tpu.memory_space<vmem>> -> memref<1x16x128xf32, #tpu.memory_space<vmem>>
        %dma_start3A_1727 = tpu.memref_squeeze %dma_start3A_1726 : memref<1x16x128xf32, #tpu.memory_space<vmem>> -> memref<16x128xf32, #tpu.memory_space<vmem>>
        %dma_start3A_1728 = arith.constant 0 : i32
        %dma_start3A_1729 = tpu.memref_slice %arg2[%dma_start3A_1728, %multiple_of3A_1722] : memref<16x1000000xf32, #tpu.memory_space<hbm>> -> memref<16x128xf32, #tpu.memory_space<hbm>>
        %dma_start3A_1730 = arith.constant 0 : i32
        %dma_start3A_1731 = arith.constant 0 : i32
        %dma_start3A_1732 = tpu.memref_slice %arg6[%dma_start3A_1723, %dma_start3A_1730, %dma_start3A_1731] : memref<16x16x128xf32, #tpu.memory_space<vmem>> -> memref<1x16x128xf32, #tpu.memory_space<vmem>>
        %dma_start3A_1733 = tpu.memref_squeeze %dma_start3A_1732 : memref<1x16x128xf32, #tpu.memory_space<vmem>> -> memref<16x128xf32, #tpu.memory_space<vmem>>
        %dma_start3A_1734 = arith.constant 0 : i32
        %dma_start3A_1735 = tpu.memref_slice %arg2[%dma_start3A_1734, %multiple_of3A_1722] : memref<16x1000000xf32, #tpu.memory_space<hbm>> -> memref<16x128xf32, #tpu.memory_space<hbm>>
        tpu.enqueue_dma source(%dma_start3A_1735 : memref<16x128xf32, #tpu.memory_space<hbm>>) target(%dma_start3A_1733 : memref<16x128xf32, #tpu.memory_space<vmem>>) target_semaphore(%arg9 : memref<!tpu.dma_semaphore, #tpu.memory_space<semaphore_mem>>)
        %slice3A_1736 = vector.extract_strided_slice %and3A_1495 {offsets = [15], sizes = [1], strides = [1]} : vector<16xi32> to vector<1xi32>
        %squeeze3A_1737 = vector.extract %slice3A_1736[0] : i32 from vector<1xi32>
        %multiple_of3A_1738 = tpu.assume_multiple %squeeze3A_1737, 128 : i32
        %dma_start3A_1739 = arith.constant 15 : i32
        %dma_start3A_1740 = arith.constant 0 : i32
        %dma_start3A_1741 = arith.constant 0 : i32
        %dma_start3A_1742 = tpu.memref_slice %arg6[%dma_start3A_1739, %dma_start3A_1740, %dma_start3A_1741] : memref<16x16x128xf32, #tpu.memory_space<vmem>> -> memref<1x16x128xf32, #tpu.memory_space<vmem>>
        %dma_start3A_1743 = tpu.memref_squeeze %dma_start3A_1742 : memref<1x16x128xf32, #tpu.memory_space<vmem>> -> memref<16x128xf32, #tpu.memory_space<vmem>>
        %dma_start3A_1744 = arith.constant 0 : i32
        %dma_start3A_1745 = tpu.memref_slice %arg2[%dma_start3A_1744, %multiple_of3A_1738] : memref<16x1000000xf32, #tpu.memory_space<hbm>> -> memref<16x128xf32, #tpu.memory_space<hbm>>
        %dma_start3A_1746 = arith.constant 0 : i32
        %dma_start3A_1747 = arith.constant 0 : i32
        %dma_start3A_1748 = tpu.memref_slice %arg6[%dma_start3A_1739, %dma_start3A_1746, %dma_start3A_1747] : memref<16x16x128xf32, #tpu.memory_space<vmem>> -> memref<1x16x128xf32, #tpu.memory_space<vmem>>
        %dma_start3A_1749 = tpu.memref_squeeze %dma_start3A_1748 : memref<1x16x128xf32, #tpu.memory_space<vmem>> -> memref<16x128xf32, #tpu.memory_space<vmem>>
        %dma_start3A_1750 = arith.constant 0 : i32
        %dma_start3A_1751 = tpu.memref_slice %arg2[%dma_start3A_1750, %multiple_of3A_1738] : memref<16x1000000xf32, #tpu.memory_space<hbm>> -> memref<16x128xf32, #tpu.memory_space<hbm>>
        tpu.enqueue_dma source(%dma_start3A_1751 : memref<16x128xf32, #tpu.memory_space<hbm>>) target(%dma_start3A_1749 : memref<16x128xf32, #tpu.memory_space<vmem>>) target_semaphore(%arg9 : memref<!tpu.dma_semaphore, #tpu.memory_space<semaphore_mem>>)
      } else {
      }
      %add3A_1005 = arith.constant 1 : i32
      %add3A_1006 = arith.addi %mul3A_532, %add3A_1005 : i32
      %dma_wait3A_1007 = arith.constant 0 : i32
      %dma_wait3A_1008 = arith.constant 0 : i32
      %dma_wait3A_1009 = arith.constant 0 : i32
      %dma_wait3A_1010 = tpu.memref_slice %arg7[%dma_wait3A_1007, %dma_wait3A_1008, %dma_wait3A_1009] : memref<16x16x128xf32, #tpu.memory_space<vmem>> -> memref<1x16x128xf32, #tpu.memory_space<vmem>>
      %dma_wait3A_1011 = tpu.memref_squeeze %dma_wait3A_1010 : memref<1x16x128xf32, #tpu.memory_space<vmem>> -> memref<16x128xf32, #tpu.memory_space<vmem>>
      %dma_wait3A_1012 = arith.constant 0 : i32
      %dma_wait3A_1013 = arith.constant 0 : i32
      %dma_wait3A_1014 = tpu.memref_slice %arg2[%dma_wait3A_1012, %dma_wait3A_1013] : memref<16x1000000xf32, #tpu.memory_space<hbm>> -> memref<16x128xf32, #tpu.memory_space<hbm>>
      %dma_wait3A_1015 = arith.constant 0 : i32
      %dma_wait3A_1016 = arith.constant 0 : i32
      %dma_wait3A_1017 = tpu.memref_slice %arg7[%dma_wait3A_1007, %dma_wait3A_1015, %dma_wait3A_1016] : memref<16x16x128xf32, #tpu.memory_space<vmem>> -> memref<1x16x128xf32, #tpu.memory_space<vmem>>
      %dma_wait3A_1018 = tpu.memref_squeeze %dma_wait3A_1017 : memref<1x16x128xf32, #tpu.memory_space<vmem>> -> memref<16x128xf32, #tpu.memory_space<vmem>>
      %dma_wait3A_1019 = arith.constant 0 : i32
      %dma_wait3A_1020 = arith.constant 0 : i32
      %dma_wait3A_1021 = tpu.memref_slice %arg2[%dma_wait3A_1019, %dma_wait3A_1020] : memref<16x1000000xf32, #tpu.memory_space<hbm>> -> memref<16x128xf32, #tpu.memory_space<hbm>>
      tpu.wait_dma2 semaphore(%arg10 : memref<!tpu.dma_semaphore, #tpu.memory_space<semaphore_mem>>) src(%dma_wait3A_1021 : memref<16x128xf32, #tpu.memory_space<hbm>>) dst(%dma_wait3A_1018 : memref<16x128xf32, #tpu.memory_space<vmem>>)
      %dma_wait3A_1022 = arith.constant 1 : i32
      %dma_wait3A_1023 = arith.constant 0 : i32
      %dma_wait3A_1024 = arith.constant 0 : i32
      %dma_wait3A_1025 = tpu.memref_slice %arg7[%dma_wait3A_1022, %dma_wait3A_1023, %dma_wait3A_1024] : memref<16x16x128xf32, #tpu.memory_space<vmem>> -> memref<1x16x128xf32, #tpu.memory_space<vmem>>
      %dma_wait3A_1026 = tpu.memref_squeeze %dma_wait3A_1025 : memref<1x16x128xf32, #tpu.memory_space<vmem>> -> memref<16x128xf32, #tpu.memory_space<vmem>>
      %dma_wait3A_1027 = arith.constant 0 : i32
      %dma_wait3A_1028 = arith.constant 0 : i32
      %dma_wait3A_1029 = tpu.memref_slice %arg2[%dma_wait3A_1027, %dma_wait3A_1028] : memref<16x1000000xf32, #tpu.memory_space<hbm>> -> memref<16x128xf32, #tpu.memory_space<hbm>>
      %dma_wait3A_1030 = arith.constant 0 : i32
      %dma_wait3A_1031 = arith.constant 0 : i32
      %dma_wait3A_1032 = tpu.memref_slice %arg7[%dma_wait3A_1022, %dma_wait3A_1030, %dma_wait3A_1031] : memref<16x16x128xf32, #tpu.memory_space<vmem>> -> memref<1x16x128xf32, #tpu.memory_space<vmem>>
      %dma_wait3A_1033 = tpu.memref_squeeze %dma_wait3A_1032 : memref<1x16x128xf32, #tpu.memory_space<vmem>> -> memref<16x128xf32, #tpu.memory_space<vmem>>
      %dma_wait3A_1034 = arith.constant 0 : i32
      %dma_wait3A_1035 = arith.constant 0 : i32
      %dma_wait3A_1036 = tpu.memref_slice %arg2[%dma_wait3A_1034, %dma_wait3A_1035] : memref<16x1000000xf32, #tpu.memory_space<hbm>> -> memref<16x128xf32, #tpu.memory_space<hbm>>
      tpu.wait_dma2 semaphore(%arg10 : memref<!tpu.dma_semaphore, #tpu.memory_space<semaphore_mem>>) src(%dma_wait3A_1036 : memref<16x128xf32, #tpu.memory_space<hbm>>) dst(%dma_wait3A_1033 : memref<16x128xf32, #tpu.memory_space<vmem>>)
      %dma_wait3A_1037 = arith.constant 2 : i32
      %dma_wait3A_1038 = arith.constant 0 : i32
      %dma_wait3A_1039 = arith.constant 0 : i32
      %dma_wait3A_1040 = tpu.memref_slice %arg7[%dma_wait3A_1037, %dma_wait3A_1038, %dma_wait3A_1039] : memref<16x16x128xf32, #tpu.memory_space<vmem>> -> memref<1x16x128xf32, #tpu.memory_space<vmem>>
      %dma_wait3A_1041 = tpu.memref_squeeze %dma_wait3A_1040 : memref<1x16x128xf32, #tpu.memory_space<vmem>> -> memref<16x128xf32, #tpu.memory_space<vmem>>
      %dma_wait3A_1042 = arith.constant 0 : i32
      %dma_wait3A_1043 = arith.constant 0 : i32
      %dma_wait3A_1044 = tpu.memref_slice %arg2[%dma_wait3A_1042, %dma_wait3A_1043] : memref<16x1000000xf32, #tpu.memory_space<hbm>> -> memref<16x128xf32, #tpu.memory_space<hbm>>
      %dma_wait3A_1045 = arith.constant 0 : i32
      %dma_wait3A_1046 = arith.constant 0 : i32
      %dma_wait3A_1047 = tpu.memref_slice %arg7[%dma_wait3A_1037, %dma_wait3A_1045, %dma_wait3A_1046] : memref<16x16x128xf32, #tpu.memory_space<vmem>> -> memref<1x16x128xf32, #tpu.memory_space<vmem>>
      %dma_wait3A_1048 = tpu.memref_squeeze %dma_wait3A_1047 : memref<1x16x128xf32, #tpu.memory_space<vmem>> -> memref<16x128xf32, #tpu.memory_space<vmem>>
      %dma_wait3A_1049 = arith.constant 0 : i32
      %dma_wait3A_1050 = arith.constant 0 : i32
      %dma_wait3A_1051 = tpu.memref_slice %arg2[%dma_wait3A_1049, %dma_wait3A_1050] : memref<16x1000000xf32, #tpu.memory_space<hbm>> -> memref<16x128xf32, #tpu.memory_space<hbm>>
      tpu.wait_dma2 semaphore(%arg10 : memref<!tpu.dma_semaphore, #tpu.memory_space<semaphore_mem>>) src(%dma_wait3A_1051 : memref<16x128xf32, #tpu.memory_space<hbm>>) dst(%dma_wait3A_1048 : memref<16x128xf32, #tpu.memory_space<vmem>>)
      %dma_wait3A_1052 = arith.constant 3 : i32
      %dma_wait3A_1053 = arith.constant 0 : i32
      %dma_wait3A_1054 = arith.constant 0 : i32
      %dma_wait3A_1055 = tpu.memref_slice %arg7[%dma_wait3A_1052, %dma_wait3A_1053, %dma_wait3A_1054] : memref<16x16x128xf32, #tpu.memory_space<vmem>> -> memref<1x16x128xf32, #tpu.memory_space<vmem>>
      %dma_wait3A_1056 = tpu.memref_squeeze %dma_wait3A_1055 : memref<1x16x128xf32, #tpu.memory_space<vmem>> -> memref<16x128xf32, #tpu.memory_space<vmem>>
      %dma_wait3A_1057 = arith.constant 0 : i32
      %dma_wait3A_1058 = arith.constant 0 : i32
      %dma_wait3A_1059 = tpu.memref_slice %arg2[%dma_wait3A_1057, %dma_wait3A_1058] : memref<16x1000000xf32, #tpu.memory_space<hbm>> -> memref<16x128xf32, #tpu.memory_space<hbm>>
      %dma_wait3A_1060 = arith.constant 0 : i32
      %dma_wait3A_1061 = arith.constant 0 : i32
      %dma_wait3A_1062 = tpu.memref_slice %arg7[%dma_wait3A_1052, %dma_wait3A_1060, %dma_wait3A_1061] : memref<16x16x128xf32, #tpu.memory_space<vmem>> -> memref<1x16x128xf32, #tpu.memory_space<vmem>>
      %dma_wait3A_1063 = tpu.memref_squeeze %dma_wait3A_1062 : memref<1x16x128xf32, #tpu.memory_space<vmem>> -> memref<16x128xf32, #tpu.memory_space<vmem>>
      %dma_wait3A_1064 = arith.constant 0 : i32
      %dma_wait3A_1065 = arith.constant 0 : i32
      %dma_wait3A_1066 = tpu.memref_slice %arg2[%dma_wait3A_1064, %dma_wait3A_1065] : memref<16x1000000xf32, #tpu.memory_space<hbm>> -> memref<16x128xf32, #tpu.memory_space<hbm>>
      tpu.wait_dma2 semaphore(%arg10 : memref<!tpu.dma_semaphore, #tpu.memory_space<semaphore_mem>>) src(%dma_wait3A_1066 : memref<16x128xf32, #tpu.memory_space<hbm>>) dst(%dma_wait3A_1063 : memref<16x128xf32, #tpu.memory_space<vmem>>)
      %dma_wait3A_1067 = arith.constant 4 : i32
      %dma_wait3A_1068 = arith.constant 0 : i32
      %dma_wait3A_1069 = arith.constant 0 : i32
      %dma_wait3A_1070 = tpu.memref_slice %arg7[%dma_wait3A_1067, %dma_wait3A_1068, %dma_wait3A_1069] : memref<16x16x128xf32, #tpu.memory_space<vmem>> -> memref<1x16x128xf32, #tpu.memory_space<vmem>>
      %dma_wait3A_1071 = tpu.memref_squeeze %dma_wait3A_1070 : memref<1x16x128xf32, #tpu.memory_space<vmem>> -> memref<16x128xf32, #tpu.memory_space<vmem>>
      %dma_wait3A_1072 = arith.constant 0 : i32
      %dma_wait3A_1073 = arith.constant 0 : i32
      %dma_wait3A_1074 = tpu.memref_slice %arg2[%dma_wait3A_1072, %dma_wait3A_1073] : memref<16x1000000xf32, #tpu.memory_space<hbm>> -> memref<16x128xf32, #tpu.memory_space<hbm>>
      %dma_wait3A_1075 = arith.constant 0 : i32
      %dma_wait3A_1076 = arith.constant 0 : i32
      %dma_wait3A_1077 = tpu.memref_slice %arg7[%dma_wait3A_1067, %dma_wait3A_1075, %dma_wait3A_1076] : memref<16x16x128xf32, #tpu.memory_space<vmem>> -> memref<1x16x128xf32, #tpu.memory_space<vmem>>
      %dma_wait3A_1078 = tpu.memref_squeeze %dma_wait3A_1077 : memref<1x16x128xf32, #tpu.memory_space<vmem>> -> memref<16x128xf32, #tpu.memory_space<vmem>>
      %dma_wait3A_1079 = arith.constant 0 : i32
      %dma_wait3A_1080 = arith.constant 0 : i32
      %dma_wait3A_1081 = tpu.memref_slice %arg2[%dma_wait3A_1079, %dma_wait3A_1080] : memref<16x1000000xf32, #tpu.memory_space<hbm>> -> memref<16x128xf32, #tpu.memory_space<hbm>>
      tpu.wait_dma2 semaphore(%arg10 : memref<!tpu.dma_semaphore, #tpu.memory_space<semaphore_mem>>) src(%dma_wait3A_1081 : memref<16x128xf32, #tpu.memory_space<hbm>>) dst(%dma_wait3A_1078 : memref<16x128xf32, #tpu.memory_space<vmem>>)
      %dma_wait3A_1082 = arith.constant 5 : i32
      %dma_wait3A_1083 = arith.constant 0 : i32
      %dma_wait3A_1084 = arith.constant 0 : i32
      %dma_wait3A_1085 = tpu.memref_slice %arg7[%dma_wait3A_1082, %dma_wait3A_1083, %dma_wait3A_1084] : memref<16x16x128xf32, #tpu.memory_space<vmem>> -> memref<1x16x128xf32, #tpu.memory_space<vmem>>
      %dma_wait3A_1086 = tpu.memref_squeeze %dma_wait3A_1085 : memref<1x16x128xf32, #tpu.memory_space<vmem>> -> memref<16x128xf32, #tpu.memory_space<vmem>>
      %dma_wait3A_1087 = arith.constant 0 : i32
      %dma_wait3A_1088 = arith.constant 0 : i32
      %dma_wait3A_1089 = tpu.memref_slice %arg2[%dma_wait3A_1087, %dma_wait3A_1088] : memref<16x1000000xf32, #tpu.memory_space<hbm>> -> memref<16x128xf32, #tpu.memory_space<hbm>>
      %dma_wait3A_1090 = arith.constant 0 : i32
      %dma_wait3A_1091 = arith.constant 0 : i32
      %dma_wait3A_1092 = tpu.memref_slice %arg7[%dma_wait3A_1082, %dma_wait3A_1090, %dma_wait3A_1091] : memref<16x16x128xf32, #tpu.memory_space<vmem>> -> memref<1x16x128xf32, #tpu.memory_space<vmem>>
      %dma_wait3A_1093 = tpu.memref_squeeze %dma_wait3A_1092 : memref<1x16x128xf32, #tpu.memory_space<vmem>> -> memref<16x128xf32, #tpu.memory_space<vmem>>
      %dma_wait3A_1094 = arith.constant 0 : i32
      %dma_wait3A_1095 = arith.constant 0 : i32
      %dma_wait3A_1096 = tpu.memref_slice %arg2[%dma_wait3A_1094, %dma_wait3A_1095] : memref<16x1000000xf32, #tpu.memory_space<hbm>> -> memref<16x128xf32, #tpu.memory_space<hbm>>
      tpu.wait_dma2 semaphore(%arg10 : memref<!tpu.dma_semaphore, #tpu.memory_space<semaphore_mem>>) src(%dma_wait3A_1096 : memref<16x128xf32, #tpu.memory_space<hbm>>) dst(%dma_wait3A_1093 : memref<16x128xf32, #tpu.memory_space<vmem>>)
      %dma_wait3A_1097 = arith.constant 6 : i32
      %dma_wait3A_1098 = arith.constant 0 : i32
      %dma_wait3A_1099 = arith.constant 0 : i32
      %dma_wait3A_1100 = tpu.memref_slice %arg7[%dma_wait3A_1097, %dma_wait3A_1098, %dma_wait3A_1099] : memref<16x16x128xf32, #tpu.memory_space<vmem>> -> memref<1x16x128xf32, #tpu.memory_space<vmem>>
      %dma_wait3A_1101 = tpu.memref_squeeze %dma_wait3A_1100 : memref<1x16x128xf32, #tpu.memory_space<vmem>> -> memref<16x128xf32, #tpu.memory_space<vmem>>
      %dma_wait3A_1102 = arith.constant 0 : i32
      %dma_wait3A_1103 = arith.constant 0 : i32
      %dma_wait3A_1104 = tpu.memref_slice %arg2[%dma_wait3A_1102, %dma_wait3A_1103] : memref<16x1000000xf32, #tpu.memory_space<hbm>> -> memref<16x128xf32, #tpu.memory_space<hbm>>
      %dma_wait3A_1105 = arith.constant 0 : i32
      %dma_wait3A_1106 = arith.constant 0 : i32
      %dma_wait3A_1107 = tpu.memref_slice %arg7[%dma_wait3A_1097, %dma_wait3A_1105, %dma_wait3A_1106] : memref<16x16x128xf32, #tpu.memory_space<vmem>> -> memref<1x16x128xf32, #tpu.memory_space<vmem>>
      %dma_wait3A_1108 = tpu.memref_squeeze %dma_wait3A_1107 : memref<1x16x128xf32, #tpu.memory_space<vmem>> -> memref<16x128xf32, #tpu.memory_space<vmem>>
      %dma_wait3A_1109 = arith.constant 0 : i32
      %dma_wait3A_1110 = arith.constant 0 : i32
      %dma_wait3A_1111 = tpu.memref_slice %arg2[%dma_wait3A_1109, %dma_wait3A_1110] : memref<16x1000000xf32, #tpu.memory_space<hbm>> -> memref<16x128xf32, #tpu.memory_space<hbm>>
      tpu.wait_dma2 semaphore(%arg10 : memref<!tpu.dma_semaphore, #tpu.memory_space<semaphore_mem>>) src(%dma_wait3A_1111 : memref<16x128xf32, #tpu.memory_space<hbm>>) dst(%dma_wait3A_1108 : memref<16x128xf32, #tpu.memory_space<vmem>>)
      %dma_wait3A_1112 = arith.constant 7 : i32
      %dma_wait3A_1113 = arith.constant 0 : i32
      %dma_wait3A_1114 = arith.constant 0 : i32
      %dma_wait3A_1115 = tpu.memref_slice %arg7[%dma_wait3A_1112, %dma_wait3A_1113, %dma_wait3A_1114] : memref<16x16x128xf32, #tpu.memory_space<vmem>> -> memref<1x16x128xf32, #tpu.memory_space<vmem>>
      %dma_wait3A_1116 = tpu.memref_squeeze %dma_wait3A_1115 : memref<1x16x128xf32, #tpu.memory_space<vmem>> -> memref<16x128xf32, #tpu.memory_space<vmem>>
      %dma_wait3A_1117 = arith.constant 0 : i32
      %dma_wait3A_1118 = arith.constant 0 : i32
      %dma_wait3A_1119 = tpu.memref_slice %arg2[%dma_wait3A_1117, %dma_wait3A_1118] : memref<16x1000000xf32, #tpu.memory_space<hbm>> -> memref<16x128xf32, #tpu.memory_space<hbm>>
      %dma_wait3A_1120 = arith.constant 0 : i32
      %dma_wait3A_1121 = arith.constant 0 : i32
      %dma_wait3A_1122 = tpu.memref_slice %arg7[%dma_wait3A_1112, %dma_wait3A_1120, %dma_wait3A_1121] : memref<16x16x128xf32, #tpu.memory_space<vmem>> -> memref<1x16x128xf32, #tpu.memory_space<vmem>>
      %dma_wait3A_1123 = tpu.memref_squeeze %dma_wait3A_1122 : memref<1x16x128xf32, #tpu.memory_space<vmem>> -> memref<16x128xf32, #tpu.memory_space<vmem>>
      %dma_wait3A_1124 = arith.constant 0 : i32
      %dma_wait3A_1125 = arith.constant 0 : i32
      %dma_wait3A_1126 = tpu.memref_slice %arg2[%dma_wait3A_1124, %dma_wait3A_1125] : memref<16x1000000xf32, #tpu.memory_space<hbm>> -> memref<16x128xf32, #tpu.memory_space<hbm>>
      tpu.wait_dma2 semaphore(%arg10 : memref<!tpu.dma_semaphore, #tpu.memory_space<semaphore_mem>>) src(%dma_wait3A_1126 : memref<16x128xf32, #tpu.memory_space<hbm>>) dst(%dma_wait3A_1123 : memref<16x128xf32, #tpu.memory_space<vmem>>)
      %dma_wait3A_1127 = arith.constant 8 : i32
      %dma_wait3A_1128 = arith.constant 0 : i32
      %dma_wait3A_1129 = arith.constant 0 : i32
      %dma_wait3A_1130 = tpu.memref_slice %arg7[%dma_wait3A_1127, %dma_wait3A_1128, %dma_wait3A_1129] : memref<16x16x128xf32, #tpu.memory_space<vmem>> -> memref<1x16x128xf32, #tpu.memory_space<vmem>>
      %dma_wait3A_1131 = tpu.memref_squeeze %dma_wait3A_1130 : memref<1x16x128xf32, #tpu.memory_space<vmem>> -> memref<16x128xf32, #tpu.memory_space<vmem>>
      %dma_wait3A_1132 = arith.constant 0 : i32
      %dma_wait3A_1133 = arith.constant 0 : i32
      %dma_wait3A_1134 = tpu.memref_slice %arg2[%dma_wait3A_1132, %dma_wait3A_1133] : memref<16x1000000xf32, #tpu.memory_space<hbm>> -> memref<16x128xf32, #tpu.memory_space<hbm>>
      %dma_wait3A_1135 = arith.constant 0 : i32
      %dma_wait3A_1136 = arith.constant 0 : i32
      %dma_wait3A_1137 = tpu.memref_slice %arg7[%dma_wait3A_1127, %dma_wait3A_1135, %dma_wait3A_1136] : memref<16x16x128xf32, #tpu.memory_space<vmem>> -> memref<1x16x128xf32, #tpu.memory_space<vmem>>
      %dma_wait3A_1138 = tpu.memref_squeeze %dma_wait3A_1137 : memref<1x16x128xf32, #tpu.memory_space<vmem>> -> memref<16x128xf32, #tpu.memory_space<vmem>>
      %dma_wait3A_1139 = arith.constant 0 : i32
      %dma_wait3A_1140 = arith.constant 0 : i32
      %dma_wait3A_1141 = tpu.memref_slice %arg2[%dma_wait3A_1139, %dma_wait3A_1140] : memref<16x1000000xf32, #tpu.memory_space<hbm>> -> memref<16x128xf32, #tpu.memory_space<hbm>>
      tpu.wait_dma2 semaphore(%arg10 : memref<!tpu.dma_semaphore, #tpu.memory_space<semaphore_mem>>) src(%dma_wait3A_1141 : memref<16x128xf32, #tpu.memory_space<hbm>>) dst(%dma_wait3A_1138 : memref<16x128xf32, #tpu.memory_space<vmem>>)
      %dma_wait3A_1142 = arith.constant 9 : i32
      %dma_wait3A_1143 = arith.constant 0 : i32
      %dma_wait3A_1144 = arith.constant 0 : i32
      %dma_wait3A_1145 = tpu.memref_slice %arg7[%dma_wait3A_1142, %dma_wait3A_1143, %dma_wait3A_1144] : memref<16x16x128xf32, #tpu.memory_space<vmem>> -> memref<1x16x128xf32, #tpu.memory_space<vmem>>
      %dma_wait3A_1146 = tpu.memref_squeeze %dma_wait3A_1145 : memref<1x16x128xf32, #tpu.memory_space<vmem>> -> memref<16x128xf32, #tpu.memory_space<vmem>>
      %dma_wait3A_1147 = arith.constant 0 : i32
      %dma_wait3A_1148 = arith.constant 0 : i32
      %dma_wait3A_1149 = tpu.memref_slice %arg2[%dma_wait3A_1147, %dma_wait3A_1148] : memref<16x1000000xf32, #tpu.memory_space<hbm>> -> memref<16x128xf32, #tpu.memory_space<hbm>>
      %dma_wait3A_1150 = arith.constant 0 : i32
      %dma_wait3A_1151 = arith.constant 0 : i32
      %dma_wait3A_1152 = tpu.memref_slice %arg7[%dma_wait3A_1142, %dma_wait3A_1150, %dma_wait3A_1151] : memref<16x16x128xf32, #tpu.memory_space<vmem>> -> memref<1x16x128xf32, #tpu.memory_space<vmem>>
      %dma_wait3A_1153 = tpu.memref_squeeze %dma_wait3A_1152 : memref<1x16x128xf32, #tpu.memory_space<vmem>> -> memref<16x128xf32, #tpu.memory_space<vmem>>
      %dma_wait3A_1154 = arith.constant 0 : i32
      %dma_wait3A_1155 = arith.constant 0 : i32
      %dma_wait3A_1156 = tpu.memref_slice %arg2[%dma_wait3A_1154, %dma_wait3A_1155] : memref<16x1000000xf32, #tpu.memory_space<hbm>> -> memref<16x128xf32, #tpu.memory_space<hbm>>
      tpu.wait_dma2 semaphore(%arg10 : memref<!tpu.dma_semaphore, #tpu.memory_space<semaphore_mem>>) src(%dma_wait3A_1156 : memref<16x128xf32, #tpu.memory_space<hbm>>) dst(%dma_wait3A_1153 : memref<16x128xf32, #tpu.memory_space<vmem>>)
      %dma_wait3A_1157 = arith.constant 10 : i32
      %dma_wait3A_1158 = arith.constant 0 : i32
      %dma_wait3A_1159 = arith.constant 0 : i32
      %dma_wait3A_1160 = tpu.memref_slice %arg7[%dma_wait3A_1157, %dma_wait3A_1158, %dma_wait3A_1159] : memref<16x16x128xf32, #tpu.memory_space<vmem>> -> memref<1x16x128xf32, #tpu.memory_space<vmem>>
      %dma_wait3A_1161 = tpu.memref_squeeze %dma_wait3A_1160 : memref<1x16x128xf32, #tpu.memory_space<vmem>> -> memref<16x128xf32, #tpu.memory_space<vmem>>
      %dma_wait3A_1162 = arith.constant 0 : i32
      %dma_wait3A_1163 = arith.constant 0 : i32
      %dma_wait3A_1164 = tpu.memref_slice %arg2[%dma_wait3A_1162, %dma_wait3A_1163] : memref<16x1000000xf32, #tpu.memory_space<hbm>> -> memref<16x128xf32, #tpu.memory_space<hbm>>
      %dma_wait3A_1165 = arith.constant 0 : i32
      %dma_wait3A_1166 = arith.constant 0 : i32
      %dma_wait3A_1167 = tpu.memref_slice %arg7[%dma_wait3A_1157, %dma_wait3A_1165, %dma_wait3A_1166] : memref<16x16x128xf32, #tpu.memory_space<vmem>> -> memref<1x16x128xf32, #tpu.memory_space<vmem>>
      %dma_wait3A_1168 = tpu.memref_squeeze %dma_wait3A_1167 : memref<1x16x128xf32, #tpu.memory_space<vmem>> -> memref<16x128xf32, #tpu.memory_space<vmem>>
      %dma_wait3A_1169 = arith.constant 0 : i32
      %dma_wait3A_1170 = arith.constant 0 : i32
      %dma_wait3A_1171 = tpu.memref_slice %arg2[%dma_wait3A_1169, %dma_wait3A_1170] : memref<16x1000000xf32, #tpu.memory_space<hbm>> -> memref<16x128xf32, #tpu.memory_space<hbm>>
      tpu.wait_dma2 semaphore(%arg10 : memref<!tpu.dma_semaphore, #tpu.memory_space<semaphore_mem>>) src(%dma_wait3A_1171 : memref<16x128xf32, #tpu.memory_space<hbm>>) dst(%dma_wait3A_1168 : memref<16x128xf32, #tpu.memory_space<vmem>>)
      %dma_wait3A_1172 = arith.constant 11 : i32
      %dma_wait3A_1173 = arith.constant 0 : i32
      %dma_wait3A_1174 = arith.constant 0 : i32
      %dma_wait3A_1175 = tpu.memref_slice %arg7[%dma_wait3A_1172, %dma_wait3A_1173, %dma_wait3A_1174] : memref<16x16x128xf32, #tpu.memory_space<vmem>> -> memref<1x16x128xf32, #tpu.memory_space<vmem>>
      %dma_wait3A_1176 = tpu.memref_squeeze %dma_wait3A_1175 : memref<1x16x128xf32, #tpu.memory_space<vmem>> -> memref<16x128xf32, #tpu.memory_space<vmem>>
      %dma_wait3A_1177 = arith.constant 0 : i32
      %dma_wait3A_1178 = arith.constant 0 : i32
      %dma_wait3A_1179 = tpu.memref_slice %arg2[%dma_wait3A_1177, %dma_wait3A_1178] : memref<16x1000000xf32, #tpu.memory_space<hbm>> -> memref<16x128xf32, #tpu.memory_space<hbm>>
      %dma_wait3A_1180 = arith.constant 0 : i32
      %dma_wait3A_1181 = arith.constant 0 : i32
      %dma_wait3A_1182 = tpu.memref_slice %arg7[%dma_wait3A_1172, %dma_wait3A_1180, %dma_wait3A_1181] : memref<16x16x128xf32, #tpu.memory_space<vmem>> -> memref<1x16x128xf32, #tpu.memory_space<vmem>>
      %dma_wait3A_1183 = tpu.memref_squeeze %dma_wait3A_1182 : memref<1x16x128xf32, #tpu.memory_space<vmem>> -> memref<16x128xf32, #tpu.memory_space<vmem>>
      %dma_wait3A_1184 = arith.constant 0 : i32
      %dma_wait3A_1185 = arith.constant 0 : i32
      %dma_wait3A_1186 = tpu.memref_slice %arg2[%dma_wait3A_1184, %dma_wait3A_1185] : memref<16x1000000xf32, #tpu.memory_space<hbm>> -> memref<16x128xf32, #tpu.memory_space<hbm>>
      tpu.wait_dma2 semaphore(%arg10 : memref<!tpu.dma_semaphore, #tpu.memory_space<semaphore_mem>>) src(%dma_wait3A_1186 : memref<16x128xf32, #tpu.memory_space<hbm>>) dst(%dma_wait3A_1183 : memref<16x128xf32, #tpu.memory_space<vmem>>)
      %dma_wait3A_1187 = arith.constant 12 : i32
      %dma_wait3A_1188 = arith.constant 0 : i32
      %dma_wait3A_1189 = arith.constant 0 : i32
      %dma_wait3A_1190 = tpu.memref_slice %arg7[%dma_wait3A_1187, %dma_wait3A_1188, %dma_wait3A_1189] : memref<16x16x128xf32, #tpu.memory_space<vmem>> -> memref<1x16x128xf32, #tpu.memory_space<vmem>>
      %dma_wait3A_1191 = tpu.memref_squeeze %dma_wait3A_1190 : memref<1x16x128xf32, #tpu.memory_space<vmem>> -> memref<16x128xf32, #tpu.memory_space<vmem>>
      %dma_wait3A_1192 = arith.constant 0 : i32
      %dma_wait3A_1193 = arith.constant 0 : i32
      %dma_wait3A_1194 = tpu.memref_slice %arg2[%dma_wait3A_1192, %dma_wait3A_1193] : memref<16x1000000xf32, #tpu.memory_space<hbm>> -> memref<16x128xf32, #tpu.memory_space<hbm>>
      %dma_wait3A_1195 = arith.constant 0 : i32
      %dma_wait3A_1196 = arith.constant 0 : i32
      %dma_wait3A_1197 = tpu.memref_slice %arg7[%dma_wait3A_1187, %dma_wait3A_1195, %dma_wait3A_1196] : memref<16x16x128xf32, #tpu.memory_space<vmem>> -> memref<1x16x128xf32, #tpu.memory_space<vmem>>
      %dma_wait3A_1198 = tpu.memref_squeeze %dma_wait3A_1197 : memref<1x16x128xf32, #tpu.memory_space<vmem>> -> memref<16x128xf32, #tpu.memory_space<vmem>>
      %dma_wait3A_1199 = arith.constant 0 : i32
      %dma_wait3A_1200 = arith.constant 0 : i32
      %dma_wait3A_1201 = tpu.memref_slice %arg2[%dma_wait3A_1199, %dma_wait3A_1200] : memref<16x1000000xf32, #tpu.memory_space<hbm>> -> memref<16x128xf32, #tpu.memory_space<hbm>>
      tpu.wait_dma2 semaphore(%arg10 : memref<!tpu.dma_semaphore, #tpu.memory_space<semaphore_mem>>) src(%dma_wait3A_1201 : memref<16x128xf32, #tpu.memory_space<hbm>>) dst(%dma_wait3A_1198 : memref<16x128xf32, #tpu.memory_space<vmem>>)
      %dma_wait3A_1202 = arith.constant 13 : i32
      %dma_wait3A_1203 = arith.constant 0 : i32
      %dma_wait3A_1204 = arith.constant 0 : i32
      %dma_wait3A_1205 = tpu.memref_slice %arg7[%dma_wait3A_1202, %dma_wait3A_1203, %dma_wait3A_1204] : memref<16x16x128xf32, #tpu.memory_space<vmem>> -> memref<1x16x128xf32, #tpu.memory_space<vmem>>
      %dma_wait3A_1206 = tpu.memref_squeeze %dma_wait3A_1205 : memref<1x16x128xf32, #tpu.memory_space<vmem>> -> memref<16x128xf32, #tpu.memory_space<vmem>>
      %dma_wait3A_1207 = arith.constant 0 : i32
      %dma_wait3A_1208 = arith.constant 0 : i32
      %dma_wait3A_1209 = tpu.memref_slice %arg2[%dma_wait3A_1207, %dma_wait3A_1208] : memref<16x1000000xf32, #tpu.memory_space<hbm>> -> memref<16x128xf32, #tpu.memory_space<hbm>>
      %dma_wait3A_1210 = arith.constant 0 : i32
      %dma_wait3A_1211 = arith.constant 0 : i32
      %dma_wait3A_1212 = tpu.memref_slice %arg7[%dma_wait3A_1202, %dma_wait3A_1210, %dma_wait3A_1211] : memref<16x16x128xf32, #tpu.memory_space<vmem>> -> memref<1x16x128xf32, #tpu.memory_space<vmem>>
      %dma_wait3A_1213 = tpu.memref_squeeze %dma_wait3A_1212 : memref<1x16x128xf32, #tpu.memory_space<vmem>> -> memref<16x128xf32, #tpu.memory_space<vmem>>
      %dma_wait3A_1214 = arith.constant 0 : i32
      %dma_wait3A_1215 = arith.constant 0 : i32
      %dma_wait3A_1216 = tpu.memref_slice %arg2[%dma_wait3A_1214, %dma_wait3A_1215] : memref<16x1000000xf32, #tpu.memory_space<hbm>> -> memref<16x128xf32, #tpu.memory_space<hbm>>
      tpu.wait_dma2 semaphore(%arg10 : memref<!tpu.dma_semaphore, #tpu.memory_space<semaphore_mem>>) src(%dma_wait3A_1216 : memref<16x128xf32, #tpu.memory_space<hbm>>) dst(%dma_wait3A_1213 : memref<16x128xf32, #tpu.memory_space<vmem>>)
      %dma_wait3A_1217 = arith.constant 14 : i32
      %dma_wait3A_1218 = arith.constant 0 : i32
      %dma_wait3A_1219 = arith.constant 0 : i32
      %dma_wait3A_1220 = tpu.memref_slice %arg7[%dma_wait3A_1217, %dma_wait3A_1218, %dma_wait3A_1219] : memref<16x16x128xf32, #tpu.memory_space<vmem>> -> memref<1x16x128xf32, #tpu.memory_space<vmem>>
      %dma_wait3A_1221 = tpu.memref_squeeze %dma_wait3A_1220 : memref<1x16x128xf32, #tpu.memory_space<vmem>> -> memref<16x128xf32, #tpu.memory_space<vmem>>
      %dma_wait3A_1222 = arith.constant 0 : i32
      %dma_wait3A_1223 = arith.constant 0 : i32
      %dma_wait3A_1224 = tpu.memref_slice %arg2[%dma_wait3A_1222, %dma_wait3A_1223] : memref<16x1000000xf32, #tpu.memory_space<hbm>> -> memref<16x128xf32, #tpu.memory_space<hbm>>
      %dma_wait3A_1225 = arith.constant 0 : i32
      %dma_wait3A_1226 = arith.constant 0 : i32
      %dma_wait3A_1227 = tpu.memref_slice %arg7[%dma_wait3A_1217, %dma_wait3A_1225, %dma_wait3A_1226] : memref<16x16x128xf32, #tpu.memory_space<vmem>> -> memref<1x16x128xf32, #tpu.memory_space<vmem>>
      %dma_wait3A_1228 = tpu.memref_squeeze %dma_wait3A_1227 : memref<1x16x128xf32, #tpu.memory_space<vmem>> -> memref<16x128xf32, #tpu.memory_space<vmem>>
      %dma_wait3A_1229 = arith.constant 0 : i32
      %dma_wait3A_1230 = arith.constant 0 : i32
      %dma_wait3A_1231 = tpu.memref_slice %arg2[%dma_wait3A_1229, %dma_wait3A_1230] : memref<16x1000000xf32, #tpu.memory_space<hbm>> -> memref<16x128xf32, #tpu.memory_space<hbm>>
      tpu.wait_dma2 semaphore(%arg10 : memref<!tpu.dma_semaphore, #tpu.memory_space<semaphore_mem>>) src(%dma_wait3A_1231 : memref<16x128xf32, #tpu.memory_space<hbm>>) dst(%dma_wait3A_1228 : memref<16x128xf32, #tpu.memory_space<vmem>>)
      %dma_wait3A_1232 = arith.constant 15 : i32
      %dma_wait3A_1233 = arith.constant 0 : i32
      %dma_wait3A_1234 = arith.constant 0 : i32
      %dma_wait3A_1235 = tpu.memref_slice %arg7[%dma_wait3A_1232, %dma_wait3A_1233, %dma_wait3A_1234] : memref<16x16x128xf32, #tpu.memory_space<vmem>> -> memref<1x16x128xf32, #tpu.memory_space<vmem>>
      %dma_wait3A_1236 = tpu.memref_squeeze %dma_wait3A_1235 : memref<1x16x128xf32, #tpu.memory_space<vmem>> -> memref<16x128xf32, #tpu.memory_space<vmem>>
      %dma_wait3A_1237 = arith.constant 0 : i32
      %dma_wait3A_1238 = arith.constant 0 : i32
      %dma_wait3A_1239 = tpu.memref_slice %arg2[%dma_wait3A_1237, %dma_wait3A_1238] : memref<16x1000000xf32, #tpu.memory_space<hbm>> -> memref<16x128xf32, #tpu.memory_space<hbm>>
      %dma_wait3A_1240 = arith.constant 0 : i32
      %dma_wait3A_1241 = arith.constant 0 : i32
      %dma_wait3A_1242 = tpu.memref_slice %arg7[%dma_wait3A_1232, %dma_wait3A_1240, %dma_wait3A_1241] : memref<16x16x128xf32, #tpu.memory_space<vmem>> -> memref<1x16x128xf32, #tpu.memory_space<vmem>>
      %dma_wait3A_1243 = tpu.memref_squeeze %dma_wait3A_1242 : memref<1x16x128xf32, #tpu.memory_space<vmem>> -> memref<16x128xf32, #tpu.memory_space<vmem>>
      %dma_wait3A_1244 = arith.constant 0 : i32
      %dma_wait3A_1245 = arith.constant 0 : i32
      %dma_wait3A_1246 = tpu.memref_slice %arg2[%dma_wait3A_1244, %dma_wait3A_1245] : memref<16x1000000xf32, #tpu.memory_space<hbm>> -> memref<16x128xf32, #tpu.memory_space<hbm>>
      tpu.wait_dma2 semaphore(%arg10 : memref<!tpu.dma_semaphore, #tpu.memory_space<semaphore_mem>>) src(%dma_wait3A_1246 : memref<16x128xf32, #tpu.memory_space<hbm>>) dst(%dma_wait3A_1243 : memref<16x128xf32, #tpu.memory_space<vmem>>)
      %mul3A_1247 = arith.constant 16 : i32
      %mul3A_1248 = arith.muli %add3A_1006, %mul3A_1247 : i32
      %get3A_1249 = arith.index_cast %mul3A_1248 : i32 to index
      %get3A_1250 = tpu.vector_load %arg5[%get3A_1249] {strides = array<i32>} : memref<512xi32, #tpu.memory_space<vmem>>, vector<16xi32>,
      %and3A_1251 = arith.constant 127 : i32
      %and3A_1252 = vector.broadcast %and3A_1251 : i32 to vector<16xi32>
      %and3A_1253 = arith.andi %get3A_1250, %and3A_1252 : vector<16xi32>
      %slice3A_1254 = vector.extract_strided_slice %and3A_1253 {offsets = [0], sizes = [1], strides = [1]} : vector<16xi32> to vector<1xi32>
      %squeeze3A_1255 = vector.extract %slice3A_1254[0] : i32 from vector<1xi32>
      %broadcast_in_dim3A_1256 = vector.broadcast %squeeze3A_1255 : i32 to vector<16xi32>
      %mul3A_1257 = arith.constant 16 : i32
      %mul3A_1258 = arith.muli %add3A_1006, %mul3A_1257 : i32
      %add3A_1259 = arith.constant 0 : i32
      %add3A_1260 = arith.addi %mul3A_1258, %add3A_1259 : i32
      %broadcast_in_dim3A_1261 = vector.broadcast %add3A_1260 : i32 to vector<16xi32>
      %gather3A_1262 = arith.constant 0 : i32
      %gather3A_1263 = arith.constant 0 : i32
      %gather3A_1264 = arith.constant 0 : i32
      %gather3A_1265 = tpu.memref_slice %arg7[%gather3A_1262, %gather3A_1263, %gather3A_1264] : memref<16x16x128xf32, #tpu.memory_space<vmem>> -> memref<1x16x128xf32, #tpu.memory_space<vmem>>
      %gather3A_1266 = tpu.memref_squeeze %gather3A_1265 : memref<1x16x128xf32, #tpu.memory_space<vmem>> -> memref<16x128xf32, #tpu.memory_space<vmem>>
      %gather3A_1267 = tpu.vector_load_idx %gather3A_1266[%iota3A, %broadcast_in_dim3A_1256] : memref<16x128xf32, #tpu.memory_space<vmem>>[vector<16xi32>, vector<16xi32>], vector<16xf32>,
      tpu.vector_store_idx %arg8[%iota3A, %broadcast_in_dim3A_1261], %gather3A_1267 : memref<16x512xf32, #tpu.memory_space<vmem>>[vector<16xi32>, vector<16xi32>], vector<16xf32>,
      %slice3A_1268 = vector.extract_strided_slice %and3A_1253 {offsets = [1], sizes = [1], strides = [1]} : vector<16xi32> to vector<1xi32>
      %squeeze3A_1269 = vector.extract %slice3A_1268[0] : i32 from vector<1xi32>
      %broadcast_in_dim3A_1270 = vector.broadcast %squeeze3A_1269 : i32 to vector<16xi32>
      %mul3A_1271 = arith.constant 16 : i32
      %mul3A_1272 = arith.muli %add3A_1006, %mul3A_1271 : i32
      %add3A_1273 = arith.constant 1 : i32
      %add3A_1274 = arith.addi %mul3A_1272, %add3A_1273 : i32
      %broadcast_in_dim3A_1275 = vector.broadcast %add3A_1274 : i32 to vector<16xi32>
      %gather3A_1276 = arith.constant 1 : i32
      %gather3A_1277 = arith.constant 0 : i32
      %gather3A_1278 = arith.constant 0 : i32
      %gather3A_1279 = tpu.memref_slice %arg7[%gather3A_1276, %gather3A_1277, %gather3A_1278] : memref<16x16x128xf32, #tpu.memory_space<vmem>> -> memref<1x16x128xf32, #tpu.memory_space<vmem>>
      %gather3A_1280 = tpu.memref_squeeze %gather3A_1279 : memref<1x16x128xf32, #tpu.memory_space<vmem>> -> memref<16x128xf32, #tpu.memory_space<vmem>>
      %gather3A_1281 = tpu.vector_load_idx %gather3A_1280[%iota3A, %broadcast_in_dim3A_1270] : memref<16x128xf32, #tpu.memory_space<vmem>>[vector<16xi32>, vector<16xi32>], vector<16xf32>,
      tpu.vector_store_idx %arg8[%iota3A, %broadcast_in_dim3A_1275], %gather3A_1281 : memref<16x512xf32, #tpu.memory_space<vmem>>[vector<16xi32>, vector<16xi32>], vector<16xf32>,
      %slice3A_1282 = vector.extract_strided_slice %and3A_1253 {offsets = [2], sizes = [1], strides = [1]} : vector<16xi32> to vector<1xi32>
      %squeeze3A_1283 = vector.extract %slice3A_1282[0] : i32 from vector<1xi32>
      %broadcast_in_dim3A_1284 = vector.broadcast %squeeze3A_1283 : i32 to vector<16xi32>
      %mul3A_1285 = arith.constant 16 : i32
      %mul3A_1286 = arith.muli %add3A_1006, %mul3A_1285 : i32
      %add3A_1287 = arith.constant 2 : i32
      %add3A_1288 = arith.addi %mul3A_1286, %add3A_1287 : i32
      %broadcast_in_dim3A_1289 = vector.broadcast %add3A_1288 : i32 to vector<16xi32>
      %gather3A_1290 = arith.constant 2 : i32
      %gather3A_1291 = arith.constant 0 : i32
      %gather3A_1292 = arith.constant 0 : i32
      %gather3A_1293 = tpu.memref_slice %arg7[%gather3A_1290, %gather3A_1291, %gather3A_1292] : memref<16x16x128xf32, #tpu.memory_space<vmem>> -> memref<1x16x128xf32, #tpu.memory_space<vmem>>
      %gather3A_1294 = tpu.memref_squeeze %gather3A_1293 : memref<1x16x128xf32, #tpu.memory_space<vmem>> -> memref<16x128xf32, #tpu.memory_space<vmem>>
      %gather3A_1295 = tpu.vector_load_idx %gather3A_1294[%iota3A, %broadcast_in_dim3A_1284] : memref<16x128xf32, #tpu.memory_space<vmem>>[vector<16xi32>, vector<16xi32>], vector<16xf32>,
      tpu.vector_store_idx %arg8[%iota3A, %broadcast_in_dim3A_1289], %gather3A_1295 : memref<16x512xf32, #tpu.memory_space<vmem>>[vector<16xi32>, vector<16xi32>], vector<16xf32>,
      %slice3A_1296 = vector.extract_strided_slice %and3A_1253 {offsets = [3], sizes = [1], strides = [1]} : vector<16xi32> to vector<1xi32>
      %squeeze3A_1297 = vector.extract %slice3A_1296[0] : i32 from vector<1xi32>
      %broadcast_in_dim3A_1298 = vector.broadcast %squeeze3A_1297 : i32 to vector<16xi32>
      %mul3A_1299 = arith.constant 16 : i32
      %mul3A_1300 = arith.muli %add3A_1006, %mul3A_1299 : i32
      %add3A_1301 = arith.constant 3 : i32
      %add3A_1302 = arith.addi %mul3A_1300, %add3A_1301 : i32
      %broadcast_in_dim3A_1303 = vector.broadcast %add3A_1302 : i32 to vector<16xi32>
      %gather3A_1304 = arith.constant 3 : i32
      %gather3A_1305 = arith.constant 0 : i32
      %gather3A_1306 = arith.constant 0 : i32
      %gather3A_1307 = tpu.memref_slice %arg7[%gather3A_1304, %gather3A_1305, %gather3A_1306] : memref<16x16x128xf32, #tpu.memory_space<vmem>> -> memref<1x16x128xf32, #tpu.memory_space<vmem>>
      %gather3A_1308 = tpu.memref_squeeze %gather3A_1307 : memref<1x16x128xf32, #tpu.memory_space<vmem>> -> memref<16x128xf32, #tpu.memory_space<vmem>>
      %gather3A_1309 = tpu.vector_load_idx %gather3A_1308[%iota3A, %broadcast_in_dim3A_1298] : memref<16x128xf32, #tpu.memory_space<vmem>>[vector<16xi32>, vector<16xi32>], vector<16xf32>,
      tpu.vector_store_idx %arg8[%iota3A, %broadcast_in_dim3A_1303], %gather3A_1309 : memref<16x512xf32, #tpu.memory_space<vmem>>[vector<16xi32>, vector<16xi32>], vector<16xf32>,
      %slice3A_1310 = vector.extract_strided_slice %and3A_1253 {offsets = [4], sizes = [1], strides = [1]} : vector<16xi32> to vector<1xi32>
      %squeeze3A_1311 = vector.extract %slice3A_1310[0] : i32 from vector<1xi32>
      %broadcast_in_dim3A_1312 = vector.broadcast %squeeze3A_1311 : i32 to vector<16xi32>
      %mul3A_1313 = arith.constant 16 : i32
      %mul3A_1314 = arith.muli %add3A_1006, %mul3A_1313 : i32
      %add3A_1315 = arith.constant 4 : i32
      %add3A_1316 = arith.addi %mul3A_1314, %add3A_1315 : i32
      %broadcast_in_dim3A_1317 = vector.broadcast %add3A_1316 : i32 to vector<16xi32>
      %gather3A_1318 = arith.constant 4 : i32
      %gather3A_1319 = arith.constant 0 : i32
      %gather3A_1320 = arith.constant 0 : i32
      %gather3A_1321 = tpu.memref_slice %arg7[%gather3A_1318, %gather3A_1319, %gather3A_1320] : memref<16x16x128xf32, #tpu.memory_space<vmem>> -> memref<1x16x128xf32, #tpu.memory_space<vmem>>
      %gather3A_1322 = tpu.memref_squeeze %gather3A_1321 : memref<1x16x128xf32, #tpu.memory_space<vmem>> -> memref<16x128xf32, #tpu.memory_space<vmem>>
      %gather3A_1323 = tpu.vector_load_idx %gather3A_1322[%iota3A, %broadcast_in_dim3A_1312] : memref<16x128xf32, #tpu.memory_space<vmem>>[vector<16xi32>, vector<16xi32>], vector<16xf32>,
      tpu.vector_store_idx %arg8[%iota3A, %broadcast_in_dim3A_1317], %gather3A_1323 : memref<16x512xf32, #tpu.memory_space<vmem>>[vector<16xi32>, vector<16xi32>], vector<16xf32>,
      %slice3A_1324 = vector.extract_strided_slice %and3A_1253 {offsets = [5], sizes = [1], strides = [1]} : vector<16xi32> to vector<1xi32>
      %squeeze3A_1325 = vector.extract %slice3A_1324[0] : i32 from vector<1xi32>
      %broadcast_in_dim3A_1326 = vector.broadcast %squeeze3A_1325 : i32 to vector<16xi32>
      %mul3A_1327 = arith.constant 16 : i32
      %mul3A_1328 = arith.muli %add3A_1006, %mul3A_1327 : i32
      %add3A_1329 = arith.constant 5 : i32
      %add3A_1330 = arith.addi %mul3A_1328, %add3A_1329 : i32
      %broadcast_in_dim3A_1331 = vector.broadcast %add3A_1330 : i32 to vector<16xi32>
      %gather3A_1332 = arith.constant 5 : i32
      %gather3A_1333 = arith.constant 0 : i32
      %gather3A_1334 = arith.constant 0 : i32
      %gather3A_1335 = tpu.memref_slice %arg7[%gather3A_1332, %gather3A_1333, %gather3A_1334] : memref<16x16x128xf32, #tpu.memory_space<vmem>> -> memref<1x16x128xf32, #tpu.memory_space<vmem>>
      %gather3A_1336 = tpu.memref_squeeze %gather3A_1335 : memref<1x16x128xf32, #tpu.memory_space<vmem>> -> memref<16x128xf32, #tpu.memory_space<vmem>>
      %gather3A_1337 = tpu.vector_load_idx %gather3A_1336[%iota3A, %broadcast_in_dim3A_1326] : memref<16x128xf32, #tpu.memory_space<vmem>>[vector<16xi32>, vector<16xi32>], vector<16xf32>,
      tpu.vector_store_idx %arg8[%iota3A, %broadcast_in_dim3A_1331], %gather3A_1337 : memref<16x512xf32, #tpu.memory_space<vmem>>[vector<16xi32>, vector<16xi32>], vector<16xf32>,
      %slice3A_1338 = vector.extract_strided_slice %and3A_1253 {offsets = [6], sizes = [1], strides = [1]} : vector<16xi32> to vector<1xi32>
      %squeeze3A_1339 = vector.extract %slice3A_1338[0] : i32 from vector<1xi32>
      %broadcast_in_dim3A_1340 = vector.broadcast %squeeze3A_1339 : i32 to vector<16xi32>
      %mul3A_1341 = arith.constant 16 : i32
      %mul3A_1342 = arith.muli %add3A_1006, %mul3A_1341 : i32
      %add3A_1343 = arith.constant 6 : i32
      %add3A_1344 = arith.addi %mul3A_1342, %add3A_1343 : i32
      %broadcast_in_dim3A_1345 = vector.broadcast %add3A_1344 : i32 to vector<16xi32>
      %gather3A_1346 = arith.constant 6 : i32
      %gather3A_1347 = arith.constant 0 : i32
      %gather3A_1348 = arith.constant 0 : i32
      %gather3A_1349 = tpu.memref_slice %arg7[%gather3A_1346, %gather3A_1347, %gather3A_1348] : memref<16x16x128xf32, #tpu.memory_space<vmem>> -> memref<1x16x128xf32, #tpu.memory_space<vmem>>
      %gather3A_1350 = tpu.memref_squeeze %gather3A_1349 : memref<1x16x128xf32, #tpu.memory_space<vmem>> -> memref<16x128xf32, #tpu.memory_space<vmem>>
      %gather3A_1351 = tpu.vector_load_idx %gather3A_1350[%iota3A, %broadcast_in_dim3A_1340] : memref<16x128xf32, #tpu.memory_space<vmem>>[vector<16xi32>, vector<16xi32>], vector<16xf32>,
      tpu.vector_store_idx %arg8[%iota3A, %broadcast_in_dim3A_1345], %gather3A_1351 : memref<16x512xf32, #tpu.memory_space<vmem>>[vector<16xi32>, vector<16xi32>], vector<16xf32>,
      %slice3A_1352 = vector.extract_strided_slice %and3A_1253 {offsets = [7], sizes = [1], strides = [1]} : vector<16xi32> to vector<1xi32>
      %squeeze3A_1353 = vector.extract %slice3A_1352[0] : i32 from vector<1xi32>
      %broadcast_in_dim3A_1354 = vector.broadcast %squeeze3A_1353 : i32 to vector<16xi32>
      %mul3A_1355 = arith.constant 16 : i32
      %mul3A_1356 = arith.muli %add3A_1006, %mul3A_1355 : i32
      %add3A_1357 = arith.constant 7 : i32
      %add3A_1358 = arith.addi %mul3A_1356, %add3A_1357 : i32
      %broadcast_in_dim3A_1359 = vector.broadcast %add3A_1358 : i32 to vector<16xi32>
      %gather3A_1360 = arith.constant 7 : i32
      %gather3A_1361 = arith.constant 0 : i32
      %gather3A_1362 = arith.constant 0 : i32
      %gather3A_1363 = tpu.memref_slice %arg7[%gather3A_1360, %gather3A_1361, %gather3A_1362] : memref<16x16x128xf32, #tpu.memory_space<vmem>> -> memref<1x16x128xf32, #tpu.memory_space<vmem>>
      %gather3A_1364 = tpu.memref_squeeze %gather3A_1363 : memref<1x16x128xf32, #tpu.memory_space<vmem>> -> memref<16x128xf32, #tpu.memory_space<vmem>>
      %gather3A_1365 = tpu.vector_load_idx %gather3A_1364[%iota3A, %broadcast_in_dim3A_1354] : memref<16x128xf32, #tpu.memory_space<vmem>>[vector<16xi32>, vector<16xi32>], vector<16xf32>,
      tpu.vector_store_idx %arg8[%iota3A, %broadcast_in_dim3A_1359], %gather3A_1365 : memref<16x512xf32, #tpu.memory_space<vmem>>[vector<16xi32>, vector<16xi32>], vector<16xf32>,
      %slice3A_1366 = vector.extract_strided_slice %and3A_1253 {offsets = [8], sizes = [1], strides = [1]} : vector<16xi32> to vector<1xi32>
      %squeeze3A_1367 = vector.extract %slice3A_1366[0] : i32 from vector<1xi32>
      %broadcast_in_dim3A_1368 = vector.broadcast %squeeze3A_1367 : i32 to vector<16xi32>
      %mul3A_1369 = arith.constant 16 : i32
      %mul3A_1370 = arith.muli %add3A_1006, %mul3A_1369 : i32
      %add3A_1371 = arith.constant 8 : i32
      %add3A_1372 = arith.addi %mul3A_1370, %add3A_1371 : i32
      %broadcast_in_dim3A_1373 = vector.broadcast %add3A_1372 : i32 to vector<16xi32>
      %gather3A_1374 = arith.constant 8 : i32
      %gather3A_1375 = arith.constant 0 : i32
      %gather3A_1376 = arith.constant 0 : i32
      %gather3A_1377 = tpu.memref_slice %arg7[%gather3A_1374, %gather3A_1375, %gather3A_1376] : memref<16x16x128xf32, #tpu.memory_space<vmem>> -> memref<1x16x128xf32, #tpu.memory_space<vmem>>
      %gather3A_1378 = tpu.memref_squeeze %gather3A_1377 : memref<1x16x128xf32, #tpu.memory_space<vmem>> -> memref<16x128xf32, #tpu.memory_space<vmem>>
      %gather3A_1379 = tpu.vector_load_idx %gather3A_1378[%iota3A, %broadcast_in_dim3A_1368] : memref<16x128xf32, #tpu.memory_space<vmem>>[vector<16xi32>, vector<16xi32>], vector<16xf32>,
      tpu.vector_store_idx %arg8[%iota3A, %broadcast_in_dim3A_1373], %gather3A_1379 : memref<16x512xf32, #tpu.memory_space<vmem>>[vector<16xi32>, vector<16xi32>], vector<16xf32>,
      %slice3A_1380 = vector.extract_strided_slice %and3A_1253 {offsets = [9], sizes = [1], strides = [1]} : vector<16xi32> to vector<1xi32>
      %squeeze3A_1381 = vector.extract %slice3A_1380[0] : i32 from vector<1xi32>
      %broadcast_in_dim3A_1382 = vector.broadcast %squeeze3A_1381 : i32 to vector<16xi32>
      %mul3A_1383 = arith.constant 16 : i32
      %mul3A_1384 = arith.muli %add3A_1006, %mul3A_1383 : i32
      %add3A_1385 = arith.constant 9 : i32
      %add3A_1386 = arith.addi %mul3A_1384, %add3A_1385 : i32
      %broadcast_in_dim3A_1387 = vector.broadcast %add3A_1386 : i32 to vector<16xi32>
      %gather3A_1388 = arith.constant 9 : i32
      %gather3A_1389 = arith.constant 0 : i32
      %gather3A_1390 = arith.constant 0 : i32
      %gather3A_1391 = tpu.memref_slice %arg7[%gather3A_1388, %gather3A_1389, %gather3A_1390] : memref<16x16x128xf32, #tpu.memory_space<vmem>> -> memref<1x16x128xf32, #tpu.memory_space<vmem>>
      %gather3A_1392 = tpu.memref_squeeze %gather3A_1391 : memref<1x16x128xf32, #tpu.memory_space<vmem>> -> memref<16x128xf32, #tpu.memory_space<vmem>>
      %gather3A_1393 = tpu.vector_load_idx %gather3A_1392[%iota3A, %broadcast_in_dim3A_1382] : memref<16x128xf32, #tpu.memory_space<vmem>>[vector<16xi32>, vector<16xi32>], vector<16xf32>,
      tpu.vector_store_idx %arg8[%iota3A, %broadcast_in_dim3A_1387], %gather3A_1393 : memref<16x512xf32, #tpu.memory_space<vmem>>[vector<16xi32>, vector<16xi32>], vector<16xf32>,
      %slice3A_1394 = vector.extract_strided_slice %and3A_1253 {offsets = [10], sizes = [1], strides = [1]} : vector<16xi32> to vector<1xi32>
      %squeeze3A_1395 = vector.extract %slice3A_1394[0] : i32 from vector<1xi32>
      %broadcast_in_dim3A_1396 = vector.broadcast %squeeze3A_1395 : i32 to vector<16xi32>
      %mul3A_1397 = arith.constant 16 : i32
      %mul3A_1398 = arith.muli %add3A_1006, %mul3A_1397 : i32
      %add3A_1399 = arith.constant 10 : i32
      %add3A_1400 = arith.addi %mul3A_1398, %add3A_1399 : i32
      %broadcast_in_dim3A_1401 = vector.broadcast %add3A_1400 : i32 to vector<16xi32>
      %gather3A_1402 = arith.constant 10 : i32
      %gather3A_1403 = arith.constant 0 : i32
      %gather3A_1404 = arith.constant 0 : i32
      %gather3A_1405 = tpu.memref_slice %arg7[%gather3A_1402, %gather3A_1403, %gather3A_1404] : memref<16x16x128xf32, #tpu.memory_space<vmem>> -> memref<1x16x128xf32, #tpu.memory_space<vmem>>
      %gather3A_1406 = tpu.memref_squeeze %gather3A_1405 : memref<1x16x128xf32, #tpu.memory_space<vmem>> -> memref<16x128xf32, #tpu.memory_space<vmem>>
      %gather3A_1407 = tpu.vector_load_idx %gather3A_1406[%iota3A, %broadcast_in_dim3A_1396] : memref<16x128xf32, #tpu.memory_space<vmem>>[vector<16xi32>, vector<16xi32>], vector<16xf32>,
      tpu.vector_store_idx %arg8[%iota3A, %broadcast_in_dim3A_1401], %gather3A_1407 : memref<16x512xf32, #tpu.memory_space<vmem>>[vector<16xi32>, vector<16xi32>], vector<16xf32>,
      %slice3A_1408 = vector.extract_strided_slice %and3A_1253 {offsets = [11], sizes = [1], strides = [1]} : vector<16xi32> to vector<1xi32>
      %squeeze3A_1409 = vector.extract %slice3A_1408[0] : i32 from vector<1xi32>
      %broadcast_in_dim3A_1410 = vector.broadcast %squeeze3A_1409 : i32 to vector<16xi32>
      %mul3A_1411 = arith.constant 16 : i32
      %mul3A_1412 = arith.muli %add3A_1006, %mul3A_1411 : i32
      %add3A_1413 = arith.constant 11 : i32
      %add3A_1414 = arith.addi %mul3A_1412, %add3A_1413 : i32
      %broadcast_in_dim3A_1415 = vector.broadcast %add3A_1414 : i32 to vector<16xi32>
      %gather3A_1416 = arith.constant 11 : i32
      %gather3A_1417 = arith.constant 0 : i32
      %gather3A_1418 = arith.constant 0 : i32
      %gather3A_1419 = tpu.memref_slice %arg7[%gather3A_1416, %gather3A_1417, %gather3A_1418] : memref<16x16x128xf32, #tpu.memory_space<vmem>> -> memref<1x16x128xf32, #tpu.memory_space<vmem>>
      %gather3A_1420 = tpu.memref_squeeze %gather3A_1419 : memref<1x16x128xf32, #tpu.memory_space<vmem>> -> memref<16x128xf32, #tpu.memory_space<vmem>>
      %gather3A_1421 = tpu.vector_load_idx %gather3A_1420[%iota3A, %broadcast_in_dim3A_1410] : memref<16x128xf32, #tpu.memory_space<vmem>>[vector<16xi32>, vector<16xi32>], vector<16xf32>,
      tpu.vector_store_idx %arg8[%iota3A, %broadcast_in_dim3A_1415], %gather3A_1421 : memref<16x512xf32, #tpu.memory_space<vmem>>[vector<16xi32>, vector<16xi32>], vector<16xf32>,
      %slice3A_1422 = vector.extract_strided_slice %and3A_1253 {offsets = [12], sizes = [1], strides = [1]} : vector<16xi32> to vector<1xi32>
      %squeeze3A_1423 = vector.extract %slice3A_1422[0] : i32 from vector<1xi32>
      %broadcast_in_dim3A_1424 = vector.broadcast %squeeze3A_1423 : i32 to vector<16xi32>
      %mul3A_1425 = arith.constant 16 : i32
      %mul3A_1426 = arith.muli %add3A_1006, %mul3A_1425 : i32
      %add3A_1427 = arith.constant 12 : i32
      %add3A_1428 = arith.addi %mul3A_1426, %add3A_1427 : i32
      %broadcast_in_dim3A_1429 = vector.broadcast %add3A_1428 : i32 to vector<16xi32>
      %gather3A_1430 = arith.constant 12 : i32
      %gather3A_1431 = arith.constant 0 : i32
      %gather3A_1432 = arith.constant 0 : i32
      %gather3A_1433 = tpu.memref_slice %arg7[%gather3A_1430, %gather3A_1431, %gather3A_1432] : memref<16x16x128xf32, #tpu.memory_space<vmem>> -> memref<1x16x128xf32, #tpu.memory_space<vmem>>
      %gather3A_1434 = tpu.memref_squeeze %gather3A_1433 : memref<1x16x128xf32, #tpu.memory_space<vmem>> -> memref<16x128xf32, #tpu.memory_space<vmem>>
      %gather3A_1435 = tpu.vector_load_idx %gather3A_1434[%iota3A, %broadcast_in_dim3A_1424] : memref<16x128xf32, #tpu.memory_space<vmem>>[vector<16xi32>, vector<16xi32>], vector<16xf32>,
      tpu.vector_store_idx %arg8[%iota3A, %broadcast_in_dim3A_1429], %gather3A_1435 : memref<16x512xf32, #tpu.memory_space<vmem>>[vector<16xi32>, vector<16xi32>], vector<16xf32>,
      %slice3A_1436 = vector.extract_strided_slice %and3A_1253 {offsets = [13], sizes = [1], strides = [1]} : vector<16xi32> to vector<1xi32>
      %squeeze3A_1437 = vector.extract %slice3A_1436[0] : i32 from vector<1xi32>
      %broadcast_in_dim3A_1438 = vector.broadcast %squeeze3A_1437 : i32 to vector<16xi32>
      %mul3A_1439 = arith.constant 16 : i32
      %mul3A_1440 = arith.muli %add3A_1006, %mul3A_1439 : i32
      %add3A_1441 = arith.constant 13 : i32
      %add3A_1442 = arith.addi %mul3A_1440, %add3A_1441 : i32
      %broadcast_in_dim3A_1443 = vector.broadcast %add3A_1442 : i32 to vector<16xi32>
      %gather3A_1444 = arith.constant 13 : i32
      %gather3A_1445 = arith.constant 0 : i32
      %gather3A_1446 = arith.constant 0 : i32
      %gather3A_1447 = tpu.memref_slice %arg7[%gather3A_1444, %gather3A_1445, %gather3A_1446] : memref<16x16x128xf32, #tpu.memory_space<vmem>> -> memref<1x16x128xf32, #tpu.memory_space<vmem>>
      %gather3A_1448 = tpu.memref_squeeze %gather3A_1447 : memref<1x16x128xf32, #tpu.memory_space<vmem>> -> memref<16x128xf32, #tpu.memory_space<vmem>>
      %gather3A_1449 = tpu.vector_load_idx %gather3A_1448[%iota3A, %broadcast_in_dim3A_1438] : memref<16x128xf32, #tpu.memory_space<vmem>>[vector<16xi32>, vector<16xi32>], vector<16xf32>,
      tpu.vector_store_idx %arg8[%iota3A, %broadcast_in_dim3A_1443], %gather3A_1449 : memref<16x512xf32, #tpu.memory_space<vmem>>[vector<16xi32>, vector<16xi32>], vector<16xf32>,
      %slice3A_1450 = vector.extract_strided_slice %and3A_1253 {offsets = [14], sizes = [1], strides = [1]} : vector<16xi32> to vector<1xi32>
      %squeeze3A_1451 = vector.extract %slice3A_1450[0] : i32 from vector<1xi32>
      %broadcast_in_dim3A_1452 = vector.broadcast %squeeze3A_1451 : i32 to vector<16xi32>
      %mul3A_1453 = arith.constant 16 : i32
      %mul3A_1454 = arith.muli %add3A_1006, %mul3A_1453 : i32
      %add3A_1455 = arith.constant 14 : i32
      %add3A_1456 = arith.addi %mul3A_1454, %add3A_1455 : i32
      %broadcast_in_dim3A_1457 = vector.broadcast %add3A_1456 : i32 to vector<16xi32>
      %gather3A_1458 = arith.constant 14 : i32
      %gather3A_1459 = arith.constant 0 : i32
      %gather3A_1460 = arith.constant 0 : i32
      %gather3A_1461 = tpu.memref_slice %arg7[%gather3A_1458, %gather3A_1459, %gather3A_1460] : memref<16x16x128xf32, #tpu.memory_space<vmem>> -> memref<1x16x128xf32, #tpu.memory_space<vmem>>
      %gather3A_1462 = tpu.memref_squeeze %gather3A_1461 : memref<1x16x128xf32, #tpu.memory_space<vmem>> -> memref<16x128xf32, #tpu.memory_space<vmem>>
      %gather3A_1463 = tpu.vector_load_idx %gather3A_1462[%iota3A, %broadcast_in_dim3A_1452] : memref<16x128xf32, #tpu.memory_space<vmem>>[vector<16xi32>, vector<16xi32>], vector<16xf32>,
      tpu.vector_store_idx %arg8[%iota3A, %broadcast_in_dim3A_1457], %gather3A_1463 : memref<16x512xf32, #tpu.memory_space<vmem>>[vector<16xi32>, vector<16xi32>], vector<16xf32>,
      %slice3A_1464 = vector.extract_strided_slice %and3A_1253 {offsets = [15], sizes = [1], strides = [1]} : vector<16xi32> to vector<1xi32>
      %squeeze3A_1465 = vector.extract %slice3A_1464[0] : i32 from vector<1xi32>
      %broadcast_in_dim3A_1466 = vector.broadcast %squeeze3A_1465 : i32 to vector<16xi32>
      %mul3A_1467 = arith.constant 16 : i32
      %mul3A_1468 = arith.muli %add3A_1006, %mul3A_1467 : i32
      %add3A_1469 = arith.constant 15 : i32
      %add3A_1470 = arith.addi %mul3A_1468, %add3A_1469 : i32
      %broadcast_in_dim3A_1471 = vector.broadcast %add3A_1470 : i32 to vector<16xi32>
      %gather3A_1472 = arith.constant 15 : i32
      %gather3A_1473 = arith.constant 0 : i32
      %gather3A_1474 = arith.constant 0 : i32
      %gather3A_1475 = tpu.memref_slice %arg7[%gather3A_1472, %gather3A_1473, %gather3A_1474] : memref<16x16x128xf32, #tpu.memory_space<vmem>> -> memref<1x16x128xf32, #tpu.memory_space<vmem>>
      %gather3A_1476 = tpu.memref_squeeze %gather3A_1475 : memref<1x16x128xf32, #tpu.memory_space<vmem>> -> memref<16x128xf32, #tpu.memory_space<vmem>>
      %gather3A_1477 = tpu.vector_load_idx %gather3A_1476[%iota3A, %broadcast_in_dim3A_1466] : memref<16x128xf32, #tpu.memory_space<vmem>>[vector<16xi32>, vector<16xi32>], vector<16xf32>,
      tpu.vector_store_idx %arg8[%iota3A, %broadcast_in_dim3A_1471], %gather3A_1477 : memref<16x512xf32, #tpu.memory_space<vmem>>[vector<16xi32>, vector<16xi32>], vector<16xf32>,
      %add3A_1478 = arith.constant 3 : i32
      %add3A_1479 = arith.addi %mul3A_532, %add3A_1478 : i32
      %lt3A_1480 = arith.constant 32 : i32
      %lt3A_1481 = arith.cmpi slt, %add3A_1479, %lt3A_1480 : i32
      %convert_element_type3A_1482 = arith.extui %lt3A_1481 : i1 to i32
      %cond3A_1483 = arith.constant 0 : i32
      %cond3A_1484 = arith.cmpi ne, %convert_element_type3A_1482, %cond3A_1483 : i32
      scf.if %cond3A_1484 {
        %add3A_1485 = arith.constant 3 : i32
        %add3A_1486 = arith.addi %mul3A_532, %add3A_1485 : i32
        %mul3A_1487 = arith.constant 16 : i32
        %mul3A_1488 = arith.muli %add3A_1486, %mul3A_1487 : i32
        %get3A_1489 = arith.index_cast %mul3A_1488 : i32 to index
        %get3A_1490 = tpu.vector_load %arg5[%get3A_1489] {strides = array<i32>} : memref<512xi32, #tpu.memory_space<vmem>>, vector<16xi32>,
        %not3A_1491 = arith.constant 127 : i32
        %not3A_1492 = arith.constant -1 : i32
        %not3A_1493 = arith.xori %not3A_1491, %not3A_1492 : i32
        %and3A_1494 = vector.broadcast %not3A_1493 : i32 to vector<16xi32>
        %and3A_1495 = arith.andi %get3A_1490, %and3A_1494 : vector<16xi32>
        %slice3A_1496 = vector.extract_strided_slice %and3A_1495 {offsets = [0], sizes = [1], strides = [1]} : vector<16xi32> to vector<1xi32>
        %squeeze3A_1497 = vector.extract %slice3A_1496[0] : i32 from vector<1xi32>
        %multiple_of3A_1498 = tpu.assume_multiple %squeeze3A_1497, 128 : i32
        %dma_start3A_1499 = arith.constant 0 : i32
        %dma_start3A_1500 = arith.constant 0 : i32
        %dma_start3A_1501 = arith.constant 0 : i32
        %dma_start3A_1502 = tpu.memref_slice %arg7[%dma_start3A_1499, %dma_start3A_1500, %dma_start3A_1501] : memref<16x16x128xf32, #tpu.memory_space<vmem>> -> memref<1x16x128xf32, #tpu.memory_space<vmem>>
        %dma_start3A_1503 = tpu.memref_squeeze %dma_start3A_1502 : memref<1x16x128xf32, #tpu.memory_space<vmem>> -> memref<16x128xf32, #tpu.memory_space<vmem>>
        %dma_start3A_1504 = arith.constant 0 : i32
        %dma_start3A_1505 = tpu.memref_slice %arg2[%dma_start3A_1504, %multiple_of3A_1498] : memref<16x1000000xf32, #tpu.memory_space<hbm>> -> memref<16x128xf32, #tpu.memory_space<hbm>>
        %dma_start3A_1506 = arith.constant 0 : i32
        %dma_start3A_1507 = arith.constant 0 : i32
        %dma_start3A_1508 = tpu.memref_slice %arg7[%dma_start3A_1499, %dma_start3A_1506, %dma_start3A_1507] : memref<16x16x128xf32, #tpu.memory_space<vmem>> -> memref<1x16x128xf32, #tpu.memory_space<vmem>>
        %dma_start3A_1509 = tpu.memref_squeeze %dma_start3A_1508 : memref<1x16x128xf32, #tpu.memory_space<vmem>> -> memref<16x128xf32, #tpu.memory_space<vmem>>
        %dma_start3A_1510 = arith.constant 0 : i32
        %dma_start3A_1511 = tpu.memref_slice %arg2[%dma_start3A_1510, %multiple_of3A_1498] : memref<16x1000000xf32, #tpu.memory_space<hbm>> -> memref<16x128xf32, #tpu.memory_space<hbm>>
        tpu.enqueue_dma source(%dma_start3A_1511 : memref<16x128xf32, #tpu.memory_space<hbm>>) target(%dma_start3A_1509 : memref<16x128xf32, #tpu.memory_space<vmem>>) target_semaphore(%arg10 : memref<!tpu.dma_semaphore, #tpu.memory_space<semaphore_mem>>)
        %slice3A_1512 = vector.extract_strided_slice %and3A_1495 {offsets = [1], sizes = [1], strides = [1]} : vector<16xi32> to vector<1xi32>
        %squeeze3A_1513 = vector.extract %slice3A_1512[0] : i32 from vector<1xi32>
        %multiple_of3A_1514 = tpu.assume_multiple %squeeze3A_1513, 128 : i32
        %dma_start3A_1515 = arith.constant 1 : i32
        %dma_start3A_1516 = arith.constant 0 : i32
        %dma_start3A_1517 = arith.constant 0 : i32
        %dma_start3A_1518 = tpu.memref_slice %arg7[%dma_start3A_1515, %dma_start3A_1516, %dma_start3A_1517] : memref<16x16x128xf32, #tpu.memory_space<vmem>> -> memref<1x16x128xf32, #tpu.memory_space<vmem>>
        %dma_start3A_1519 = tpu.memref_squeeze %dma_start3A_1518 : memref<1x16x128xf32, #tpu.memory_space<vmem>> -> memref<16x128xf32, #tpu.memory_space<vmem>>
        %dma_start3A_1520 = arith.constant 0 : i32
        %dma_start3A_1521 = tpu.memref_slice %arg2[%dma_start3A_1520, %multiple_of3A_1514] : memref<16x1000000xf32, #tpu.memory_space<hbm>> -> memref<16x128xf32, #tpu.memory_space<hbm>>
        %dma_start3A_1522 = arith.constant 0 : i32
        %dma_start3A_1523 = arith.constant 0 : i32
        %dma_start3A_1524 = tpu.memref_slice %arg7[%dma_start3A_1515, %dma_start3A_1522, %dma_start3A_1523] : memref<16x16x128xf32, #tpu.memory_space<vmem>> -> memref<1x16x128xf32, #tpu.memory_space<vmem>>
        %dma_start3A_1525 = tpu.memref_squeeze %dma_start3A_1524 : memref<1x16x128xf32, #tpu.memory_space<vmem>> -> memref<16x128xf32, #tpu.memory_space<vmem>>
        %dma_start3A_1526 = arith.constant 0 : i32
        %dma_start3A_1527 = tpu.memref_slice %arg2[%dma_start3A_1526, %multiple_of3A_1514] : memref<16x1000000xf32, #tpu.memory_space<hbm>> -> memref<16x128xf32, #tpu.memory_space<hbm>>
        tpu.enqueue_dma source(%dma_start3A_1527 : memref<16x128xf32, #tpu.memory_space<hbm>>) target(%dma_start3A_1525 : memref<16x128xf32, #tpu.memory_space<vmem>>) target_semaphore(%arg10 : memref<!tpu.dma_semaphore, #tpu.memory_space<semaphore_mem>>)
        %slice3A_1528 = vector.extract_strided_slice %and3A_1495 {offsets = [2], sizes = [1], strides = [1]} : vector<16xi32> to vector<1xi32>
        %squeeze3A_1529 = vector.extract %slice3A_1528[0] : i32 from vector<1xi32>
        %multiple_of3A_1530 = tpu.assume_multiple %squeeze3A_1529, 128 : i32
        %dma_start3A_1531 = arith.constant 2 : i32
        %dma_start3A_1532 = arith.constant 0 : i32
        %dma_start3A_1533 = arith.constant 0 : i32
        %dma_start3A_1534 = tpu.memref_slice %arg7[%dma_start3A_1531, %dma_start3A_1532, %dma_start3A_1533] : memref<16x16x128xf32, #tpu.memory_space<vmem>> -> memref<1x16x128xf32, #tpu.memory_space<vmem>>
        %dma_start3A_1535 = tpu.memref_squeeze %dma_start3A_1534 : memref<1x16x128xf32, #tpu.memory_space<vmem>> -> memref<16x128xf32, #tpu.memory_space<vmem>>
        %dma_start3A_1536 = arith.constant 0 : i32
        %dma_start3A_1537 = tpu.memref_slice %arg2[%dma_start3A_1536, %multiple_of3A_1530] : memref<16x1000000xf32, #tpu.memory_space<hbm>> -> memref<16x128xf32, #tpu.memory_space<hbm>>
        %dma_start3A_1538 = arith.constant 0 : i32
        %dma_start3A_1539 = arith.constant 0 : i32
        %dma_start3A_1540 = tpu.memref_slice %arg7[%dma_start3A_1531, %dma_start3A_1538, %dma_start3A_1539] : memref<16x16x128xf32, #tpu.memory_space<vmem>> -> memref<1x16x128xf32, #tpu.memory_space<vmem>>
        %dma_start3A_1541 = tpu.memref_squeeze %dma_start3A_1540 : memref<1x16x128xf32, #tpu.memory_space<vmem>> -> memref<16x128xf32, #tpu.memory_space<vmem>>
        %dma_start3A_1542 = arith.constant 0 : i32
        %dma_start3A_1543 = tpu.memref_slice %arg2[%dma_start3A_1542, %multiple_of3A_1530] : memref<16x1000000xf32, #tpu.memory_space<hbm>> -> memref<16x128xf32, #tpu.memory_space<hbm>>
        tpu.enqueue_dma source(%dma_start3A_1543 : memref<16x128xf32, #tpu.memory_space<hbm>>) target(%dma_start3A_1541 : memref<16x128xf32, #tpu.memory_space<vmem>>) target_semaphore(%arg10 : memref<!tpu.dma_semaphore, #tpu.memory_space<semaphore_mem>>)
        %slice3A_1544 = vector.extract_strided_slice %and3A_1495 {offsets = [3], sizes = [1], strides = [1]} : vector<16xi32> to vector<1xi32>
        %squeeze3A_1545 = vector.extract %slice3A_1544[0] : i32 from vector<1xi32>
        %multiple_of3A_1546 = tpu.assume_multiple %squeeze3A_1545, 128 : i32
        %dma_start3A_1547 = arith.constant 3 : i32
        %dma_start3A_1548 = arith.constant 0 : i32
        %dma_start3A_1549 = arith.constant 0 : i32
        %dma_start3A_1550 = tpu.memref_slice %arg7[%dma_start3A_1547, %dma_start3A_1548, %dma_start3A_1549] : memref<16x16x128xf32, #tpu.memory_space<vmem>> -> memref<1x16x128xf32, #tpu.memory_space<vmem>>
        %dma_start3A_1551 = tpu.memref_squeeze %dma_start3A_1550 : memref<1x16x128xf32, #tpu.memory_space<vmem>> -> memref<16x128xf32, #tpu.memory_space<vmem>>
        %dma_start3A_1552 = arith.constant 0 : i32
        %dma_start3A_1553 = tpu.memref_slice %arg2[%dma_start3A_1552, %multiple_of3A_1546] : memref<16x1000000xf32, #tpu.memory_space<hbm>> -> memref<16x128xf32, #tpu.memory_space<hbm>>
        %dma_start3A_1554 = arith.constant 0 : i32
        %dma_start3A_1555 = arith.constant 0 : i32
        %dma_start3A_1556 = tpu.memref_slice %arg7[%dma_start3A_1547, %dma_start3A_1554, %dma_start3A_1555] : memref<16x16x128xf32, #tpu.memory_space<vmem>> -> memref<1x16x128xf32, #tpu.memory_space<vmem>>
        %dma_start3A_1557 = tpu.memref_squeeze %dma_start3A_1556 : memref<1x16x128xf32, #tpu.memory_space<vmem>> -> memref<16x128xf32, #tpu.memory_space<vmem>>
        %dma_start3A_1558 = arith.constant 0 : i32
        %dma_start3A_1559 = tpu.memref_slice %arg2[%dma_start3A_1558, %multiple_of3A_1546] : memref<16x1000000xf32, #tpu.memory_space<hbm>> -> memref<16x128xf32, #tpu.memory_space<hbm>>
        tpu.enqueue_dma source(%dma_start3A_1559 : memref<16x128xf32, #tpu.memory_space<hbm>>) target(%dma_start3A_1557 : memref<16x128xf32, #tpu.memory_space<vmem>>) target_semaphore(%arg10 : memref<!tpu.dma_semaphore, #tpu.memory_space<semaphore_mem>>)
        %slice3A_1560 = vector.extract_strided_slice %and3A_1495 {offsets = [4], sizes = [1], strides = [1]} : vector<16xi32> to vector<1xi32>
        %squeeze3A_1561 = vector.extract %slice3A_1560[0] : i32 from vector<1xi32>
        %multiple_of3A_1562 = tpu.assume_multiple %squeeze3A_1561, 128 : i32
        %dma_start3A_1563 = arith.constant 4 : i32
        %dma_start3A_1564 = arith.constant 0 : i32
        %dma_start3A_1565 = arith.constant 0 : i32
        %dma_start3A_1566 = tpu.memref_slice %arg7[%dma_start3A_1563, %dma_start3A_1564, %dma_start3A_1565] : memref<16x16x128xf32, #tpu.memory_space<vmem>> -> memref<1x16x128xf32, #tpu.memory_space<vmem>>
        %dma_start3A_1567 = tpu.memref_squeeze %dma_start3A_1566 : memref<1x16x128xf32, #tpu.memory_space<vmem>> -> memref<16x128xf32, #tpu.memory_space<vmem>>
        %dma_start3A_1568 = arith.constant 0 : i32
        %dma_start3A_1569 = tpu.memref_slice %arg2[%dma_start3A_1568, %multiple_of3A_1562] : memref<16x1000000xf32, #tpu.memory_space<hbm>> -> memref<16x128xf32, #tpu.memory_space<hbm>>
        %dma_start3A_1570 = arith.constant 0 : i32
        %dma_start3A_1571 = arith.constant 0 : i32
        %dma_start3A_1572 = tpu.memref_slice %arg7[%dma_start3A_1563, %dma_start3A_1570, %dma_start3A_1571] : memref<16x16x128xf32, #tpu.memory_space<vmem>> -> memref<1x16x128xf32, #tpu.memory_space<vmem>>
        %dma_start3A_1573 = tpu.memref_squeeze %dma_start3A_1572 : memref<1x16x128xf32, #tpu.memory_space<vmem>> -> memref<16x128xf32, #tpu.memory_space<vmem>>
        %dma_start3A_1574 = arith.constant 0 : i32
        %dma_start3A_1575 = tpu.memref_slice %arg2[%dma_start3A_1574, %multiple_of3A_1562] : memref<16x1000000xf32, #tpu.memory_space<hbm>> -> memref<16x128xf32, #tpu.memory_space<hbm>>
        tpu.enqueue_dma source(%dma_start3A_1575 : memref<16x128xf32, #tpu.memory_space<hbm>>) target(%dma_start3A_1573 : memref<16x128xf32, #tpu.memory_space<vmem>>) target_semaphore(%arg10 : memref<!tpu.dma_semaphore, #tpu.memory_space<semaphore_mem>>)
        %slice3A_1576 = vector.extract_strided_slice %and3A_1495 {offsets = [5], sizes = [1], strides = [1]} : vector<16xi32> to vector<1xi32>
        %squeeze3A_1577 = vector.extract %slice3A_1576[0] : i32 from vector<1xi32>
        %multiple_of3A_1578 = tpu.assume_multiple %squeeze3A_1577, 128 : i32
        %dma_start3A_1579 = arith.constant 5 : i32
        %dma_start3A_1580 = arith.constant 0 : i32
        %dma_start3A_1581 = arith.constant 0 : i32
        %dma_start3A_1582 = tpu.memref_slice %arg7[%dma_start3A_1579, %dma_start3A_1580, %dma_start3A_1581] : memref<16x16x128xf32, #tpu.memory_space<vmem>> -> memref<1x16x128xf32, #tpu.memory_space<vmem>>
        %dma_start3A_1583 = tpu.memref_squeeze %dma_start3A_1582 : memref<1x16x128xf32, #tpu.memory_space<vmem>> -> memref<16x128xf32, #tpu.memory_space<vmem>>
        %dma_start3A_1584 = arith.constant 0 : i32
        %dma_start3A_1585 = tpu.memref_slice %arg2[%dma_start3A_1584, %multiple_of3A_1578] : memref<16x1000000xf32, #tpu.memory_space<hbm>> -> memref<16x128xf32, #tpu.memory_space<hbm>>
        %dma_start3A_1586 = arith.constant 0 : i32
        %dma_start3A_1587 = arith.constant 0 : i32
        %dma_start3A_1588 = tpu.memref_slice %arg7[%dma_start3A_1579, %dma_start3A_1586, %dma_start3A_1587] : memref<16x16x128xf32, #tpu.memory_space<vmem>> -> memref<1x16x128xf32, #tpu.memory_space<vmem>>
        %dma_start3A_1589 = tpu.memref_squeeze %dma_start3A_1588 : memref<1x16x128xf32, #tpu.memory_space<vmem>> -> memref<16x128xf32, #tpu.memory_space<vmem>>
        %dma_start3A_1590 = arith.constant 0 : i32
        %dma_start3A_1591 = tpu.memref_slice %arg2[%dma_start3A_1590, %multiple_of3A_1578] : memref<16x1000000xf32, #tpu.memory_space<hbm>> -> memref<16x128xf32, #tpu.memory_space<hbm>>
        tpu.enqueue_dma source(%dma_start3A_1591 : memref<16x128xf32, #tpu.memory_space<hbm>>) target(%dma_start3A_1589 : memref<16x128xf32, #tpu.memory_space<vmem>>) target_semaphore(%arg10 : memref<!tpu.dma_semaphore, #tpu.memory_space<semaphore_mem>>)
        %slice3A_1592 = vector.extract_strided_slice %and3A_1495 {offsets = [6], sizes = [1], strides = [1]} : vector<16xi32> to vector<1xi32>
        %squeeze3A_1593 = vector.extract %slice3A_1592[0] : i32 from vector<1xi32>
        %multiple_of3A_1594 = tpu.assume_multiple %squeeze3A_1593, 128 : i32
        %dma_start3A_1595 = arith.constant 6 : i32
        %dma_start3A_1596 = arith.constant 0 : i32
        %dma_start3A_1597 = arith.constant 0 : i32
        %dma_start3A_1598 = tpu.memref_slice %arg7[%dma_start3A_1595, %dma_start3A_1596, %dma_start3A_1597] : memref<16x16x128xf32, #tpu.memory_space<vmem>> -> memref<1x16x128xf32, #tpu.memory_space<vmem>>
        %dma_start3A_1599 = tpu.memref_squeeze %dma_start3A_1598 : memref<1x16x128xf32, #tpu.memory_space<vmem>> -> memref<16x128xf32, #tpu.memory_space<vmem>>
        %dma_start3A_1600 = arith.constant 0 : i32
        %dma_start3A_1601 = tpu.memref_slice %arg2[%dma_start3A_1600, %multiple_of3A_1594] : memref<16x1000000xf32, #tpu.memory_space<hbm>> -> memref<16x128xf32, #tpu.memory_space<hbm>>
        %dma_start3A_1602 = arith.constant 0 : i32
        %dma_start3A_1603 = arith.constant 0 : i32
        %dma_start3A_1604 = tpu.memref_slice %arg7[%dma_start3A_1595, %dma_start3A_1602, %dma_start3A_1603] : memref<16x16x128xf32, #tpu.memory_space<vmem>> -> memref<1x16x128xf32, #tpu.memory_space<vmem>>
        %dma_start3A_1605 = tpu.memref_squeeze %dma_start3A_1604 : memref<1x16x128xf32, #tpu.memory_space<vmem>> -> memref<16x128xf32, #tpu.memory_space<vmem>>
        %dma_start3A_1606 = arith.constant 0 : i32
        %dma_start3A_1607 = tpu.memref_slice %arg2[%dma_start3A_1606, %multiple_of3A_1594] : memref<16x1000000xf32, #tpu.memory_space<hbm>> -> memref<16x128xf32, #tpu.memory_space<hbm>>
        tpu.enqueue_dma source(%dma_start3A_1607 : memref<16x128xf32, #tpu.memory_space<hbm>>) target(%dma_start3A_1605 : memref<16x128xf32, #tpu.memory_space<vmem>>) target_semaphore(%arg10 : memref<!tpu.dma_semaphore, #tpu.memory_space<semaphore_mem>>)
        %slice3A_1608 = vector.extract_strided_slice %and3A_1495 {offsets = [7], sizes = [1], strides = [1]} : vector<16xi32> to vector<1xi32>
        %squeeze3A_1609 = vector.extract %slice3A_1608[0] : i32 from vector<1xi32>
        %multiple_of3A_1610 = tpu.assume_multiple %squeeze3A_1609, 128 : i32
        %dma_start3A_1611 = arith.constant 7 : i32
        %dma_start3A_1612 = arith.constant 0 : i32
        %dma_start3A_1613 = arith.constant 0 : i32
        %dma_start3A_1614 = tpu.memref_slice %arg7[%dma_start3A_1611, %dma_start3A_1612, %dma_start3A_1613] : memref<16x16x128xf32, #tpu.memory_space<vmem>> -> memref<1x16x128xf32, #tpu.memory_space<vmem>>
        %dma_start3A_1615 = tpu.memref_squeeze %dma_start3A_1614 : memref<1x16x128xf32, #tpu.memory_space<vmem>> -> memref<16x128xf32, #tpu.memory_space<vmem>>
        %dma_start3A_1616 = arith.constant 0 : i32
        %dma_start3A_1617 = tpu.memref_slice %arg2[%dma_start3A_1616, %multiple_of3A_1610] : memref<16x1000000xf32, #tpu.memory_space<hbm>> -> memref<16x128xf32, #tpu.memory_space<hbm>>
        %dma_start3A_1618 = arith.constant 0 : i32
        %dma_start3A_1619 = arith.constant 0 : i32
        %dma_start3A_1620 = tpu.memref_slice %arg7[%dma_start3A_1611, %dma_start3A_1618, %dma_start3A_1619] : memref<16x16x128xf32, #tpu.memory_space<vmem>> -> memref<1x16x128xf32, #tpu.memory_space<vmem>>
        %dma_start3A_1621 = tpu.memref_squeeze %dma_start3A_1620 : memref<1x16x128xf32, #tpu.memory_space<vmem>> -> memref<16x128xf32, #tpu.memory_space<vmem>>
        %dma_start3A_1622 = arith.constant 0 : i32
        %dma_start3A_1623 = tpu.memref_slice %arg2[%dma_start3A_1622, %multiple_of3A_1610] : memref<16x1000000xf32, #tpu.memory_space<hbm>> -> memref<16x128xf32, #tpu.memory_space<hbm>>
        tpu.enqueue_dma source(%dma_start3A_1623 : memref<16x128xf32, #tpu.memory_space<hbm>>) target(%dma_start3A_1621 : memref<16x128xf32, #tpu.memory_space<vmem>>) target_semaphore(%arg10 : memref<!tpu.dma_semaphore, #tpu.memory_space<semaphore_mem>>)
        %slice3A_1624 = vector.extract_strided_slice %and3A_1495 {offsets = [8], sizes = [1], strides = [1]} : vector<16xi32> to vector<1xi32>
        %squeeze3A_1625 = vector.extract %slice3A_1624[0] : i32 from vector<1xi32>
        %multiple_of3A_1626 = tpu.assume_multiple %squeeze3A_1625, 128 : i32
        %dma_start3A_1627 = arith.constant 8 : i32
        %dma_start3A_1628 = arith.constant 0 : i32
        %dma_start3A_1629 = arith.constant 0 : i32
        %dma_start3A_1630 = tpu.memref_slice %arg7[%dma_start3A_1627, %dma_start3A_1628, %dma_start3A_1629] : memref<16x16x128xf32, #tpu.memory_space<vmem>> -> memref<1x16x128xf32, #tpu.memory_space<vmem>>
        %dma_start3A_1631 = tpu.memref_squeeze %dma_start3A_1630 : memref<1x16x128xf32, #tpu.memory_space<vmem>> -> memref<16x128xf32, #tpu.memory_space<vmem>>
        %dma_start3A_1632 = arith.constant 0 : i32
        %dma_start3A_1633 = tpu.memref_slice %arg2[%dma_start3A_1632, %multiple_of3A_1626] : memref<16x1000000xf32, #tpu.memory_space<hbm>> -> memref<16x128xf32, #tpu.memory_space<hbm>>
        %dma_start3A_1634 = arith.constant 0 : i32
        %dma_start3A_1635 = arith.constant 0 : i32
        %dma_start3A_1636 = tpu.memref_slice %arg7[%dma_start3A_1627, %dma_start3A_1634, %dma_start3A_1635] : memref<16x16x128xf32, #tpu.memory_space<vmem>> -> memref<1x16x128xf32, #tpu.memory_space<vmem>>
        %dma_start3A_1637 = tpu.memref_squeeze %dma_start3A_1636 : memref<1x16x128xf32, #tpu.memory_space<vmem>> -> memref<16x128xf32, #tpu.memory_space<vmem>>
        %dma_start3A_1638 = arith.constant 0 : i32
        %dma_start3A_1639 = tpu.memref_slice %arg2[%dma_start3A_1638, %multiple_of3A_1626] : memref<16x1000000xf32, #tpu.memory_space<hbm>> -> memref<16x128xf32, #tpu.memory_space<hbm>>
        tpu.enqueue_dma source(%dma_start3A_1639 : memref<16x128xf32, #tpu.memory_space<hbm>>) target(%dma_start3A_1637 : memref<16x128xf32, #tpu.memory_space<vmem>>) target_semaphore(%arg10 : memref<!tpu.dma_semaphore, #tpu.memory_space<semaphore_mem>>)
        %slice3A_1640 = vector.extract_strided_slice %and3A_1495 {offsets = [9], sizes = [1], strides = [1]} : vector<16xi32> to vector<1xi32>
        %squeeze3A_1641 = vector.extract %slice3A_1640[0] : i32 from vector<1xi32>
        %multiple_of3A_1642 = tpu.assume_multiple %squeeze3A_1641, 128 : i32
        %dma_start3A_1643 = arith.constant 9 : i32
        %dma_start3A_1644 = arith.constant 0 : i32
        %dma_start3A_1645 = arith.constant 0 : i32
        %dma_start3A_1646 = tpu.memref_slice %arg7[%dma_start3A_1643, %dma_start3A_1644, %dma_start3A_1645] : memref<16x16x128xf32, #tpu.memory_space<vmem>> -> memref<1x16x128xf32, #tpu.memory_space<vmem>>
        %dma_start3A_1647 = tpu.memref_squeeze %dma_start3A_1646 : memref<1x16x128xf32, #tpu.memory_space<vmem>> -> memref<16x128xf32, #tpu.memory_space<vmem>>
        %dma_start3A_1648 = arith.constant 0 : i32
        %dma_start3A_1649 = tpu.memref_slice %arg2[%dma_start3A_1648, %multiple_of3A_1642] : memref<16x1000000xf32, #tpu.memory_space<hbm>> -> memref<16x128xf32, #tpu.memory_space<hbm>>
        %dma_start3A_1650 = arith.constant 0 : i32
        %dma_start3A_1651 = arith.constant 0 : i32
        %dma_start3A_1652 = tpu.memref_slice %arg7[%dma_start3A_1643, %dma_start3A_1650, %dma_start3A_1651] : memref<16x16x128xf32, #tpu.memory_space<vmem>> -> memref<1x16x128xf32, #tpu.memory_space<vmem>>
        %dma_start3A_1653 = tpu.memref_squeeze %dma_start3A_1652 : memref<1x16x128xf32, #tpu.memory_space<vmem>> -> memref<16x128xf32, #tpu.memory_space<vmem>>
        %dma_start3A_1654 = arith.constant 0 : i32
        %dma_start3A_1655 = tpu.memref_slice %arg2[%dma_start3A_1654, %multiple_of3A_1642] : memref<16x1000000xf32, #tpu.memory_space<hbm>> -> memref<16x128xf32, #tpu.memory_space<hbm>>
        tpu.enqueue_dma source(%dma_start3A_1655 : memref<16x128xf32, #tpu.memory_space<hbm>>) target(%dma_start3A_1653 : memref<16x128xf32, #tpu.memory_space<vmem>>) target_semaphore(%arg10 : memref<!tpu.dma_semaphore, #tpu.memory_space<semaphore_mem>>)
        %slice3A_1656 = vector.extract_strided_slice %and3A_1495 {offsets = [10], sizes = [1], strides = [1]} : vector<16xi32> to vector<1xi32>
        %squeeze3A_1657 = vector.extract %slice3A_1656[0] : i32 from vector<1xi32>
        %multiple_of3A_1658 = tpu.assume_multiple %squeeze3A_1657, 128 : i32
        %dma_start3A_1659 = arith.constant 10 : i32
        %dma_start3A_1660 = arith.constant 0 : i32
        %dma_start3A_1661 = arith.constant 0 : i32
        %dma_start3A_1662 = tpu.memref_slice %arg7[%dma_start3A_1659, %dma_start3A_1660, %dma_start3A_1661] : memref<16x16x128xf32, #tpu.memory_space<vmem>> -> memref<1x16x128xf32, #tpu.memory_space<vmem>>
        %dma_start3A_1663 = tpu.memref_squeeze %dma_start3A_1662 : memref<1x16x128xf32, #tpu.memory_space<vmem>> -> memref<16x128xf32, #tpu.memory_space<vmem>>
        %dma_start3A_1664 = arith.constant 0 : i32
        %dma_start3A_1665 = tpu.memref_slice %arg2[%dma_start3A_1664, %multiple_of3A_1658] : memref<16x1000000xf32, #tpu.memory_space<hbm>> -> memref<16x128xf32, #tpu.memory_space<hbm>>
        %dma_start3A_1666 = arith.constant 0 : i32
        %dma_start3A_1667 = arith.constant 0 : i32
        %dma_start3A_1668 = tpu.memref_slice %arg7[%dma_start3A_1659, %dma_start3A_1666, %dma_start3A_1667] : memref<16x16x128xf32, #tpu.memory_space<vmem>> -> memref<1x16x128xf32, #tpu.memory_space<vmem>>
        %dma_start3A_1669 = tpu.memref_squeeze %dma_start3A_1668 : memref<1x16x128xf32, #tpu.memory_space<vmem>> -> memref<16x128xf32, #tpu.memory_space<vmem>>
        %dma_start3A_1670 = arith.constant 0 : i32
        %dma_start3A_1671 = tpu.memref_slice %arg2[%dma_start3A_1670, %multiple_of3A_1658] : memref<16x1000000xf32, #tpu.memory_space<hbm>> -> memref<16x128xf32, #tpu.memory_space<hbm>>
        tpu.enqueue_dma source(%dma_start3A_1671 : memref<16x128xf32, #tpu.memory_space<hbm>>) target(%dma_start3A_1669 : memref<16x128xf32, #tpu.memory_space<vmem>>) target_semaphore(%arg10 : memref<!tpu.dma_semaphore, #tpu.memory_space<semaphore_mem>>)
        %slice3A_1672 = vector.extract_strided_slice %and3A_1495 {offsets = [11], sizes = [1], strides = [1]} : vector<16xi32> to vector<1xi32>
        %squeeze3A_1673 = vector.extract %slice3A_1672[0] : i32 from vector<1xi32>
        %multiple_of3A_1674 = tpu.assume_multiple %squeeze3A_1673, 128 : i32
        %dma_start3A_1675 = arith.constant 11 : i32
        %dma_start3A_1676 = arith.constant 0 : i32
        %dma_start3A_1677 = arith.constant 0 : i32
        %dma_start3A_1678 = tpu.memref_slice %arg7[%dma_start3A_1675, %dma_start3A_1676, %dma_start3A_1677] : memref<16x16x128xf32, #tpu.memory_space<vmem>> -> memref<1x16x128xf32, #tpu.memory_space<vmem>>
        %dma_start3A_1679 = tpu.memref_squeeze %dma_start3A_1678 : memref<1x16x128xf32, #tpu.memory_space<vmem>> -> memref<16x128xf32, #tpu.memory_space<vmem>>
        %dma_start3A_1680 = arith.constant 0 : i32
        %dma_start3A_1681 = tpu.memref_slice %arg2[%dma_start3A_1680, %multiple_of3A_1674] : memref<16x1000000xf32, #tpu.memory_space<hbm>> -> memref<16x128xf32, #tpu.memory_space<hbm>>
        %dma_start3A_1682 = arith.constant 0 : i32
        %dma_start3A_1683 = arith.constant 0 : i32
        %dma_start3A_1684 = tpu.memref_slice %arg7[%dma_start3A_1675, %dma_start3A_1682, %dma_start3A_1683] : memref<16x16x128xf32, #tpu.memory_space<vmem>> -> memref<1x16x128xf32, #tpu.memory_space<vmem>>
        %dma_start3A_1685 = tpu.memref_squeeze %dma_start3A_1684 : memref<1x16x128xf32, #tpu.memory_space<vmem>> -> memref<16x128xf32, #tpu.memory_space<vmem>>
        %dma_start3A_1686 = arith.constant 0 : i32
        %dma_start3A_1687 = tpu.memref_slice %arg2[%dma_start3A_1686, %multiple_of3A_1674] : memref<16x1000000xf32, #tpu.memory_space<hbm>> -> memref<16x128xf32, #tpu.memory_space<hbm>>
        tpu.enqueue_dma source(%dma_start3A_1687 : memref<16x128xf32, #tpu.memory_space<hbm>>) target(%dma_start3A_1685 : memref<16x128xf32, #tpu.memory_space<vmem>>) target_semaphore(%arg10 : memref<!tpu.dma_semaphore, #tpu.memory_space<semaphore_mem>>)
        %slice3A_1688 = vector.extract_strided_slice %and3A_1495 {offsets = [12], sizes = [1], strides = [1]} : vector<16xi32> to vector<1xi32>
        %squeeze3A_1689 = vector.extract %slice3A_1688[0] : i32 from vector<1xi32>
        %multiple_of3A_1690 = tpu.assume_multiple %squeeze3A_1689, 128 : i32
        %dma_start3A_1691 = arith.constant 12 : i32
        %dma_start3A_1692 = arith.constant 0 : i32
        %dma_start3A_1693 = arith.constant 0 : i32
        %dma_start3A_1694 = tpu.memref_slice %arg7[%dma_start3A_1691, %dma_start3A_1692, %dma_start3A_1693] : memref<16x16x128xf32, #tpu.memory_space<vmem>> -> memref<1x16x128xf32, #tpu.memory_space<vmem>>
        %dma_start3A_1695 = tpu.memref_squeeze %dma_start3A_1694 : memref<1x16x128xf32, #tpu.memory_space<vmem>> -> memref<16x128xf32, #tpu.memory_space<vmem>>
        %dma_start3A_1696 = arith.constant 0 : i32
        %dma_start3A_1697 = tpu.memref_slice %arg2[%dma_start3A_1696, %multiple_of3A_1690] : memref<16x1000000xf32, #tpu.memory_space<hbm>> -> memref<16x128xf32, #tpu.memory_space<hbm>>
        %dma_start3A_1698 = arith.constant 0 : i32
        %dma_start3A_1699 = arith.constant 0 : i32
        %dma_start3A_1700 = tpu.memref_slice %arg7[%dma_start3A_1691, %dma_start3A_1698, %dma_start3A_1699] : memref<16x16x128xf32, #tpu.memory_space<vmem>> -> memref<1x16x128xf32, #tpu.memory_space<vmem>>
        %dma_start3A_1701 = tpu.memref_squeeze %dma_start3A_1700 : memref<1x16x128xf32, #tpu.memory_space<vmem>> -> memref<16x128xf32, #tpu.memory_space<vmem>>
        %dma_start3A_1702 = arith.constant 0 : i32
        %dma_start3A_1703 = tpu.memref_slice %arg2[%dma_start3A_1702, %multiple_of3A_1690] : memref<16x1000000xf32, #tpu.memory_space<hbm>> -> memref<16x128xf32, #tpu.memory_space<hbm>>
        tpu.enqueue_dma source(%dma_start3A_1703 : memref<16x128xf32, #tpu.memory_space<hbm>>) target(%dma_start3A_1701 : memref<16x128xf32, #tpu.memory_space<vmem>>) target_semaphore(%arg10 : memref<!tpu.dma_semaphore, #tpu.memory_space<semaphore_mem>>)
        %slice3A_1704 = vector.extract_strided_slice %and3A_1495 {offsets = [13], sizes = [1], strides = [1]} : vector<16xi32> to vector<1xi32>
        %squeeze3A_1705 = vector.extract %slice3A_1704[0] : i32 from vector<1xi32>
        %multiple_of3A_1706 = tpu.assume_multiple %squeeze3A_1705, 128 : i32
        %dma_start3A_1707 = arith.constant 13 : i32
        %dma_start3A_1708 = arith.constant 0 : i32
        %dma_start3A_1709 = arith.constant 0 : i32
        %dma_start3A_1710 = tpu.memref_slice %arg7[%dma_start3A_1707, %dma_start3A_1708, %dma_start3A_1709] : memref<16x16x128xf32, #tpu.memory_space<vmem>> -> memref<1x16x128xf32, #tpu.memory_space<vmem>>
        %dma_start3A_1711 = tpu.memref_squeeze %dma_start3A_1710 : memref<1x16x128xf32, #tpu.memory_space<vmem>> -> memref<16x128xf32, #tpu.memory_space<vmem>>
        %dma_start3A_1712 = arith.constant 0 : i32
        %dma_start3A_1713 = tpu.memref_slice %arg2[%dma_start3A_1712, %multiple_of3A_1706] : memref<16x1000000xf32, #tpu.memory_space<hbm>> -> memref<16x128xf32, #tpu.memory_space<hbm>>
        %dma_start3A_1714 = arith.constant 0 : i32
        %dma_start3A_1715 = arith.constant 0 : i32
        %dma_start3A_1716 = tpu.memref_slice %arg7[%dma_start3A_1707, %dma_start3A_1714, %dma_start3A_1715] : memref<16x16x128xf32, #tpu.memory_space<vmem>> -> memref<1x16x128xf32, #tpu.memory_space<vmem>>
        %dma_start3A_1717 = tpu.memref_squeeze %dma_start3A_1716 : memref<1x16x128xf32, #tpu.memory_space<vmem>> -> memref<16x128xf32, #tpu.memory_space<vmem>>
        %dma_start3A_1718 = arith.constant 0 : i32
        %dma_start3A_1719 = tpu.memref_slice %arg2[%dma_start3A_1718, %multiple_of3A_1706] : memref<16x1000000xf32, #tpu.memory_space<hbm>> -> memref<16x128xf32, #tpu.memory_space<hbm>>
        tpu.enqueue_dma source(%dma_start3A_1719 : memref<16x128xf32, #tpu.memory_space<hbm>>) target(%dma_start3A_1717 : memref<16x128xf32, #tpu.memory_space<vmem>>) target_semaphore(%arg10 : memref<!tpu.dma_semaphore, #tpu.memory_space<semaphore_mem>>)
        %slice3A_1720 = vector.extract_strided_slice %and3A_1495 {offsets = [14], sizes = [1], strides = [1]} : vector<16xi32> to vector<1xi32>
        %squeeze3A_1721 = vector.extract %slice3A_1720[0] : i32 from vector<1xi32>
        %multiple_of3A_1722 = tpu.assume_multiple %squeeze3A_1721, 128 : i32
        %dma_start3A_1723 = arith.constant 14 : i32
        %dma_start3A_1724 = arith.constant 0 : i32
        %dma_start3A_1725 = arith.constant 0 : i32
        %dma_start3A_1726 = tpu.memref_slice %arg7[%dma_start3A_1723, %dma_start3A_1724, %dma_start3A_1725] : memref<16x16x128xf32, #tpu.memory_space<vmem>> -> memref<1x16x128xf32, #tpu.memory_space<vmem>>
        %dma_start3A_1727 = tpu.memref_squeeze %dma_start3A_1726 : memref<1x16x128xf32, #tpu.memory_space<vmem>> -> memref<16x128xf32, #tpu.memory_space<vmem>>
        %dma_start3A_1728 = arith.constant 0 : i32
        %dma_start3A_1729 = tpu.memref_slice %arg2[%dma_start3A_1728, %multiple_of3A_1722] : memref<16x1000000xf32, #tpu.memory_space<hbm>> -> memref<16x128xf32, #tpu.memory_space<hbm>>
        %dma_start3A_1730 = arith.constant 0 : i32
        %dma_start3A_1731 = arith.constant 0 : i32
        %dma_start3A_1732 = tpu.memref_slice %arg7[%dma_start3A_1723, %dma_start3A_1730, %dma_start3A_1731] : memref<16x16x128xf32, #tpu.memory_space<vmem>> -> memref<1x16x128xf32, #tpu.memory_space<vmem>>
        %dma_start3A_1733 = tpu.memref_squeeze %dma_start3A_1732 : memref<1x16x128xf32, #tpu.memory_space<vmem>> -> memref<16x128xf32, #tpu.memory_space<vmem>>
        %dma_start3A_1734 = arith.constant 0 : i32
        %dma_start3A_1735 = tpu.memref_slice %arg2[%dma_start3A_1734, %multiple_of3A_1722] : memref<16x1000000xf32, #tpu.memory_space<hbm>> -> memref<16x128xf32, #tpu.memory_space<hbm>>
        tpu.enqueue_dma source(%dma_start3A_1735 : memref<16x128xf32, #tpu.memory_space<hbm>>) target(%dma_start3A_1733 : memref<16x128xf32, #tpu.memory_space<vmem>>) target_semaphore(%arg10 : memref<!tpu.dma_semaphore, #tpu.memory_space<semaphore_mem>>)
        %slice3A_1736 = vector.extract_strided_slice %and3A_1495 {offsets = [15], sizes = [1], strides = [1]} : vector<16xi32> to vector<1xi32>
        %squeeze3A_1737 = vector.extract %slice3A_1736[0] : i32 from vector<1xi32>
        %multiple_of3A_1738 = tpu.assume_multiple %squeeze3A_1737, 128 : i32
        %dma_start3A_1739 = arith.constant 15 : i32
        %dma_start3A_1740 = arith.constant 0 : i32
        %dma_start3A_1741 = arith.constant 0 : i32
        %dma_start3A_1742 = tpu.memref_slice %arg7[%dma_start3A_1739, %dma_start3A_1740, %dma_start3A_1741] : memref<16x16x128xf32, #tpu.memory_space<vmem>> -> memref<1x16x128xf32, #tpu.memory_space<vmem>>
        %dma_start3A_1743 = tpu.memref_squeeze %dma_start3A_1742 : memref<1x16x128xf32, #tpu.memory_space<vmem>> -> memref<16x128xf32, #tpu.memory_space<vmem>>
        %dma_start3A_1744 = arith.constant 0 : i32
        %dma_start3A_1745 = tpu.memref_slice %arg2[%dma_start3A_1744, %multiple_of3A_1738] : memref<16x1000000xf32, #tpu.memory_space<hbm>> -> memref<16x128xf32, #tpu.memory_space<hbm>>
        %dma_start3A_1746 = arith.constant 0 : i32
        %dma_start3A_1747 = arith.constant 0 : i32
        %dma_start3A_1748 = tpu.memref_slice %arg7[%dma_start3A_1739, %dma_start3A_1746, %dma_start3A_1747] : memref<16x16x128xf32, #tpu.memory_space<vmem>> -> memref<1x16x128xf32, #tpu.memory_space<vmem>>
        %dma_start3A_1749 = tpu.memref_squeeze %dma_start3A_1748 : memref<1x16x128xf32, #tpu.memory_space<vmem>> -> memref<16x128xf32, #tpu.memory_space<vmem>>
        %dma_start3A_1750 = arith.constant 0 : i32
        %dma_start3A_1751 = tpu.memref_slice %arg2[%dma_start3A_1750, %multiple_of3A_1738] : memref<16x1000000xf32, #tpu.memory_space<hbm>> -> memref<16x128xf32, #tpu.memory_space<hbm>>
        tpu.enqueue_dma source(%dma_start3A_1751 : memref<16x128xf32, #tpu.memory_space<hbm>>) target(%dma_start3A_1749 : memref<16x128xf32, #tpu.memory_space<vmem>>) target_semaphore(%arg10 : memref<!tpu.dma_semaphore, #tpu.memory_space<semaphore_mem>>)
      } else {
      }
    }
    %scan3A_525 = arith.constant 16 : i32
    "tpu.region"() ({
      %run_scoped3A = tpu.sem_alloc : memref<!tpu.dma_semaphore, #tpu.memory_space<semaphore_mem>>
      %dma_start3A_526 = arith.constant 0 : i32
      %dma_start3A_527 = tpu.memref_slice %arg4[%dma_start3A_526, %mul3A_2] : memref<16x16384xf32, #tpu.memory_space<hbm>> -> memref<16x512xf32, #tpu.memory_space<hbm>>
      %dma_start3A_528 = arith.constant 0 : i32
      %dma_start3A_529 = tpu.memref_slice %arg4[%dma_start3A_528, %mul3A_2] : memref<16x16384xf32, #tpu.memory_space<hbm>> -> memref<16x512xf32, #tpu.memory_space<hbm>>
      tpu.enqueue_dma source(%arg8 : memref<16x512xf32, #tpu.memory_space<vmem>>) target(%dma_start3A_529 : memref<16x512xf32, #tpu.memory_space<hbm>>) target_semaphore(%run_scoped3A : memref<!tpu.dma_semaphore, #tpu.memory_space<semaphore_mem>>)
      %dma_wait3A = arith.constant 0 : i32
      %dma_wait3A_530 = tpu.memref_slice %arg4[%dma_wait3A, %mul3A_2] : memref<16x16384xf32, #tpu.memory_space<hbm>> -> memref<16x512xf32, #tpu.memory_space<hbm>>
      %dma_wait3A_531 = arith.constant 0 : i32
      %dma_wait3A_532 = tpu.memref_slice %arg4[%dma_wait3A_531, %mul3A_2] : memref<16x16384xf32, #tpu.memory_space<hbm>> -> memref<16x512xf32, #tpu.memory_space<hbm>>
      tpu.wait_dma2 semaphore(%run_scoped3A : memref<!tpu.dma_semaphore, #tpu.memory_space<semaphore_mem>>) src(%arg8 : memref<16x512xf32, #tpu.memory_space<vmem>>) dst(%dma_wait3A_532 : memref<16x512xf32, #tpu.memory_space<hbm>>)
      tpu.yield
    }) : () -> ()
    return
  }
}

</mosaic_0001>

<sc_bundles>
// kernel: kernel.3.cloned.1.call-start
scs
__scs_entry_jumppad:
0x0: {  	(pc) =	sbr.rel $0x88, $3  }
0x1: {  	(tag) =	ssettag $0x0;
	lr =	simm.s32 $0x1  }
0x2: {  	[smem:$0x3F9F] =	sst lr;
	_ =	strace $0xD0000000  }
0x3: {  	_ = 	snop  }
0x4: {  	_ = 	snop  }
0x5: {  	_ = 	snop  }
0x6: {  	_ = 	snop  }
0x7: {  	_ = 	snop  }
__scs_overlays_trampoline_lowered:
0x8: {  	[smem:$0x3FAE] =	sst s0  }
0x9: {  	[smem:$0x3FAF] =	sst s1  }
0xa: {  	[smem:$0x3FB0] =	sst s2  }
0xb: {  	[smem:$0x3FB1] =	sst s3  }
0xc: {  	[smem:$0x3FB2] =	sst s4  }
0xd: {  	[smem:$0x3FB3] =	sst s5  }
0xe: {  	[smem:$0x3FB4] =	sst s6  }
0xf: {  	[smem:$0x3FB5] =	sst s7  }
0x10: {  	[smem:$0x3FB6] =	sst s8  }
0x11: {  	[smem:$0x3FB7] =	sst s9;
	s0 =	simm.s32 @!p0 $0x0  }
0x12: {  	s1 =	sld [smem:$0x3F9D];
	s0 =	simm.s32 @p0 $0x1  }
0x13: {  	[smem:$0x3FB8] =	sst s0;
	s0 =	simm.s32 @!p1 $0x0  }
0x14: {  	s2 =	sld [smem:$0x3F9C];
	s0 =	simm.s32 @p1 $0x1  }
0x15: {  	[smem:$0x3FB9] =	sst s0;
	s0 =	simm.s32 @!p2 $0x0  }
0x16: {  	s3 =	sld [smem:$0x3FDB];
	s0 =	simm.s32 @p2 $0x1  }
0x17: {  	s4 =	simm.s32 $0x1BF5;
	[smem:$0x3FBB] =	sst s0  }
0x18: {  	s0 =	sld [smem:$0x3F9E];
	_ =	swait.ge [sflag:s4], $0x0  }
0x19: {  	s7 =	sld [smem:$0x3F9F]  }
0x1a: {  	s8 =	sadd.s32 $0xFFFFE003, lr  }
0x1b: {  	s9 =	sadd.s32 $0xFFFFFEF7, lr;
	s5 =	simm.s32 $0xFFFFFFFF;
	p2 =	slt.u32 s8, $0xFFFFF086  }
0x1c: {  	p1 =	slt.u32 s9, $0xF7A;
	s5 =	simm.s32 @!p2 $0x0  }
0x1d: {  	s5 =	simm.s32 @p1 $0x1;
	p0 =	seq.s32 s7, s2  }
0x1e: {  	s7 =	smul.u32 @!p0 $0xF7A, s2;
	p2 =	seq.s32 @!p0 s5, $0x0  }
0x1f: {  	s9 =	smul.u32 $0xF7A, s1;
	s8 =	simm.s32 @!p0 $0x1BF5;
	p2 =	por !p2, p0  }
0x20: {  	[sflag:s8] =	ssyncset.s32 @!p0 $0xFFFFF086;
	s6 =	sadd.s32 @!p0 s3, s7;
	s7 =	simm.s32 @!p0 $0x108  }
0x21: {  	s3 =	sadd.s32 s3, s9;
	s6 =	sadd.s32 @!p0 $0x88, s6;
	s7 =	simm.s32 @p2 $0x1082  }
0x22: {  	[simem:s7], [sflag:s8] =	dma.local @!p0 [hbm:s6], $0xF7A  }
0x23: {  	s9 =	sor.u32 $0xD0000000, s2;
	s6 =	simm.s32 $0x108;
	_ =	swait.ge @!p0 [sflag:s8], $0x0  }
0x24: {  	s3 =	sadd.s32 $0x88, s3;
	s6 =	simm.s32 @!p1 $0x1082;
	[sflag:s4] =	ssyncset.s32 $0xFFFFF086  }
0x25: {  	[simem:s6], [sflag:s4] =	dma.local [hbm:s3], $0xF7A  }
0x26: {  	[smem:$0x3F9F] =	sst s1;
	(tag) =	ssettag s2;
	_ =	strace s9  }
0x27: {  	s1 =	sld [smem:$0x3FAF]  }
0x28: {  	s2 =	sld [smem:$0x3FB0]  }
0x29: {  	s4 =	sld [smem:$0x3FB2]  }
0x2a: {  	p0 =	seq.s32 s5, $0x0;
	s5 =	sld [smem:$0x3FB3]  }
0x2b: {  	s6 =	sld [smem:$0x3FB4]  }
0x2c: {  	s7 =	sld [smem:$0x3FB5]  }
0x2d: {  	s3 =	simm.s32 $0x108;
	s8 =	sld [smem:$0x3FB6]  }
0x2e: {  	s3 =	simm.s32 @!p0 $0x1082;
	s9 =	sld [smem:$0x3FB7]  }
0x2f: {  	lr =	sadd.s32 s0, s3;
	s0 =	sld [smem:$0x3FAE]  }
0x30: {  	s3 =	sld [smem:$0x3FB1]  }
0x31: {  	[smem:$0x3FBA] =	sst s10  }
0x32: {  	s10 =	sld [smem:$0x3FB8];
	_ =	sdelay $0x3  }
0x33: {  	p0 =	seq.s32 s10, $0x1;
	s10 =	sld [smem:$0x3FBA];
	_ =	sdelay $0x3  }
0x34: {  	[smem:$0x3FBA] =	sst s10  }
0x35: {  	s10 =	sld [smem:$0x3FB9];
	_ =	sdelay $0x3  }
0x36: {  	p1 =	seq.s32 s10, $0x1;
	s10 =	sld [smem:$0x3FBA];
	_ =	sdelay $0x3  }
0x37: {  	[smem:$0x3FBA] =	sst s10  }
0x38: {  	s10 =	sld [smem:$0x3FBB]  }
0x39: {  	_ = 	snop;
	(pc) =	sbr.ind lr, $3  }
0x3a: {  	_ = 	snop  }
0x3b: {  	_ = 	snop  }
0x3c: {  	p2 =	seq.s32 s10, $0x1;
	s10 =	sld [smem:$0x3FBA]  }
0x3d: {  	_ =	shalt  }
0x3e: {  	_ =	shalt  }
0x3f: {  	_ =	shalt  }
0x40: {  	_ =	shalt  }
0x41: {  	_ =	shalt  }
0x42: {  	_ =	shalt  }
0x43: {  	_ =	shalt  }
0x44: {  	_ =	shalt  }
0x45: {  	_ =	shalt  }
0x46: {  	_ =	shalt  }
0x47: {  	_ =	shalt  }
0x48: {  	_ =	shalt  }
0x49: {  	_ =	shalt  }
0x4a: {  	_ =	shalt  }
0x4b: {  	_ =	shalt  }
0x4c: {  	_ =	shalt  }
0x4d: {  	_ =	shalt  }
0x4e: {  	_ =	shalt  }
0x4f: {  	_ =	shalt  }
0x50: {  	_ =	shalt  }
0x51: {  	_ =	shalt  }
0x52: {  	_ =	shalt  }
0x53: {  	_ =	shalt  }
0x54: {  	_ =	shalt  }
0x55: {  	_ =	shalt  }
0x56: {  	_ =	shalt  }
0x57: {  	_ =	shalt  }
0x58: {  	_ =	shalt  }
0x59: {  	_ =	shalt  }
0x5a: {  	_ =	shalt  }
0x5b: {  	_ =	shalt  }
0x5c: {  	_ =	shalt  }
0x5d: {  	_ =	shalt  }
0x5e: {  	_ =	shalt  }
0x5f: {  	_ =	shalt  }
0x60: {  	_ =	shalt  }
0x61: {  	_ =	shalt  }
0x62: {  	_ =	shalt  }
0x63: {  	_ =	shalt  }
0x64: {  	_ =	shalt  }
0x65: {  	_ =	shalt  }
0x66: {  	_ =	shalt  }
0x67: {  	_ =	shalt  }
0x68: {  	_ =	shalt  }
0x69: {  	_ =	shalt  }
0x6a: {  	_ =	shalt  }
0x6b: {  	_ =	shalt  }
0x6c: {  	_ =	shalt  }
0x6d: {  	_ =	shalt  }
0x6e: {  	_ =	shalt  }
0x6f: {  	_ =	shalt  }
0x70: {  	_ =	shalt  }
0x71: {  	_ =	shalt  }
0x72: {  	_ =	shalt  }
0x73: {  	_ =	shalt  }
0x74: {  	_ =	shalt  }
0x75: {  	_ =	shalt  }
0x76: {  	_ =	shalt  }
0x77: {  	_ =	shalt  }
0x78: {  	_ =	shalt  }
0x79: {  	_ =	shalt  }
0x7a: {  	_ =	shalt  }
0x7b: {  	_ =	shalt  }
0x7c: {  	_ =	shalt  }
0x7d: {  	_ =	shalt  }
0x7e: {  	_ =	shalt  }
0x7f: {  	_ =	shalt  }
0x80: {  	_ =	shalt  }
0x81: {  	_ =	shalt  }
0x82: {  	_ =	shalt  }
0x83: {  	_ =	shalt  }
0x84: {  	_ =	shalt  }
0x85: {  	_ =	shalt  }
0x86: {  	_ =	shalt  }
0x87: {  	_ =	shalt  }
.Lfunc_end0:
.L_simem_size_0:
called_computation_lowered:
.L_overlay_start_0:
0x88: {  	s2 =	sld [smem:$0x3FD9]  }
0x89: {  	s3 =	sld [smem:$0x3FFE];
	_ =	sdelay $0x1  }
0x8a: {  	s1 =	srdreg.scid  }
0x8b: {  	s0 =	sand.u32 $0x1, s1  }
0x8c: {  	s18 =	sshll.u32 s0, $0xA;
	s2 =	sadd.s32 s3, s2  }
0x8d: {  	s2 =	sadd.s32 s2, s18  }
0x8e: {  	[smem:$0x3FC6] =	sst s2  }
0x8f: {  	_ = 	snop  }
0x90: {  	s2 =	sld [smem:$0x3FC9]  }
0x91: {  	s19 =	sld [smem:$0x3FC8]  }
0x92: {  	s4 =	sld [smem:$0x3FD0];
	(tm) =	ssettm $0x1  }
0x93: {  	s5 =	sld [smem:$0x3FFB];
	_ =	sdelay $0x3  }
0x94: {  	_ =	strace s5  }
0x95: {  	s5 =	sld [smem:$0x3FFC];
	_ =	sdelay $0x3  }
0x96: {  	_ =	strace s5  }
0x97: {  	s5 =	sld [smem:$0x3FFD];
	_ =	sdelay $0x3  }
0x98: {  	_ =	strace s5  }
0x99: {  	_ =	strace $0x8FFFFFFF  }
0x9a: {  	s20 =	sld [smem:$0x3FDB];
	_ =	sdelay $0x1  }
0x9b: {  	s6 =	simm.s32 $_scs_section_size  }
0x9c: {  	s7 =	simm.s32 $_size__tile_overlayer_lowered;
	s8 =	simm.s32 $_tile_overlayer_lowered  }
0x9d: {  	s23 =	simm.s32 $0x1BFF;
	s22 =	sshll.u32 s8, $0x1;
	s5 =	sadd.s32 s6, s20  }
0x9e: {  	s9 =	simm.s32 $0x0;
	s21 =	sshll.u32 s7, $0x1;
	s7 =	sadd.s32 s22, s5  }
0x9f: {  	[timem:s9], [sflag:s23] =	dma.local [hbm:s7], s21  }
0xa0: {  	_ =	swait.ge [sflag:s23], s21  }
0xa1: {  	s6 =	ssub.s32 $0x0, s21;
	[sflag:s23] =	ssyncset.done $0x0  }
0xa2: {  	[sflag:s23] =	ssyncadd.s32 s6;
	_ =	sdelay $0x1  }
0xa3: {  	s24 =	simm.s32 $0x1B8B  }
0xa4: {  	_ =	swait.ge [sflag:s24], $0x1  }
0xa5: {  	[sflag:s24] =	ssyncset.done $0x0  }
0xa6: {  	s25 =	simm.s32 $0x1B8E;
	[sflag:s24] =	ssyncadd.s32 $0xFFFFFFFF  }
0xa7: {  	s26 =	simm.s32 $execute0_lowered;
	[smem:$0x3FD2] =	sst s25  }
0xa8: {  	s6 =	sshll.u32 s26, $0x1;
	_ =	strace $0x80000046;
	[dreg:$0x1] =	wrdreg $0xFFFFFFFF  }
0xa9: {  	s28 =	simm.s32 $_size_execute0_lowered;
	s5 =	sadd.s32 s5, s6;
	[dreg:$0x0] =	wrdreg $0x0  }
0xaa: {  	s6 =	sshll.u32 s28, $0x1;
	[dreg:$0x2] =	wrdreg s5  }
0xab: {  	[dreg:$0x3] =	wrdreg s6  }
0xac: {  	[dreg:$0x4] =	wrdreg $0xC0  }
0xad: {  	_ =	task [dreg:s9], $0x5FFFF  }
0xae: {  	[dreg:$0x1] =	wrdreg $0xFFFFFFFF  }
0xaf: {  	[dreg:$0x0] =	wrdreg $0x60  }
0xb0: {  	[dreg:$0x2] =	wrdreg s2  }
0xb1: {  	[dreg:$0x3] =	wrdreg s19  }
0xb2: {  	[dreg:$0x4] =	wrdreg s4  }
0xb3: {  	[dreg:$0x5] =	wrdreg $0x9  }
0xb4: {  	_ =	task.clear_ibuf [dreg:s9], $0x6FFFF;
	_ =	strace $0x90000046  }
0xb5: {  	s29 =	simm.s32 $0x9;
	_ =	strace $0x80000048  }
0xb6: {  	_ =	swait.ge [sflag:s29], $0x1  }
0xb7: {  	[sflag:s29] =	ssyncadd.s32 $0xFFFFFFFF  }
0xb8: {  	_ =	strace $0x90000048  }
0xb9: {  	_ =	sfence  }
0xba: {  	s30 =	sld [smem:$0x0];
	_ =	sdelay $0x2  }
0xbb: {  	s31 =	sshll.u32 s1, $0xD;
	s1 =	sshrl.u32 s1, $0x2  }
0xbc: {  	s3 =	sand.u32 $0x4000, s31;
	s1 =	sadd.s32 s1, s30  }
0xbd: {  	s0 =	sor.u32 s3, s0;
	s1 =	sshll.u32 s1, $0x11  }
0xbe: {  	s0 =	sor.u32 s1, s0  }
0xbf: {  	s0 =	sadd.s32 $0x8F2B, s0  }
0xc0: {  	[sflag:s0] =	ssyncadd.remote.s32 $0x1  }
0xc1: {  	_ =	sfence.sel $0xFFFF  }
0xc2: {  	[dreg:$0x0] =	wrdreg $0xFFFFFFFF;
	(pc) =	sbr.abs _section_cstart, $3  }
0xc3: {  	[dreg:$0x1] =	wrdreg $0xFFFFFFFF  }
0xc4: {  	_ =	task.clear_ibuf [dreg:s9], $0x2FFFF;
	_ =	strace $0x9FFFFFFF  }
0xc5: {  	(tm) =	ssettm $0x7FFFFFFF  }
tec
execute0_lowered:
.L_overlay_start_1:
0x0: {  	(tag) =	ssettag $0x1  }
0x1: {  	s0 =	rddreg [dreg:$0x1]  }
0x2: {  	s1 =	rddreg [dreg:$0x2];
	s2 =	srdreg.scid  }
0x3: {  	s3 =	stileid.u32;
	s5 =	simm.s32 $0x0;
	v0 =	vimm.s32 $0x1380;
	vm0 =	vcmask $0x300;
	s18 =	simm.s32 $0x3  }
0x4: {  	vm14 =	vcmask $0x704;
	s8 =	simm.s32 $0x400;
	s9 =	simm.s32 $0x7A1400;
	s20 =	simm.s32 $0x1A00;
	v0 =	vsel vm0, $0x0, v0  }
0x5: {  	vm15 =	vcmask $0xB08;
	s21 =	simm.s32 $0x2A00;
	s22 =	simm.s32 $0x3A00;
	s28 =	simm.s32 $0x8200;
	v0 =	vsel vm14, $0x80, v0  }
0x6: {  	vm4 =	vcmask $0xF0C;
	s29 =	simm.s32 $0x9200;
	s30 =	simm.s32 $0x9A00;
	s31 =	simm.s32 $0xCA00;
	v0 =	vsel vm15, $0x100, v0  }
0x7: {  	vm5 =	vcmask $0x1310;
	s6 =	simm.s32 $0xD200;
	s7 =	simm.s32 $0xDA00;
	s10 =	simm.s32 $0xEA00;
	v0 =	vsel vm4, $0x180, v0  }
0x8: {  	vm6 =	vcmask $0x1714;
	s11 =	simm.s32 $0xF200;
	s12 =	simm.s32 $0xFA00;
	s13 =	simm.s32 $0x1;
	v0 =	vsel vm5, $0x200, v0  }
0x9: {  	vm7 =	vcmask $0x1B18;
	s14 =	simm.s32 $0x10200;
	s15 =	simm.s32 $0x2;
	s17 =	simm.s32 $0x0;
	v0 =	vsel vm6, $0x280, v0  }
0xa: {  	vm8 =	vcmask $0x1F1C;
	s2 =	sand.u32 $0x1, s2;
	s3 =	sshll.u32 s3, $0xA;
	[smem:$0x7FF] =	sst s5;
	v0 =	vsel vm7, $0x300, v0  }
0xb: {  	vm9 =	vcmask $0x2320;
	s5 =	simm.s32 $0xC200;
	s4 =	sshll.u32 s2, $0x9;
	s2 =	ssub.s32 $0x2, s2;
	v0 =	vsel vm8, $0x380, v0  }
0xc: {  	vm10 =	vcmask $0x2724;
	_ =	strace $0x80000047;
	s3 =	sor.u32 s4, s3;
	s23 =	sshrl.u32 s2, $0x1;
	v0 =	vsel vm9, $0x1000, v0  }
0xd: {  	vm11 =	vcmask $0x2B28;
	s4 =	simm.s32 $0xBA00;
	s24 =	sshrl.u32 s3, $0x3;
	s2 =	ssub.s32 s2, s23;
	v0 =	vsel vm10, $0x1080, v0  }
.Ltmp0:
0xe: {  	vm12 =	vcmask $0x2F2C;
	s25 =	sadd.s32 s1, s3;
	s23 =	simm.s32 $0x4A00;
	v0 =	vsel vm11, $0x1100, v0;
	(pc) =	sbr.rel .LBB2_1-.Ltmp0, $4  }
0xf: {  	vm13 =	vcmask $0x3330;
	s3 =	simm.s32 $0xB200;
	s1 =	simm.s32 $0xE200;
	s0 =	sadd.s32 s0, s24;
	v0 =	vsel vm12, $0x1180, v0  }
0x10: {  	vm14 =	vcmask $0x3734;
	[dreg:$0x5] =	wrdreg s25;
	s26 =	smax.u32 s2, $0x1;
	s24 =	simm.s32 $0x5A00;
	v0 =	vsel vm13, $0x1200, v0  }
0x11: {  	v1 =	vlaneseq.u32;
	vm15 =	vcmask $0x3B38;
	s25 =	simm.s32 $0x6A00;
	s2 =	simm.s32 $0xAA00;
	[dreg:$0x4] =	wrdreg s0;
	v2 =	vsel vm14, $0x1280, v0  }
0x12: {  	[dreg:$0x6] =	wrdreg s26;
	s26 =	simm.s32 $0x7A00;
	s0 =	simm.s32 $0xA200;
	v0 =	vmul.u32 $0x80, v1;
	v1 =	vsel vm15, $0x1300, v2  }
.LBB2_6:
0x13: {  	s16 =	rddreg [dreg:$0x5]  }
0x14: {  	s0 =	simm.s32 $0x1000;
	s1 =	simm.s32 $0x20000;
	s18 =	simm.s32 $0x3  }
0x15: {  	[hbm4b:s16+s0] =	stream.strided.scatter [tilespmem:s14], [sflag:$0x3], $0x2000, s1, s0, $0x38;
	[tilespmem:$0x12200] =	vst v63  }
0x16: {  	_ =	swait.ge [sflag:s18], $0x2000  }
0x17: {  	s17 =	rddreg [dreg:$0x7]  }
0x18: {  	s28 =	simm.s32 $0x8200;
	s19 =	rddreg [dreg:$0x6];
	s17 =	sadd.s32 $0x1, s17  }
0x19: {  	s29 =	simm.s32 $0x9200;
	s30 =	simm.s32 $0x9A00;
	p0 =	sne.s32 s17, s19  }
.Ltmp1:
0x1a: {  	s2 =	simm.s32 $0xAA00;
	s3 =	simm.s32 $0xB200;
	(pc) =	sbr.rel @!p0 .LBB2_7-.Ltmp1, $4  }
0x1b: {  	s4 =	simm.s32 $0xBA00;
	s5 =	simm.s32 $0xC200;
	s31 =	simm.s32 $0xCA00  }
0x1c: {  	s6 =	simm.s32 $0xD200;
	s7 =	simm.s32 $0xDA00;
	s10 =	simm.s32 $0xEA00  }
0x1d: {  	s11 =	simm.s32 $0xF200;
	s12 =	simm.s32 $0xFA00;
	[sflag:s18] =	ssyncset.done $0x0  }
0x1e: {  	s0 =	simm.s32 $0xA200;
	s1 =	simm.s32 $0xE200;
	[sflag:s18] =	ssyncadd.s32 $0xFFFFE000  }
.LBB2_1:
0x1f: {  	[dreg:$0x7] =	wrdreg s17  }
0x20: {  	s16 =	simm.s32 $0x0;
	s19 =	rddreg [dreg:$0x4]  }
0x21: {  	[tilespmem:s16], [sflag:$0x3] =	stream.linear.gather [hbm4b:s19+s16], $0x200, $0x38;
	[tilespmem:$0x12200] =	vst v63  }
0x22: {  	_ =	swait.ge [sflag:s18], $0x200  }
0x23: {  	[sflag:s18] =	ssyncset.done $0x0  }
0x24: {  	[sflag:s18] =	ssyncadd.s32 $0xFFFFFE00  }
0x25: {  	v2 =	vld [tilespmem:$0x0];
	_ =	sdelay $0x4  }
0x26: {  	s17 =	rddreg [dreg:$0x0];
	v2 =	vand.u32 $0xFFFFFF80, v2  }
0x27: {  	v2 =	vadd.s32 s17, v2  }
0x28: {  	(v2sf) =	vpush v2, $0x0;
	_ =	sdelay $0x1  }
0x29: {  	(v2sf) =	vpush v2, $0x1;
	_ =	sdelay $0x1  }
0x2a: {  	(v2sf) =	vpush v2, $0x2;
	_ =	sdelay $0x1  }
0x2b: {  	(v2sf) =	vpush v2, $0x3;
	_ =	sdelay $0x1  }
0x2c: {  	(v2sf) =	vpush v2, $0x4;
	_ =	sdelay $0x1  }
0x2d: {  	(v2sf) =	vpush v2, $0x5;
	_ =	sdelay $0x1  }
0x2e: {  	(v2sf) =	vpush v2, $0x6;
	_ =	sdelay $0x1  }
0x2f: {  	(v2sf) =	vpush v2, $0x7  }
0x30: {  	s19 =	simm.s32 $0x200;
	s18 =	spop (v2sf)  }
0x31: {  	(v2sf) =	vpush v2, $0x8;
	[tilespmem:s19], [sflag:$0x1] =	stream.strided.gather [hbm4b:s18+s8], $0x800, s9, s8, $0x38;
	[tilespmem:$0x12200] =	vst v63  }
0x32: {  	s18 =	spop (v2sf);
	s19 =	simm.s32 $0xA00  }
0x33: {  	(v2sf) =	vpush v2, $0x9;
	[tilespmem:s19], [sflag:$0x1] =	stream.strided.gather [hbm4b:s18+s8], $0x800, s9, s8, $0x38;
	[tilespmem:$0x12200] =	vst v63  }
0x34: {  	s18 =	spop (v2sf);
	s19 =	simm.s32 $0x1200  }
0x35: {  	(v2sf) =	vpush v2, $0xA;
	[tilespmem:s19], [sflag:$0x1] =	stream.strided.gather [hbm4b:s18+s8], $0x800, s9, s8, $0x38;
	[tilespmem:$0x12200] =	vst v63  }
0x36: {  	s19 =	spop (v2sf)  }
0x37: {  	(v2sf) =	vpush v2, $0xB;
	[tilespmem:s20], [sflag:$0x1] =	stream.strided.gather [hbm4b:s19+s8], $0x800, s9, s8, $0x38;
	[tilespmem:$0x12200] =	vst v63  }
0x38: {  	s18 =	spop (v2sf);
	s19 =	simm.s32 $0x2200  }
0x39: {  	(v2sf) =	vpush v2, $0xC;
	[tilespmem:s19], [sflag:$0x1] =	stream.strided.gather [hbm4b:s18+s8], $0x800, s9, s8, $0x38;
	[tilespmem:$0x12200] =	vst v63  }
0x3a: {  	s19 =	spop (v2sf)  }
0x3b: {  	(v2sf) =	vpush v2, $0xD;
	[tilespmem:s21], [sflag:$0x1] =	stream.strided.gather [hbm4b:s19+s8], $0x800, s9, s8, $0x38;
	[tilespmem:$0x12200] =	vst v63  }
0x3c: {  	s18 =	spop (v2sf);
	s19 =	simm.s32 $0x3200  }
0x3d: {  	(v2sf) =	vpush v2, $0xE;
	[tilespmem:s19], [sflag:$0x1] =	stream.strided.gather [hbm4b:s18+s8], $0x800, s9, s8, $0x38;
	[tilespmem:$0x12200] =	vst v63  }
0x3e: {  	s19 =	spop (v2sf)  }
0x3f: {  	(v2sf) =	vpush v2, $0xF;
	[tilespmem:s22], [sflag:$0x1] =	stream.strided.gather [hbm4b:s19+s8], $0x800, s9, s8, $0x38;
	[tilespmem:$0x12200] =	vst v63  }
0x40: {  	s18 =	spop (v2sf);
	s19 =	simm.s32 $0x4200  }
0x41: {  	[tilespmem:s19], [sflag:$0x1] =	stream.strided.gather [hbm4b:s18+s8], $0x800, s9, s8, $0x38;
	[tilespmem:$0x12200] =	vst v63  }
0x42: {  	s19 =	spop (v2sf)  }
0x43: {  	[tilespmem:s23], [sflag:$0x1] =	stream.strided.gather [hbm4b:s19+s8], $0x800, s9, s8, $0x38;
	[tilespmem:$0x12200] =	vst v63  }
0x44: {  	s18 =	spop (v2sf);
	s19 =	simm.s32 $0x5200  }
0x45: {  	[tilespmem:s19], [sflag:$0x1] =	stream.strided.gather [hbm4b:s18+s8], $0x800, s9, s8, $0x38;
	[tilespmem:$0x12200] =	vst v63  }
0x46: {  	s19 =	spop (v2sf)  }
0x47: {  	[tilespmem:s24], [sflag:$0x1] =	stream.strided.gather [hbm4b:s19+s8], $0x800, s9, s8, $0x38;
	[tilespmem:$0x12200] =	vst v63  }
0x48: {  	s18 =	spop (v2sf);
	s19 =	simm.s32 $0x6200  }
0x49: {  	[tilespmem:s19], [sflag:$0x1] =	stream.strided.gather [hbm4b:s18+s8], $0x800, s9, s8, $0x38;
	[tilespmem:$0x12200] =	vst v63  }
0x4a: {  	s19 =	spop (v2sf)  }
0x4b: {  	[tilespmem:s25], [sflag:$0x1] =	stream.strided.gather [hbm4b:s19+s8], $0x800, s9, s8, $0x38;
	[tilespmem:$0x12200] =	vst v63  }
0x4c: {  	s18 =	spop (v2sf);
	s19 =	simm.s32 $0x7200  }
0x4d: {  	[tilespmem:s19], [sflag:$0x1] =	stream.strided.gather [hbm4b:s18+s8], $0x800, s9, s8, $0x38;
	[tilespmem:$0x12200] =	vst v63  }
0x4e: {  	s19 =	spop (v2sf)  }
0x4f: {  	[tilespmem:s26], [sflag:$0x1] =	stream.strided.gather [hbm4b:s19+s8], $0x800, s9, s8, $0x38;
	[tilespmem:$0x12200] =	vst v63  }
0x50: {  	v2 =	vld [tilespmem:$0x10];
	_ =	sdelay $0x4  }
0x51: {  	v2 =	vand.u32 $0xFFFFFF80, v2  }
0x52: {  	v2 =	vadd.s32 s17, v2  }
0x53: {  	(v2sf) =	vpush v2, $0x0;
	_ =	sdelay $0x1  }
0x54: {  	(v2sf) =	vpush v2, $0x1;
	_ =	sdelay $0x1  }
0x55: {  	(v2sf) =	vpush v2, $0x2;
	_ =	sdelay $0x1  }
0x56: {  	(v2sf) =	vpush v2, $0x3;
	_ =	sdelay $0x1  }
0x57: {  	(v2sf) =	vpush v2, $0x4;
	_ =	sdelay $0x1  }
0x58: {  	(v2sf) =	vpush v2, $0x5;
	_ =	sdelay $0x1  }
0x59: {  	(v2sf) =	vpush v2, $0x6;
	_ =	sdelay $0x1  }
0x5a: {  	(v2sf) =	vpush v2, $0x7  }
0x5b: {  	s17 =	spop (v2sf)  }
0x5c: {  	(v2sf) =	vpush v2, $0x8;
	[tilespmem:s28], [sflag:$0x2] =	stream.strided.gather [hbm4b:s17+s8], $0x800, s9, s8, $0x38;
	[tilespmem:$0x12200] =	vst v63  }
0x5d: {  	s19 =	simm.s32 $0x8A00;
	s18 =	spop (v2sf)  }
0x5e: {  	(v2sf) =	vpush v2, $0x9;
	[tilespmem:s19], [sflag:$0x2] =	stream.strided.gather [hbm4b:s18+s8], $0x800, s9, s8, $0x38;
	[tilespmem:$0x12200] =	vst v63  }
0x5f: {  	s28 =	spop (v2sf)  }
0x60: {  	(v2sf) =	vpush v2, $0xA;
	[tilespmem:s29], [sflag:$0x2] =	stream.strided.gather [hbm4b:s28+s8], $0x800, s9, s8, $0x38;
	[tilespmem:$0x12200] =	vst v63  }
0x61: {  	s29 =	spop (v2sf)  }
0x62: {  	(v2sf) =	vpush v2, $0xB;
	[tilespmem:s30], [sflag:$0x2] =	stream.strided.gather [hbm4b:s29+s8], $0x800, s9, s8, $0x38;
	[tilespmem:$0x12200] =	vst v63  }
0x63: {  	s30 =	spop (v2sf)  }
0x64: {  	(v2sf) =	vpush v2, $0xC;
	[tilespmem:s0], [sflag:$0x2] =	stream.strided.gather [hbm4b:s30+s8], $0x800, s9, s8, $0x38;
	[tilespmem:$0x12200] =	vst v63  }
0x65: {  	s0 =	spop (v2sf)  }
0x66: {  	(v2sf) =	vpush v2, $0xD;
	[tilespmem:s2], [sflag:$0x2] =	stream.strided.gather [hbm4b:s0+s8], $0x800, s9, s8, $0x38;
	[tilespmem:$0x12200] =	vst v63  }
0x67: {  	s2 =	spop (v2sf)  }
0x68: {  	(v2sf) =	vpush v2, $0xE;
	[tilespmem:s3], [sflag:$0x2] =	stream.strided.gather [hbm4b:s2+s8], $0x800, s9, s8, $0x38;
	[tilespmem:$0x12200] =	vst v63  }
0x69: {  	s3 =	spop (v2sf)  }
0x6a: {  	(v2sf) =	vpush v2, $0xF;
	[tilespmem:s4], [sflag:$0x2] =	stream.strided.gather [hbm4b:s3+s8], $0x800, s9, s8, $0x38;
	[tilespmem:$0x12200] =	vst v63  }
0x6b: {  	s4 =	spop (v2sf)  }
0x6c: {  	[tilespmem:s5], [sflag:$0x2] =	stream.strided.gather [hbm4b:s4+s8], $0x800, s9, s8, $0x38;
	[tilespmem:$0x12200] =	vst v63  }
0x6d: {  	s17 =	spop (v2sf)  }
0x6e: {  	[tilespmem:s31], [sflag:$0x2] =	stream.strided.gather [hbm4b:s17+s8], $0x800, s9, s8, $0x38;
	[tilespmem:$0x12200] =	vst v63  }
0x6f: {  	s18 =	spop (v2sf)  }
0x70: {  	[tilespmem:s6], [sflag:$0x2] =	stream.strided.gather [hbm4b:s18+s8], $0x800, s9, s8, $0x38;
	[tilespmem:$0x12200] =	vst v63  }
0x71: {  	s19 =	spop (v2sf)  }
0x72: {  	[tilespmem:s7], [sflag:$0x2] =	stream.strided.gather [hbm4b:s19+s8], $0x800, s9, s8, $0x38;
	[tilespmem:$0x12200] =	vst v63  }
0x73: {  	s28 =	spop (v2sf)  }
0x74: {  	[tilespmem:s1], [sflag:$0x2] =	stream.strided.gather [hbm4b:s28+s8], $0x800, s9, s8, $0x38;
	[tilespmem:$0x12200] =	vst v63  }
0x75: {  	s29 =	spop (v2sf)  }
0x76: {  	[tilespmem:s10], [sflag:$0x2] =	stream.strided.gather [hbm4b:s29+s8], $0x800, s9, s8, $0x38;
	[tilespmem:$0x12200] =	vst v63  }
0x77: {  	s30 =	spop (v2sf)  }
0x78: {  	[tilespmem:s11], [sflag:$0x2] =	stream.strided.gather [hbm4b:s30+s8], $0x800, s9, s8, $0x38;
	[tilespmem:$0x12200] =	vst v63  }
0x79: {  	s16 =	simm.s32 $0x1F;
	s17 =	simm.s32 $0x20;
	s31 =	spop (v2sf)  }
0x7a: {  	[tilespmem:s12], [sflag:$0x2] =	stream.strided.gather [hbm4b:s31+s8], $0x800, s9, s8, $0x38;
	[tilespmem:$0x12200] =	vst v63  }
.LBB2_2:
0x7b: {  	_ =	swait.ge [sflag:s13], $0x800  }
0x7c: {  	[sflag:s13] =	ssyncset.done $0x0  }
0x7d: {  	[sflag:s13] =	ssyncadd.s32 $0xFFFFF800  }
0x7e: {  	_ =	swait.ge [sflag:s13], $0x800  }
0x7f: {  	[sflag:s13] =	ssyncset.done $0x0  }
0x80: {  	[sflag:s13] =	ssyncadd.s32 $0xFFFFF800  }
0x81: {  	_ =	swait.ge [sflag:s13], $0x800  }
0x82: {  	[sflag:s13] =	ssyncset.done $0x0  }
0x83: {  	[sflag:s13] =	ssyncadd.s32 $0xFFFFF800  }
0x84: {  	_ =	swait.ge [sflag:s13], $0x800  }
0x85: {  	[sflag:s13] =	ssyncset.done $0x0  }
0x86: {  	[sflag:s13] =	ssyncadd.s32 $0xFFFFF800  }
0x87: {  	_ =	swait.ge [sflag:s13], $0x800  }
0x88: {  	[sflag:s13] =	ssyncset.done $0x0  }
0x89: {  	[sflag:s13] =	ssyncadd.s32 $0xFFFFF800  }
0x8a: {  	_ =	swait.ge [sflag:s13], $0x800  }
0x8b: {  	[sflag:s13] =	ssyncset.done $0x0  }
0x8c: {  	[sflag:s13] =	ssyncadd.s32 $0xFFFFF800  }
0x8d: {  	_ =	swait.ge [sflag:s13], $0x800  }
0x8e: {  	[sflag:s13] =	ssyncset.done $0x0  }
0x8f: {  	[sflag:s13] =	ssyncadd.s32 $0xFFFFF800  }
0x90: {  	_ =	swait.ge [sflag:s13], $0x800  }
0x91: {  	[sflag:s13] =	ssyncset.done $0x0  }
0x92: {  	[sflag:s13] =	ssyncadd.s32 $0xFFFFF800  }
0x93: {  	_ =	swait.ge [sflag:s13], $0x800  }
0x94: {  	[sflag:s13] =	ssyncset.done $0x0  }
0x95: {  	[sflag:s13] =	ssyncadd.s32 $0xFFFFF800  }
0x96: {  	_ =	swait.ge [sflag:s13], $0x800  }
0x97: {  	[sflag:s13] =	ssyncset.done $0x0  }
0x98: {  	[sflag:s13] =	ssyncadd.s32 $0xFFFFF800  }
0x99: {  	_ =	swait.ge [sflag:s13], $0x800  }
0x9a: {  	[sflag:s13] =	ssyncset.done $0x0  }
0x9b: {  	[sflag:s13] =	ssyncadd.s32 $0xFFFFF800  }
0x9c: {  	_ =	swait.ge [sflag:s13], $0x800  }
0x9d: {  	[sflag:s13] =	ssyncset.done $0x0  }
0x9e: {  	[sflag:s13] =	ssyncadd.s32 $0xFFFFF800  }
0x9f: {  	_ =	swait.ge [sflag:s13], $0x800  }
0xa0: {  	[sflag:s13] =	ssyncset.done $0x0  }
0xa1: {  	[sflag:s13] =	ssyncadd.s32 $0xFFFFF800  }
0xa2: {  	_ =	swait.ge [sflag:s13], $0x800  }
0xa3: {  	[sflag:s13] =	ssyncset.done $0x0  }
0xa4: {  	[sflag:s13] =	ssyncadd.s32 $0xFFFFF800  }
0xa5: {  	_ =	swait.ge [sflag:s13], $0x800  }
0xa6: {  	[sflag:s13] =	ssyncset.done $0x0  }
0xa7: {  	[sflag:s13] =	ssyncadd.s32 $0xFFFFF800  }
0xa8: {  	_ =	swait.ge [sflag:s13], $0x800  }
0xa9: {  	[sflag:s13] =	ssyncset.done $0x0  }
0xaa: {  	[sflag:s13] =	ssyncadd.s32 $0xFFFFF800  }
0xab: {  	v2 =	vld [tilespmem:s17+$0xFFFFFFE0];
	_ =	sdelay $0x4  }
0xac: {  	v2 =	vand.u32 $0x7F, v2  }
0xad: {  	v3 =	vbroadcast v2, $0x0;
	_ =	sdelay $0x1  }
0xae: {  	s18 =	sadd.s32 $0xFFFFFFE1, s16;
	v3 =	vor.u32 v0, v3  }
0xaf: {  	v4 =	vmov s18  }
0xb0: {  	v5 =	vshll.u32 v4, $0x3  }
0xb1: {  	v4 =	vand.u32 $0x60, v4;
	v5 =	vand.u32 $0xC00, v5  }
0xb2: {  	s11 =	simm.s32 $0x200;
	v4 =	vor.u32 v5, v4;
	v22 =	vbroadcast v2, $0x1  }
0xb3: {  	v4 =	vor.u32 v1, v4;
	v3 =	vld.idx.msk [tilespmem:v3+s11+$0x0], $0xffff  }
0xb4: {  	s12 =	sadd.s32 $0xFFFFFFE2, s16;
	v5 =	vor.u32 v0, v22  }
0xb5: {  	v6 =	vmov s12  }
0xb6: {  	v7 =	vshll.u32 v6, $0x3  }
0xb7: {  	v6 =	vand.u32 $0x61, v6;
	v7 =	vand.u32 $0xC00, v7  }
0xb8: {  	s0 =	simm.s32 $0xA00;
	v23 =	vbroadcast v2, $0x2;
	[tilespmem:v4+s14+$0x0] =	vst.idx.msk $0xffff, v3;
	v3 =	vor.u32 v7, v6  }
0xb9: {  	v5 =	vld.idx.msk [tilespmem:v5+s0+$0x0], $0xffff;
	v3 =	vor.u32 v1, v3  }
0xba: {  	s19 =	sadd.s32 $0xFFFFFFE3, s16;
	v4 =	vor.u32 v0, v23  }
0xbb: {  	v24 =	vmov s19  }
0xbc: {  	v25 =	vshll.u32 v24, $0x3  }
0xbd: {  	v6 =	vand.u32 $0x62, v24;
	v7 =	vand.u32 $0xC00, v25  }
0xbe: {  	s28 =	simm.s32 $0x1200;
	v26 =	vbroadcast v2, $0x3;
	[tilespmem:v3+s14+$0x0] =	vst.idx.msk $0xffff, v5;
	v3 =	vor.u32 v7, v6  }
0xbf: {  	v4 =	vld.idx.msk [tilespmem:v4+s28+$0x0], $0xffff;
	v3 =	vor.u32 v1, v3  }
0xc0: {  	s29 =	sadd.s32 $0xFFFFFFE4, s16;
	v5 =	vor.u32 v0, v26  }
0xc1: {  	v27 =	vmov s29  }
0xc2: {  	v28 =	vshll.u32 v27, $0x3  }
0xc3: {  	v6 =	vand.u32 $0x63, v27;
	v7 =	vand.u32 $0xC00, v28  }
0xc4: {  	v29 =	vbroadcast v2, $0x4;
	[tilespmem:v3+s14+$0x0] =	vst.idx.msk $0xffff, v4;
	v3 =	vor.u32 v7, v6  }
0xc5: {  	v5 =	vld.idx.msk [tilespmem:v5+s20+$0x0], $0xffff;
	v3 =	vor.u32 v1, v3  }
0xc6: {  	s30 =	sadd.s32 $0xFFFFFFE5, s16;
	v4 =	vor.u32 v0, v29  }
0xc7: {  	v30 =	vmov s30  }
0xc8: {  	v31 =	vshll.u32 v30, $0x3  }
0xc9: {  	v6 =	vand.u32 $0x64, v30;
	v7 =	vand.u32 $0xC00, v31  }
0xca: {  	s31 =	simm.s32 $0x2200;
	v32 =	vbroadcast v2, $0x5;
	[tilespmem:v3+s14+$0x0] =	vst.idx.msk $0xffff, v5;
	v3 =	vor.u32 v7, v6  }
0xcb: {  	v4 =	vld.idx.msk [tilespmem:v4+s31+$0x0], $0xffff;
	v3 =	vor.u32 v1, v3  }
0xcc: {  	s0 =	sadd.s32 $0xFFFFFFE6, s16;
	v5 =	vor.u32 v0, v32  }
0xcd: {  	v33 =	vmov s0  }
0xce: {  	v34 =	vshll.u32 v33, $0x3  }
0xcf: {  	v6 =	vand.u32 $0x65, v33;
	v7 =	vand.u32 $0xC00, v34  }
0xd0: {  	v35 =	vbroadcast v2, $0x6;
	[tilespmem:v3+s14+$0x0] =	vst.idx.msk $0xffff, v4;
	v3 =	vor.u32 v7, v6  }
0xd1: {  	v5 =	vld.idx.msk [tilespmem:v5+s21+$0x0], $0xffff;
	v3 =	vor.u32 v1, v3  }
0xd2: {  	s1 =	sadd.s32 $0xFFFFFFE7, s16;
	v4 =	vor.u32 v0, v35  }
0xd3: {  	v36 =	vmov s1  }
0xd4: {  	v37 =	vshll.u32 v36, $0x3  }
0xd5: {  	v6 =	vand.u32 $0x66, v36;
	v7 =	vand.u32 $0xC00, v37  }
0xd6: {  	s2 =	simm.s32 $0x3200;
	v38 =	vbroadcast v2, $0x7;
	[tilespmem:v3+s14+$0x0] =	vst.idx.msk $0xffff, v5;
	v3 =	vor.u32 v7, v6  }
0xd7: {  	v4 =	vld.idx.msk [tilespmem:v4+s2+$0x0], $0xffff;
	v3 =	vor.u32 v1, v3  }
0xd8: {  	s3 =	sadd.s32 $0xFFFFFFE8, s16;
	v5 =	vor.u32 v0, v38  }
0xd9: {  	v39 =	vmov s3  }
0xda: {  	v40 =	vshll.u32 v39, $0x3  }
0xdb: {  	v6 =	vand.u32 $0x67, v39;
	v7 =	vand.u32 $0xC00, v40  }
0xdc: {  	v41 =	vbroadcast v2, $0x8;
	[tilespmem:v3+s14+$0x0] =	vst.idx.msk $0xffff, v4;
	v3 =	vor.u32 v7, v6  }
0xdd: {  	v5 =	vld.idx.msk [tilespmem:v5+s22+$0x0], $0xffff;
	v3 =	vor.u32 v1, v3  }
0xde: {  	s4 =	sadd.s32 $0xFFFFFFE9, s16;
	v4 =	vor.u32 v0, v41  }
0xdf: {  	v42 =	vmov s4  }
0xe0: {  	v43 =	vshll.u32 v42, $0x3  }
0xe1: {  	v6 =	vand.u32 $0x68, v42;
	v7 =	vand.u32 $0xC00, v43  }
0xe2: {  	s5 =	simm.s32 $0x4200;
	v44 =	vbroadcast v2, $0x9;
	[tilespmem:v3+s14+$0x0] =	vst.idx.msk $0xffff, v5;
	v3 =	vor.u32 v7, v6  }
0xe3: {  	v4 =	vld.idx.msk [tilespmem:v4+s5+$0x0], $0xffff;
	v3 =	vor.u32 v1, v3  }
0xe4: {  	s6 =	sadd.s32 $0xFFFFFFEA, s16;
	v5 =	vor.u32 v0, v44  }
0xe5: {  	v45 =	vmov s6  }
0xe6: {  	v46 =	vshll.u32 v45, $0x3  }
0xe7: {  	v6 =	vand.u32 $0x69, v45;
	v7 =	vand.u32 $0xC00, v46  }
0xe8: {  	v47 =	vbroadcast v2, $0xA;
	[tilespmem:v3+s14+$0x0] =	vst.idx.msk $0xffff, v4;
	v3 =	vor.u32 v7, v6  }
0xe9: {  	v5 =	vld.idx.msk [tilespmem:v5+s23+$0x0], $0xffff;
	v3 =	vor.u32 v1, v3  }
0xea: {  	s7 =	sadd.s32 $0xFFFFFFEB, s16;
	v4 =	vor.u32 v0, v47  }
0xeb: {  	v48 =	vmov s7  }
0xec: {  	v49 =	vshll.u32 v48, $0x3  }
0xed: {  	v6 =	vand.u32 $0x6A, v48;
	v7 =	vand.u32 $0xC00, v49  }
0xee: {  	s10 =	simm.s32 $0x5200;
	v50 =	vbroadcast v2, $0xB;
	[tilespmem:v3+s14+$0x0] =	vst.idx.msk $0xffff, v5;
	v3 =	vor.u32 v7, v6  }
0xef: {  	v4 =	vld.idx.msk [tilespmem:v4+s10+$0x0], $0xffff;
	v3 =	vor.u32 v1, v3  }
0xf0: {  	s11 =	sadd.s32 $0xFFFFFFEC, s16;
	v5 =	vor.u32 v0, v50  }
0xf1: {  	v51 =	vmov s11  }
0xf2: {  	v52 =	vshll.u32 v51, $0x3  }
0xf3: {  	v6 =	vand.u32 $0x6B, v51;
	v7 =	vand.u32 $0xC00, v52  }
0xf4: {  	v53 =	vbroadcast v2, $0xC;
	[tilespmem:v3+s14+$0x0] =	vst.idx.msk $0xffff, v4;
	v3 =	vor.u32 v7, v6  }
0xf5: {  	v5 =	vld.idx.msk [tilespmem:v5+s24+$0x0], $0xffff;
	v3 =	vor.u32 v1, v3  }
0xf6: {  	s12 =	sadd.s32 $0xFFFFFFED, s16;
	v4 =	vor.u32 v0, v53  }
0xf7: {  	v54 =	vmov s12  }
0xf8: {  	v55 =	vshll.u32 v54, $0x3  }
0xf9: {  	v6 =	vand.u32 $0x6C, v54;
	v7 =	vand.u32 $0xC00, v55  }
0xfa: {  	s19 =	simm.s32 $0x6200;
	v56 =	vbroadcast v2, $0xD;
	[tilespmem:v3+s14+$0x0] =	vst.idx.msk $0xffff, v5;
	v3 =	vor.u32 v7, v6  }
0xfb: {  	v4 =	vld.idx.msk [tilespmem:v4+s19+$0x0], $0xffff;
	v3 =	vor.u32 v1, v3  }
0xfc: {  	s28 =	sadd.s32 $0xFFFFFFEE, s16;
	v5 =	vor.u32 v0, v56  }
0xfd: {  	v57 =	vmov s28  }
0xfe: {  	v58 =	vshll.u32 v57, $0x3  }
0xff: {  	v6 =	vand.u32 $0x6D, v57;
	v7 =	vand.u32 $0xC00, v58  }
0x100: {  	v59 =	vbroadcast v2, $0xE;
	[tilespmem:v3+s14+$0x0] =	vst.idx.msk $0xffff, v4;
	v3 =	vor.u32 v7, v6  }
0x101: {  	v5 =	vld.idx.msk [tilespmem:v5+s25+$0x0], $0xffff;
	v3 =	vor.u32 v1, v3  }
0x102: {  	s29 =	sadd.s32 $0xFFFFFFEF, s16;
	v4 =	vor.u32 v0, v59  }
0x103: {  	v60 =	vmov s29  }
0x104: {  	v61 =	vshll.u32 v60, $0x3  }
0x105: {  	v6 =	vand.u32 $0x6E, v60;
	v7 =	vand.u32 $0xC00, v61  }
0x106: {  	s30 =	simm.s32 $0x7200;
	v2 =	vbroadcast v2, $0xF;
	[tilespmem:v3+s14+$0x0] =	vst.idx.msk $0xffff, v5;
	v3 =	vor.u32 v7, v6  }
0x107: {  	v4 =	vld.idx.msk [tilespmem:v4+s30+$0x0], $0xffff;
	v3 =	vor.u32 v1, v3  }
0x108: {  	v2 =	vor.u32 v0, v2;
	s31 =	sadd.s32 $0xFFFFFFF0, s16  }
0x109: {  	v62 =	vmov s31  }
0x10a: {  	v63 =	vshll.u32 v62, $0x3  }
0x10b: {  	v5 =	vand.u32 $0x6F, v62;
	v6 =	vand.u32 $0xC00, v63  }
0x10c: {  	[tilespmem:v3+s14+$0x0] =	vst.idx.msk $0xffff, v4;
	v3 =	vor.u32 v6, v5  }
0x10d: {  	p0 =	seq.s32 s16, $0x1FF;
	v2 =	vld.idx.msk [tilespmem:v2+s26+$0x0], $0xffff;
	v3 =	vor.u32 v1, v3  }
.Ltmp2:
0x10e: {  	_ = 	snop;
	(pc) =	sbr.rel @p0 .LBB2_4-.Ltmp2, $2  }
0x10f: {  	_ =	sdelay $0x2  }
0x110: {  	[tilespmem:v3+s14+$0x0] =	vst.idx.msk $0xffff, v2  }
0x111: {  	v2 =	vld [tilespmem:s17+$0x0];
	_ =	sdelay $0x4  }
0x112: {  	s18 =	rddreg [dreg:$0x0];
	v2 =	vand.u32 $0xFFFFFF80, v2  }
0x113: {  	v2 =	vadd.s32 s18, v2  }
0x114: {  	(v2sf) =	vpush v2, $0x0;
	_ =	sdelay $0x1  }
0x115: {  	(v2sf) =	vpush v2, $0x1;
	_ =	sdelay $0x1  }
0x116: {  	(v2sf) =	vpush v2, $0x2;
	_ =	sdelay $0x1  }
0x117: {  	(v2sf) =	vpush v2, $0x3;
	_ =	sdelay $0x1  }
0x118: {  	(v2sf) =	vpush v2, $0x4;
	_ =	sdelay $0x1  }
0x119: {  	(v2sf) =	vpush v2, $0x5;
	_ =	sdelay $0x1  }
0x11a: {  	(v2sf) =	vpush v2, $0x6;
	_ =	sdelay $0x1  }
0x11b: {  	(v2sf) =	vpush v2, $0x7  }
0x11c: {  	s19 =	simm.s32 $0x200;
	s3 =	spop (v2sf)  }
0x11d: {  	(v2sf) =	vpush v2, $0x8;
	[tilespmem:s19], [sflag:$0x1] =	stream.strided.gather [hbm4b:s3+s8], $0x800, s9, s8, $0x38;
	[tilespmem:$0x12200] =	vst v63  }
0x11e: {  	s0 =	simm.s32 $0xA00;
	s4 =	spop (v2sf)  }
0x11f: {  	(v2sf) =	vpush v2, $0x9;
	[tilespmem:s0], [sflag:$0x1] =	stream.strided.gather [hbm4b:s4+s8], $0x800, s9, s8, $0x38;
	[tilespmem:$0x12200] =	vst v63  }
0x120: {  	s20 =	simm.s32 $0x1200;
	s5 =	spop (v2sf)  }
0x121: {  	(v2sf) =	vpush v2, $0xA;
	[tilespmem:s20], [sflag:$0x1] =	stream.strided.gather [hbm4b:s5+s8], $0x800, s9, s8, $0x38;
	[tilespmem:$0x12200] =	vst v63  }
0x122: {  	s6 =	spop (v2sf);
	s20 =	simm.s32 $0x1A00  }
0x123: {  	(v2sf) =	vpush v2, $0xB;
	[tilespmem:s20], [sflag:$0x1] =	stream.strided.gather [hbm4b:s6+s8], $0x800, s9, s8, $0x38;
	[tilespmem:$0x12200] =	vst v63  }
0x124: {  	s21 =	simm.s32 $0x2200;
	s7 =	spop (v2sf)  }
0x125: {  	(v2sf) =	vpush v2, $0xC;
	[tilespmem:s21], [sflag:$0x1] =	stream.strided.gather [hbm4b:s7+s8], $0x800, s9, s8, $0x38;
	[tilespmem:$0x12200] =	vst v63  }
0x126: {  	s10 =	spop (v2sf);
	s21 =	simm.s32 $0x2A00  }
0x127: {  	(v2sf) =	vpush v2, $0xD;
	[tilespmem:s21], [sflag:$0x1] =	stream.strided.gather [hbm4b:s10+s8], $0x800, s9, s8, $0x38;
	[tilespmem:$0x12200] =	vst v63  }
0x128: {  	s22 =	simm.s32 $0x3200;
	s11 =	spop (v2sf)  }
0x129: {  	(v2sf) =	vpush v2, $0xE;
	[tilespmem:s22], [sflag:$0x1] =	stream.strided.gather [hbm4b:s11+s8], $0x800, s9, s8, $0x38;
	[tilespmem:$0x12200] =	vst v63  }
0x12a: {  	s12 =	spop (v2sf);
	s22 =	simm.s32 $0x3A00  }
0x12b: {  	(v2sf) =	vpush v2, $0xF;
	[tilespmem:s22], [sflag:$0x1] =	stream.strided.gather [hbm4b:s12+s8], $0x800, s9, s8, $0x38;
	[tilespmem:$0x12200] =	vst v63  }
0x12c: {  	s23 =	simm.s32 $0x4200;
	s19 =	spop (v2sf)  }
0x12d: {  	[tilespmem:s23], [sflag:$0x1] =	stream.strided.gather [hbm4b:s19+s8], $0x800, s9, s8, $0x38;
	[tilespmem:$0x12200] =	vst v63  }
0x12e: {  	s24 =	spop (v2sf);
	s23 =	simm.s32 $0x4A00  }
0x12f: {  	[tilespmem:s23], [sflag:$0x1] =	stream.strided.gather [hbm4b:s24+s8], $0x800, s9, s8, $0x38;
	[tilespmem:$0x12200] =	vst v63  }
0x130: {  	s25 =	spop (v2sf);
	s24 =	simm.s32 $0x5200  }
0x131: {  	[tilespmem:s24], [sflag:$0x1] =	stream.strided.gather [hbm4b:s25+s8], $0x800, s9, s8, $0x38;
	[tilespmem:$0x12200] =	vst v63  }
0x132: {  	s26 =	spop (v2sf);
	s24 =	simm.s32 $0x5A00  }
0x133: {  	[tilespmem:s24], [sflag:$0x1] =	stream.strided.gather [hbm4b:s26+s8], $0x800, s9, s8, $0x38;
	[tilespmem:$0x12200] =	vst v63  }
0x134: {  	s28 =	spop (v2sf);
	s25 =	simm.s32 $0x6200  }
0x135: {  	[tilespmem:s25], [sflag:$0x1] =	stream.strided.gather [hbm4b:s28+s8], $0x800, s9, s8, $0x38;
	[tilespmem:$0x12200] =	vst v63  }
0x136: {  	s29 =	spop (v2sf);
	s25 =	simm.s32 $0x6A00  }
0x137: {  	[tilespmem:s25], [sflag:$0x1] =	stream.strided.gather [hbm4b:s29+s8], $0x800, s9, s8, $0x38;
	[tilespmem:$0x12200] =	vst v63  }
0x138: {  	s30 =	spop (v2sf);
	s26 =	simm.s32 $0x7200  }
0x139: {  	[tilespmem:s26], [sflag:$0x1] =	stream.strided.gather [hbm4b:s30+s8], $0x800, s9, s8, $0x38;
	[tilespmem:$0x12200] =	vst v63  }
0x13a: {  	s31 =	spop (v2sf);
	s26 =	simm.s32 $0x7A00  }
0x13b: {  	[tilespmem:s26], [sflag:$0x1] =	stream.strided.gather [hbm4b:s31+s8], $0x800, s9, s8, $0x38;
	[tilespmem:$0x12200] =	vst v63  }
.LBB2_4:
0x13c: {  	_ =	swait.ge [sflag:s15], $0x800  }
0x13d: {  	[sflag:s15] =	ssyncset.done $0x0  }
0x13e: {  	[sflag:s15] =	ssyncadd.s32 $0xFFFFF800  }
0x13f: {  	_ =	swait.ge [sflag:s15], $0x800  }
0x140: {  	[sflag:s15] =	ssyncset.done $0x0  }
0x141: {  	[sflag:s15] =	ssyncadd.s32 $0xFFFFF800  }
0x142: {  	_ =	swait.ge [sflag:s15], $0x800  }
0x143: {  	[sflag:s15] =	ssyncset.done $0x0  }
0x144: {  	[sflag:s15] =	ssyncadd.s32 $0xFFFFF800  }
0x145: {  	_ =	swait.ge [sflag:s15], $0x800  }
0x146: {  	[sflag:s15] =	ssyncset.done $0x0  }
0x147: {  	[sflag:s15] =	ssyncadd.s32 $0xFFFFF800  }
0x148: {  	_ =	swait.ge [sflag:s15], $0x800  }
0x149: {  	[sflag:s15] =	ssyncset.done $0x0  }
0x14a: {  	[sflag:s15] =	ssyncadd.s32 $0xFFFFF800  }
0x14b: {  	_ =	swait.ge [sflag:s15], $0x800  }
0x14c: {  	[sflag:s15] =	ssyncset.done $0x0  }
0x14d: {  	[sflag:s15] =	ssyncadd.s32 $0xFFFFF800  }
0x14e: {  	_ =	swait.ge [sflag:s15], $0x800  }
0x14f: {  	[sflag:s15] =	ssyncset.done $0x0  }
0x150: {  	[sflag:s15] =	ssyncadd.s32 $0xFFFFF800  }
0x151: {  	_ =	swait.ge [sflag:s15], $0x800  }
0x152: {  	[sflag:s15] =	ssyncset.done $0x0  }
0x153: {  	[sflag:s15] =	ssyncadd.s32 $0xFFFFF800  }
0x154: {  	_ =	swait.ge [sflag:s15], $0x800  }
0x155: {  	[sflag:s15] =	ssyncset.done $0x0  }
0x156: {  	[sflag:s15] =	ssyncadd.s32 $0xFFFFF800  }
0x157: {  	_ =	swait.ge [sflag:s15], $0x800  }
0x158: {  	[sflag:s15] =	ssyncset.done $0x0  }
0x159: {  	[sflag:s15] =	ssyncadd.s32 $0xFFFFF800  }
0x15a: {  	_ =	swait.ge [sflag:s15], $0x800  }
0x15b: {  	[sflag:s15] =	ssyncset.done $0x0  }
0x15c: {  	[sflag:s15] =	ssyncadd.s32 $0xFFFFF800  }
0x15d: {  	_ =	swait.ge [sflag:s15], $0x800  }
0x15e: {  	[sflag:s15] =	ssyncset.done $0x0  }
0x15f: {  	[sflag:s15] =	ssyncadd.s32 $0xFFFFF800  }
0x160: {  	_ =	swait.ge [sflag:s15], $0x800  }
0x161: {  	[sflag:s15] =	ssyncset.done $0x0  }
0x162: {  	[sflag:s15] =	ssyncadd.s32 $0xFFFFF800  }
0x163: {  	_ =	swait.ge [sflag:s15], $0x800  }
0x164: {  	[sflag:s15] =	ssyncset.done $0x0  }
0x165: {  	[sflag:s15] =	ssyncadd.s32 $0xFFFFF800  }
0x166: {  	_ =	swait.ge [sflag:s15], $0x800  }
0x167: {  	[sflag:s15] =	ssyncset.done $0x0  }
0x168: {  	[sflag:s15] =	ssyncadd.s32 $0xFFFFF800  }
0x169: {  	_ =	swait.ge [sflag:s15], $0x800  }
0x16a: {  	[sflag:s15] =	ssyncset.done $0x0  }
0x16b: {  	[sflag:s15] =	ssyncadd.s32 $0xFFFFF800  }
0x16c: {  	v2 =	vld [tilespmem:s17+$0xFFFFFFF0];
	_ =	sdelay $0x4  }
0x16d: {  	v2 =	vand.u32 $0x7F, v2  }
0x16e: {  	v3 =	vbroadcast v2, $0x0;
	_ =	sdelay $0x1  }
0x16f: {  	s18 =	sadd.s32 $0xFFFFFFF1, s16;
	v3 =	vor.u32 v0, v3  }
0x170: {  	v4 =	vmov s18  }
0x171: {  	v5 =	vshll.u32 v4, $0x3  }
0x172: {  	v4 =	vand.u32 $0x70, v4;
	v5 =	vand.u32 $0xC00, v5  }
0x173: {  	s28 =	simm.s32 $0x8200;
	v4 =	vor.u32 v5, v4;
	v22 =	vbroadcast v2, $0x1  }
0x174: {  	v4 =	vor.u32 v1, v4;
	v3 =	vld.idx.msk [tilespmem:v3+s28+$0x0], $0xffff  }
0x175: {  	s12 =	sadd.s32 $0xFFFFFFF2, s16;
	v5 =	vor.u32 v0, v22  }
0x176: {  	v6 =	vmov s12  }
0x177: {  	v7 =	vshll.u32 v6, $0x3  }
0x178: {  	v6 =	vand.u32 $0x71, v6;
	v7 =	vand.u32 $0xC00, v7  }
0x179: {  	s29 =	simm.s32 $0x8A00;
	v23 =	vbroadcast v2, $0x2;
	[tilespmem:v4+s14+$0x0] =	vst.idx.msk $0xffff, v3;
	v3 =	vor.u32 v7, v6  }
0x17a: {  	v5 =	vld.idx.msk [tilespmem:v5+s29+$0x0], $0xffff;
	v3 =	vor.u32 v1, v3  }
0x17b: {  	s19 =	sadd.s32 $0xFFFFFFF3, s16;
	v4 =	vor.u32 v0, v23  }
0x17c: {  	v24 =	vmov s19  }
0x17d: {  	v25 =	vshll.u32 v24, $0x3  }
0x17e: {  	v6 =	vand.u32 $0x72, v24;
	v7 =	vand.u32 $0xC00, v25  }
0x17f: {  	s30 =	simm.s32 $0x9200;
	v26 =	vbroadcast v2, $0x3;
	[tilespmem:v3+s14+$0x0] =	vst.idx.msk $0xffff, v5;
	v3 =	vor.u32 v7, v6  }
0x180: {  	v4 =	vld.idx.msk [tilespmem:v4+s30+$0x0], $0xffff;
	v3 =	vor.u32 v1, v3  }
0x181: {  	s0 =	sadd.s32 $0xFFFFFFF4, s16;
	v5 =	vor.u32 v0, v26  }
0x182: {  	v27 =	vmov s0  }
0x183: {  	v28 =	vshll.u32 v27, $0x3  }
0x184: {  	v6 =	vand.u32 $0x73, v27;
	v7 =	vand.u32 $0xC00, v28  }
0x185: {  	s31 =	simm.s32 $0x9A00;
	v29 =	vbroadcast v2, $0x4;
	[tilespmem:v3+s14+$0x0] =	vst.idx.msk $0xffff, v4;
	v3 =	vor.u32 v7, v6  }
0x186: {  	v5 =	vld.idx.msk [tilespmem:v5+s31+$0x0], $0xffff;
	v3 =	vor.u32 v1, v3  }
0x187: {  	s1 =	sadd.s32 $0xFFFFFFF5, s16;
	v4 =	vor.u32 v0, v29  }
0x188: {  	v30 =	vmov s1  }
0x189: {  	v31 =	vshll.u32 v30, $0x3  }
0x18a: {  	v6 =	vand.u32 $0x74, v30;
	v7 =	vand.u32 $0xC00, v31  }
0x18b: {  	s0 =	simm.s32 $0xA200;
	v32 =	vbroadcast v2, $0x5;
	[tilespmem:v3+s14+$0x0] =	vst.idx.msk $0xffff, v5;
	v3 =	vor.u32 v7, v6  }
0x18c: {  	v4 =	vld.idx.msk [tilespmem:v4+s0+$0x0], $0xffff;
	v3 =	vor.u32 v1, v3  }
0x18d: {  	s2 =	sadd.s32 $0xFFFFFFF6, s16;
	v5 =	vor.u32 v0, v32  }
0x18e: {  	v33 =	vmov s2  }
0x18f: {  	v34 =	vshll.u32 v33, $0x3  }
0x190: {  	v6 =	vand.u32 $0x75, v33;
	v7 =	vand.u32 $0xC00, v34  }
0x191: {  	s2 =	simm.s32 $0xAA00;
	v35 =	vbroadcast v2, $0x6;
	[tilespmem:v3+s14+$0x0] =	vst.idx.msk $0xffff, v4;
	v3 =	vor.u32 v7, v6  }
0x192: {  	v5 =	vld.idx.msk [tilespmem:v5+s2+$0x0], $0xffff;
	v3 =	vor.u32 v1, v3  }
0x193: {  	s3 =	sadd.s32 $0xFFFFFFF7, s16;
	v4 =	vor.u32 v0, v35  }
0x194: {  	v36 =	vmov s3  }
0x195: {  	v37 =	vshll.u32 v36, $0x3  }
0x196: {  	v6 =	vand.u32 $0x76, v36;
	v7 =	vand.u32 $0xC00, v37  }
0x197: {  	s3 =	simm.s32 $0xB200;
	v38 =	vbroadcast v2, $0x7;
	[tilespmem:v3+s14+$0x0] =	vst.idx.msk $0xffff, v5;
	v3 =	vor.u32 v7, v6  }
0x198: {  	v4 =	vld.idx.msk [tilespmem:v4+s3+$0x0], $0xffff;
	v3 =	vor.u32 v1, v3  }
0x199: {  	s4 =	sadd.s32 $0xFFFFFFF8, s16;
	v5 =	vor.u32 v0, v38  }
0x19a: {  	v39 =	vmov s4  }
0x19b: {  	v40 =	vshll.u32 v39, $0x3  }
0x19c: {  	v6 =	vand.u32 $0x77, v39;
	v7 =	vand.u32 $0xC00, v40  }
0x19d: {  	s4 =	simm.s32 $0xBA00;
	v41 =	vbroadcast v2, $0x8;
	[tilespmem:v3+s14+$0x0] =	vst.idx.msk $0xffff, v4;
	v3 =	vor.u32 v7, v6  }
0x19e: {  	v5 =	vld.idx.msk [tilespmem:v5+s4+$0x0], $0xffff;
	v3 =	vor.u32 v1, v3  }
0x19f: {  	s5 =	sadd.s32 $0xFFFFFFF9, s16;
	v4 =	vor.u32 v0, v41  }
0x1a0: {  	v42 =	vmov s5  }
0x1a1: {  	v43 =	vshll.u32 v42, $0x3  }
0x1a2: {  	v6 =	vand.u32 $0x78, v42;
	v7 =	vand.u32 $0xC00, v43  }
0x1a3: {  	s5 =	simm.s32 $0xC200;
	v44 =	vbroadcast v2, $0x9;
	[tilespmem:v3+s14+$0x0] =	vst.idx.msk $0xffff, v5;
	v3 =	vor.u32 v7, v6  }
0x1a4: {  	v4 =	vld.idx.msk [tilespmem:v4+s5+$0x0], $0xffff;
	v3 =	vor.u32 v1, v3  }
0x1a5: {  	s6 =	sadd.s32 $0xFFFFFFFA, s16;
	v5 =	vor.u32 v0, v44  }
0x1a6: {  	v45 =	vmov s6  }
0x1a7: {  	v46 =	vshll.u32 v45, $0x3  }
0x1a8: {  	v6 =	vand.u32 $0x79, v45;
	v7 =	vand.u32 $0xC00, v46  }
0x1a9: {  	s6 =	simm.s32 $0xCA00;
	v47 =	vbroadcast v2, $0xA;
	[tilespmem:v3+s14+$0x0] =	vst.idx.msk $0xffff, v4;
	v3 =	vor.u32 v7, v6  }
0x1aa: {  	v5 =	vld.idx.msk [tilespmem:v5+s6+$0x0], $0xffff;
	v3 =	vor.u32 v1, v3  }
0x1ab: {  	s7 =	sadd.s32 $0xFFFFFFFB, s16;
	v4 =	vor.u32 v0, v47  }
0x1ac: {  	v48 =	vmov s7  }
0x1ad: {  	v49 =	vshll.u32 v48, $0x3  }
0x1ae: {  	v6 =	vand.u32 $0x7A, v48;
	v7 =	vand.u32 $0xC00, v49  }
0x1af: {  	s7 =	simm.s32 $0xD200;
	v50 =	vbroadcast v2, $0xB;
	[tilespmem:v3+s14+$0x0] =	vst.idx.msk $0xffff, v5;
	v3 =	vor.u32 v7, v6  }
0x1b0: {  	v4 =	vld.idx.msk [tilespmem:v4+s7+$0x0], $0xffff;
	v3 =	vor.u32 v1, v3  }
0x1b1: {  	s10 =	sadd.s32 $0xFFFFFFFC, s16;
	v5 =	vor.u32 v0, v50  }
0x1b2: {  	v51 =	vmov s10  }
0x1b3: {  	v52 =	vshll.u32 v51, $0x3  }
0x1b4: {  	v6 =	vand.u32 $0x7B, v51;
	v7 =	vand.u32 $0xC00, v52  }
0x1b5: {  	s1 =	simm.s32 $0xDA00;
	v53 =	vbroadcast v2, $0xC;
	[tilespmem:v3+s14+$0x0] =	vst.idx.msk $0xffff, v4;
	v3 =	vor.u32 v7, v6  }
0x1b6: {  	v5 =	vld.idx.msk [tilespmem:v5+s1+$0x0], $0xffff;
	v3 =	vor.u32 v1, v3  }
0x1b7: {  	s11 =	sadd.s32 $0xFFFFFFFD, s16;
	v4 =	vor.u32 v0, v53  }
0x1b8: {  	v54 =	vmov s11  }
0x1b9: {  	v55 =	vshll.u32 v54, $0x3  }
0x1ba: {  	v6 =	vand.u32 $0x7C, v54;
	v7 =	vand.u32 $0xC00, v55  }
0x1bb: {  	s10 =	simm.s32 $0xE200;
	v56 =	vbroadcast v2, $0xD;
	[tilespmem:v3+s14+$0x0] =	vst.idx.msk $0xffff, v5;
	v3 =	vor.u32 v7, v6  }
0x1bc: {  	v4 =	vld.idx.msk [tilespmem:v4+s10+$0x0], $0xffff;
	v3 =	vor.u32 v1, v3  }
0x1bd: {  	s12 =	sadd.s32 $0xFFFFFFFE, s16;
	v5 =	vor.u32 v0, v56  }
0x1be: {  	v57 =	vmov s12  }
0x1bf: {  	v58 =	vshll.u32 v57, $0x3  }
0x1c0: {  	v6 =	vand.u32 $0x7D, v57;
	v7 =	vand.u32 $0xC00, v58  }
0x1c1: {  	s11 =	simm.s32 $0xEA00;
	v59 =	vbroadcast v2, $0xE;
	[tilespmem:v3+s14+$0x0] =	vst.idx.msk $0xffff, v4;
	v3 =	vor.u32 v7, v6  }
0x1c2: {  	v5 =	vld.idx.msk [tilespmem:v5+s11+$0x0], $0xffff;
	v3 =	vor.u32 v1, v3  }
0x1c3: {  	s19 =	sadd.s32 $0xFFFFFFFF, s16;
	v4 =	vor.u32 v0, v59  }
0x1c4: {  	v60 =	vmov s19  }
0x1c5: {  	v61 =	vshll.u32 v60, $0x3  }
0x1c6: {  	v6 =	vand.u32 $0x7E, v60;
	v7 =	vand.u32 $0xC00, v61  }
0x1c7: {  	s12 =	simm.s32 $0xF200;
	v2 =	vbroadcast v2, $0xF;
	[tilespmem:v3+s14+$0x0] =	vst.idx.msk $0xffff, v5;
	v3 =	vor.u32 v7, v6  }
0x1c8: {  	v4 =	vld.idx.msk [tilespmem:v4+s12+$0x0], $0xffff;
	v3 =	vor.u32 v1, v3  }
0x1c9: {  	v2 =	vor.u32 v0, v2  }
0x1ca: {  	v62 =	vmov s16  }
0x1cb: {  	v63 =	vshll.u32 v62, $0x3  }
0x1cc: {  	v5 =	vand.u32 $0x7F, v62;
	v6 =	vand.u32 $0xC00, v63  }
0x1cd: {  	s19 =	simm.s32 $0xFA00;
	[tilespmem:v3+s14+$0x0] =	vst.idx.msk $0xffff, v4;
	v3 =	vor.u32 v6, v5  }
0x1ce: {  	v2 =	vld.idx.msk [tilespmem:v2+s19+$0x0], $0xffff;
	v3 =	vor.u32 v1, v3  }
.Ltmp3:
0x1cf: {  	_ = 	snop;
	(pc) =	sbr.rel @p0 .LBB2_6-.Ltmp3, $2  }
0x1d0: {  	_ =	sdelay $0x2  }
0x1d1: {  	[tilespmem:v3+s14+$0x0] =	vst.idx.msk $0xffff, v2  }
0x1d2: {  	v2 =	vld [tilespmem:s17+$0x10];
	_ =	sdelay $0x4  }
0x1d3: {  	s18 =	rddreg [dreg:$0x0];
	v2 =	vand.u32 $0xFFFFFF80, v2  }
0x1d4: {  	v2 =	vadd.s32 s18, v2  }
0x1d5: {  	(v2sf) =	vpush v2, $0x0;
	_ =	sdelay $0x1  }
0x1d6: {  	(v2sf) =	vpush v2, $0x1;
	_ =	sdelay $0x1  }
0x1d7: {  	(v2sf) =	vpush v2, $0x2;
	_ =	sdelay $0x1  }
0x1d8: {  	(v2sf) =	vpush v2, $0x3;
	_ =	sdelay $0x1  }
0x1d9: {  	(v2sf) =	vpush v2, $0x4;
	_ =	sdelay $0x1  }
0x1da: {  	(v2sf) =	vpush v2, $0x5;
	_ =	sdelay $0x1  }
0x1db: {  	(v2sf) =	vpush v2, $0x6;
	_ =	sdelay $0x1  }
0x1dc: {  	(v2sf) =	vpush v2, $0x7  }
0x1dd: {  	s18 =	spop (v2sf)  }
0x1de: {  	(v2sf) =	vpush v2, $0x8;
	[tilespmem:s28], [sflag:$0x2] =	stream.strided.gather [hbm4b:s18+s8], $0x800, s9, s8, $0x38;
	[tilespmem:$0x12200] =	vst v63  }
0x1df: {  	s28 =	spop (v2sf)  }
0x1e0: {  	(v2sf) =	vpush v2, $0x9;
	[tilespmem:s29], [sflag:$0x2] =	stream.strided.gather [hbm4b:s28+s8], $0x800, s9, s8, $0x38;
	[tilespmem:$0x12200] =	vst v63  }
0x1e1: {  	s29 =	spop (v2sf)  }
0x1e2: {  	(v2sf) =	vpush v2, $0xA;
	[tilespmem:s30], [sflag:$0x2] =	stream.strided.gather [hbm4b:s29+s8], $0x800, s9, s8, $0x38;
	[tilespmem:$0x12200] =	vst v63  }
0x1e3: {  	s30 =	spop (v2sf)  }
0x1e4: {  	(v2sf) =	vpush v2, $0xB;
	[tilespmem:s31], [sflag:$0x2] =	stream.strided.gather [hbm4b:s30+s8], $0x800, s9, s8, $0x38;
	[tilespmem:$0x12200] =	vst v63  }
0x1e5: {  	s31 =	spop (v2sf)  }
0x1e6: {  	(v2sf) =	vpush v2, $0xC;
	[tilespmem:s0], [sflag:$0x2] =	stream.strided.gather [hbm4b:s31+s8], $0x800, s9, s8, $0x38;
	[tilespmem:$0x12200] =	vst v63  }
0x1e7: {  	s0 =	spop (v2sf)  }
0x1e8: {  	(v2sf) =	vpush v2, $0xD;
	[tilespmem:s2], [sflag:$0x2] =	stream.strided.gather [hbm4b:s0+s8], $0x800, s9, s8, $0x38;
	[tilespmem:$0x12200] =	vst v63  }
0x1e9: {  	s2 =	spop (v2sf)  }
0x1ea: {  	[tilespmem:s3], [sflag:$0x2] =	stream.strided.gather [hbm4b:s2+s8], $0x800, s9, s8, $0x38;
	[tilespmem:$0x12200] =	vst v63  }
0x1eb: {  	(v2sf) =	vpush v2, $0xE;
	s3 =	spop (v2sf)  }
0x1ec: {  	[tilespmem:s4], [sflag:$0x2] =	stream.strided.gather [hbm4b:s3+s8], $0x800, s9, s8, $0x38;
	[tilespmem:$0x12200] =	vst v63  }
0x1ed: {  	(v2sf) =	vpush v2, $0xF;
	s4 =	spop (v2sf)  }
0x1ee: {  	[tilespmem:s5], [sflag:$0x2] =	stream.strided.gather [hbm4b:s4+s8], $0x800, s9, s8, $0x38;
	[tilespmem:$0x12200] =	vst v63  }
0x1ef: {  	s5 =	spop (v2sf)  }
0x1f0: {  	[tilespmem:s6], [sflag:$0x2] =	stream.strided.gather [hbm4b:s5+s8], $0x800, s9, s8, $0x38;
	[tilespmem:$0x12200] =	vst v63  }
0x1f1: {  	s6 =	spop (v2sf)  }
0x1f2: {  	[tilespmem:s7], [sflag:$0x2] =	stream.strided.gather [hbm4b:s6+s8], $0x800, s9, s8, $0x38;
	[tilespmem:$0x12200] =	vst v63  }
0x1f3: {  	s7 =	spop (v2sf)  }
0x1f4: {  	[tilespmem:s1], [sflag:$0x2] =	stream.strided.gather [hbm4b:s7+s8], $0x800, s9, s8, $0x38;
	[tilespmem:$0x12200] =	vst v63  }
0x1f5: {  	s28 =	spop (v2sf)  }
0x1f6: {  	[tilespmem:s10], [sflag:$0x2] =	stream.strided.gather [hbm4b:s28+s8], $0x800, s9, s8, $0x38;
	[tilespmem:$0x12200] =	vst v63  }
0x1f7: {  	s29 =	spop (v2sf)  }
0x1f8: {  	[tilespmem:s11], [sflag:$0x2] =	stream.strided.gather [hbm4b:s29+s8], $0x800, s9, s8, $0x38;
	[tilespmem:$0x12200] =	vst v63  }
.Ltmp4:
0x1f9: {  	_ = 	snop;
	(pc) =	sbr.rel .LBB2_2-.Ltmp4, $4  }
0x1fa: {  	s30 =	spop (v2sf)  }
0x1fb: {  	[tilespmem:s12], [sflag:$0x2] =	stream.strided.gather [hbm4b:s30+s8], $0x800, s9, s8, $0x38;
	[tilespmem:$0x12200] =	vst v63  }
0x1fc: {  	s16 =	sadd.s32 $0x20, s16;
	s17 =	sadd.s32 $0x20, s17;
	s31 =	spop (v2sf)  }
0x1fd: {  	[tilespmem:s19], [sflag:$0x2] =	stream.strided.gather [hbm4b:s31+s8], $0x800, s9, s8, $0x38;
	[tilespmem:$0x12200] =	vst v63  }
.LBB2_7:
0x1fe: {  	_ =	sfence.sel $0x180000  }
0x1ff: {  	[bflag:$0x0] =	sbarrier.arrive $0xFFFF  }
0x200: {  	_ =	strace $0x90000047  }
0x201: {  	s0 =	stileid.u32;
	[bflag:$0x2] =	sbarrier.arrive $0xFFFF  }
0x202: {  	p0 =	sne.s32 s0, $0x0;
	s0 =	rddreg [dreg:$0x3]  }
0x203: {  	s0 =	sadd.s32 @!p0 $0x100000, s0  }
0x204: {  	[sflag:s0] =	ssyncadd.tile.s32 @!p0 $0x1;
	_ =	shalt  }
.Lfunc_end2:
_tile_overlayer_lowered:
.L_overlay_start_2:
0x205: {  	(tag) =	ssettag $0x2  }
0x206: {  	s0 =	rddreg [dreg:$0x0];
	s2 =	stileid.u32  }
0x207: {  	s1 =	rddreg [dreg:$0x1];
	p0 =	sne.s32 s2, $0x0  }
0x208: {  	s3 =	rddreg [dreg:$0x2];
	[bflag:$0x3] =	sbarrier.arrive $0xFFFF;
	s2 =	simm.s32 @!p0 $0x1C03  }
0x209: {  	[timem:s3], [sflag:s2] =	dma.local @!p0 [hbm:s0], s1  }
0x20a: {  	s0 =	simm.s32 @!p0 $0x3  }
0x20b: {  	_ =	swait.ge @!p0 [sflag:s0], s1  }
0x20c: {  	s1 =	ssub.s32 @!p0 $0x0, s1;
	[sflag:s0] =	ssyncset.done @!p0 $0x0  }
0x20d: {  	[sflag:s0] =	ssyncadd.s32 @!p0 s1  }
0x20e: {  	[bflag:$0x3] =	sbarrier.arrive $0xFFFF  }
0x20f: {  	_ =	shalt  }

</sc_bundles>
